<compile_context>
chip_gen: v7x
topology: tpu7x:2x2x1
jax: 0.10.2.dev20260603
libtpu: 0.0.44.dev20260713+nightly
codegen_flags: <defaults>
</compile_context>

<pallas_src>
import jax
import jax.numpy as jnp
from jax import lax
from jax.experimental import pallas as pl
from jax.experimental.pallas import tpu as pltpu
from jax.experimental.pallas import tpu_sc as plsc

NC = 2
NS = 16
NW = NC * NS


def _mesh():
    return plsc.VectorSubcoreMesh(
        core_axis_name="c", subcore_axis_name="s", num_cores=NC, num_subcores=NS
    )


def _deg_kernel(dst, zeros_hist, npad):
    e = dst.shape[0]
    ept = e // NW
    rpt = npad // NS
    half = npad // 2
    nlane = 16

    unroll = 5

    def body(dst_hbm, zh_hbm, out_hbm, dstv, hist, degv, tmp, outv, slots):
        c = lax.axis_index("c")
        s = lax.axis_index("s")
        wid = s * NC + c
        ones16 = jnp.full((nlane,), 1.0, jnp.float32)
        lane_ids = lax.iota(jnp.int32, nlane)
        lane_off = (lane_ids % 8) * npad
        m_lo = lane_ids < 8
        m_hi = lane_ids >= 8

        pltpu.sync_copy(dst_hbm.at[pl.ds(wid * ept, ept)], dstv)
        pltpu.sync_copy(zh_hbm, hist)

        def chunk(i, carry):
            for u in range(unroll):
                dv = dstv[pl.ds((i * unroll + u) * nlane, nlane)]
                idx = dv + lane_off
                plsc.addupdate_scatter(hist, [idx], ones16, mask=m_lo)
                plsc.addupdate_scatter(hist, [idx], ones16, mask=m_hi)
            return carry

        lax.fori_loop(0, ept // (nlane * unroll), chunk, 0)

        def reduce_blk(mb, carry):
            for u in range(2):
                acc = jnp.zeros((nlane,), jnp.float32)
                for l in range(8):
                    acc = acc + hist[pl.ds(l * npad + (2 * mb + u) * nlane, nlane)]
                degv[pl.ds((2 * mb + u) * nlane, nlane)] = acc
            return carry

        lax.fori_loop(0, npad // nlane // 2, reduce_blk, 0)

        pltpu.sync_copy(degv, slots.at[pl.ds(s * npad, npad)])
        plsc.subcore_barrier()
        for t in range(NS):
            pltpu.sync_copy(
                slots.at[pl.ds(t * npad + s * rpt, rpt)],
                tmp.at[pl.ds(t * rpt, rpt)],
            )

        def reduce_tiles(mb, carry):
            acc = jnp.zeros((nlane,), jnp.float32)
            for t in range(NS):
                acc = acc + tmp[pl.ds(t * rpt + mb * nlane, nlane)]
            outv[pl.ds(mb * nlane, nlane)] = acc
            return carry

        lax.fori_loop(0, rpt // nlane, reduce_tiles, 0)
        pltpu.sync_copy(outv, out_hbm.at[pl.ds(c * npad + s * rpt, rpt)])

    f = pl.kernel(
        body,
        out_type=jax.ShapeDtypeStruct((NC * npad,), jnp.float32),
        mesh=_mesh(),
        compiler_params=pltpu.CompilerParams(needs_layout_passes=False),
        scratch_types=[
            pltpu.VMEM((ept,), jnp.int32),
            pltpu.VMEM((nlane * half,), jnp.float32),
            pltpu.VMEM((npad,), jnp.float32),
            pltpu.VMEM((NS * rpt,), jnp.float32),
            pltpu.VMEM((rpt,), jnp.float32),
            pltpu.VMEM_SHARED((NS * npad,), jnp.float32),
        ],
    )
    return f(dst, zeros_hist)


CH = 125


def _spmm_kernel(table, src2, dst2, zeros_feat):
    n, d = table.shape
    nrows = src2.shape[0]
    cpt = nrows // NW
    rpt = n // NS

    def body(tab_hbm, src_hbm, dst_hbm, zeros_hbm, out_hbm,
             sidx, didx, rows0, rows1, gsem0, gsem1, ssem0, ssem1, acc):
        c = lax.axis_index("c")
        s = lax.axis_index("s")
        wid = s * NC + c
        @pl.when(c == 0)
        def _():
            pltpu.sync_copy(
                tab_hbm.at[pl.ds(s * rpt, rpt)], acc.at[pl.ds(s * rpt, rpt)]
            )
        @pl.when(c != 0)
        def _():
            pltpu.sync_copy(
                zeros_hbm.at[pl.ds(s * rpt, rpt)], acc.at[pl.ds(s * rpt, rpt)]
            )
        plsc.subcore_barrier()

        rows = (rows0, rows1)
        gsems = (gsem0, gsem1)
        ssems = (ssem0, ssem1)
        hcpt = cpt // 2

        def wait_gather(j, b):
            pltpu.make_async_copy(tab_hbm.at[sidx.at[j]], rows[b], gsems[b]).wait()

        def wait_scatter(j, b):
            pltpu.make_async_copy(rows[b], acc.at[didx.at[j]], ssems[b]).wait()

        for h in range(2):
            pltpu.sync_copy(src_hbm.at[pl.ds(wid * cpt + h * hcpt, hcpt)], sidx)
            pltpu.sync_copy(dst_hbm.at[pl.ds(wid * cpt + h * hcpt, hcpt)], didx)
            pltpu.async_copy(tab_hbm.at[sidx.at[0]], rows0, gsem0)
            wait_gather(0, 0)
            pltpu.async_copy(tab_hbm.at[sidx.at[1]], rows1, gsem1)
            pltpu.async_copy(rows0, acc.at[didx.at[0]], ssem0, add=True)

            def group(g, carry):
                for u in range(2):
                    j = 2 * g + 1 + u
                    b = 1 - u
                    nb = u
                    wait_gather(j, b)
                    wait_scatter(j - 1, nb)
                    pltpu.async_copy(tab_hbm.at[sidx.at[j + 1]], rows[nb], gsems[nb])
                    pltpu.async_copy(rows[b], acc.at[didx.at[j]], ssems[b], add=True)
                return carry

            lax.fori_loop(0, (hcpt - 2) // 2, group, 0)
            wait_gather(hcpt - 1, 1)
            wait_scatter(hcpt - 2, 0)
            pltpu.sync_copy(rows1, acc.at[didx.at[hcpt - 1]], add=True)
        plsc.subcore_barrier()
        pltpu.sync_copy(
            acc.at[pl.ds(s * rpt, rpt)],
            out_hbm.at[pl.ds(c * n + s * rpt, rpt)],
        )

    f = pl.kernel(
        body,
        out_type=jax.ShapeDtypeStruct((NC * n, d), jnp.float32),
        mesh=_mesh(),
        scratch_types=[
            pltpu.VMEM((cpt // 2, CH), jnp.int32),
            pltpu.VMEM((cpt // 2, CH), jnp.int32),
            pltpu.VMEM((CH, d), jnp.float32),
            pltpu.VMEM((CH, d), jnp.float32),
            pltpu.SemaphoreType.DMA,
            pltpu.SemaphoreType.DMA,
            pltpu.SemaphoreType.DMA,
            pltpu.SemaphoreType.DMA,
            pltpu.VMEM_SHARED((n, d), jnp.float32),
        ],
    )
    return f(table, src2, dst2, zeros_feat)


_BR = 640
_NB = 16


def _scale_body(d0_ref, d1_ref, x_ref, dinv_ref, xs_ref):
    deg = d0_ref[...] + d1_ref[...] + 1.0
    dv = lax.rsqrt(jnp.maximum(deg, 1e-12))
    dinv_ref[...] = dv
    xs_ref[...] = x_ref[...] * dv


def _scale_call(degp, x, npad):
    d = x.shape[1]
    return pl.pallas_call(
        _scale_body,
        grid=(_NB,),
        in_specs=[
            pl.BlockSpec((_BR, 1), lambda i: (i, 0)),
            pl.BlockSpec((_BR, 1), lambda i: (i + _NB, 0)),
            pl.BlockSpec((_BR, d), lambda i: (i, 0)),
        ],
        out_specs=[
            pl.BlockSpec((_BR, 1), lambda i: (i, 0)),
            pl.BlockSpec((_BR, d), lambda i: (i, 0)),
        ],
        out_shape=[
            jax.ShapeDtypeStruct((npad, 1), jnp.float32),
            jax.ShapeDtypeStruct((npad, d), jnp.float32),
        ],
    )(degp, degp, x)


def _mid_body(s0_ref, s1_ref, dinv_ref, w1_ref, b1_ref, w2_ref, gs_ref):
    agg = (s0_ref[...] + s1_ref[...]) * dinv_ref[...]
    h = agg @ w1_ref[...] + b1_ref[...]
    h = jnp.maximum(h, 0.0)
    nrm = jnp.sqrt(jnp.sum(h * h, axis=1, keepdims=True))
    h = h / jnp.maximum(nrm, 1e-12)
    gs_ref[...] = (h @ w2_ref[...]) * dinv_ref[...]


def _mid_call(sp, dinv, w1, b1, w2, npad):
    d = sp.shape[1]
    dh = w1.shape[1]
    do = w2.shape[1]
    return pl.pallas_call(
        _mid_body,
        grid=(_NB,),
        in_specs=[
            pl.BlockSpec((_BR, d), lambda i: (i, 0)),
            pl.BlockSpec((_BR, d), lambda i: (i + _NB, 0)),
            pl.BlockSpec((_BR, 1), lambda i: (i, 0)),
            pl.BlockSpec((d, dh), lambda i: (0, 0)),
            pl.BlockSpec((1, dh), lambda i: (0, 0)),
            pl.BlockSpec((dh, do), lambda i: (0, 0)),
        ],
        out_specs=pl.BlockSpec((_BR, do), lambda i: (i, 0)),
        out_shape=jax.ShapeDtypeStruct((npad, do), jnp.float32),
    )(sp, sp, dinv, w1, b1, w2)


def _final_body(t0_ref, t1_ref, dinv_ref, b2_ref, out_ref):
    out_ref[...] = (t0_ref[...] + t1_ref[...]) * dinv_ref[...] + b2_ref[...]


def _final_call(tp, dinv, b2, npad, d):
    return pl.pallas_call(
        _final_body,
        grid=(_NB,),
        in_specs=[
            pl.BlockSpec((_BR, d), lambda i: (i, 0)),
            pl.BlockSpec((_BR, d), lambda i: (i + _NB, 0)),
            pl.BlockSpec((_BR, 1), lambda i: (i, 0)),
            pl.BlockSpec((1, d), lambda i: (0, 0)),
        ],
        out_specs=pl.BlockSpec((_BR, d), lambda i: (i, 0)),
        out_shape=jax.ShapeDtypeStruct((npad, d), jnp.float32),
    )(tp, tp, dinv, b2)


def kernel(x, edge_index, W1, b1, W2, b2):
    n, d_in = x.shape
    e = edge_index.shape[1]
    assert e % (NW * CH) == 0 and (e // CH // NW) % 2 == 0 and n % NS == 0

    src = edge_index[0]
    dst = edge_index[1]
    src2 = src.reshape(e // CH, CH)
    dst2 = dst.reshape(e // CH, CH)

    npad = ((n + NS * 16 - 1) // (NS * 16)) * (NS * 16)
    zeros_hist = jnp.zeros((16 * (npad // 2),), jnp.float32)
    zeros_feat = jnp.zeros((npad, d_in), jnp.float32)

    degp = _deg_kernel(dst, zeros_hist, npad)

    dinv, xs = _scale_call(degp.reshape(NC * npad, 1), x, npad)

    sp = _spmm_kernel(xs, src2, dst2, zeros_feat)

    gs = _mid_call(sp, dinv, W1, b1.reshape(1, -1), W2, npad)

    tp = _spmm_kernel(gs, src2, dst2, zeros_feat)

    out = _final_call(tp, dinv, b2.reshape(1, -1), npad, gs.shape[1])
    return lax.slice(out, (0, 0), (n, gs.shape[1]))

# --- scband reference (transcript-rebuilt; emitter-appended) ---
"""Pipeline reference for scband-gcnencoder-7413113553701 (READ-ONLY COPY).

The authoritative reference and input builder live on the scoring server;
editing this copy changes nothing except your own understanding.
"""

import jax, jax.numpy as jnp
import numpy as np

N = 10000
E = 320000
D_IN = 128
D_HID = 256
D_OUT = 128


def gcn_conv(x, edge_index, W, b):
    n = x.shape[0]
    src = edge_index[0]
    dst = edge_index[1]
    loop = jnp.arange(n, dtype=src.dtype)
    src = jnp.concatenate([src, loop])
    dst = jnp.concatenate([dst, loop])
    deg = jax.ops.segment_sum(jnp.ones(src.shape[0], dtype=x.dtype), dst, num_segments=n)
    dinv = jax.lax.rsqrt(jnp.maximum(deg, 1e-12))
    coef = dinv[src] * dinv[dst]
    msg = jnp.take(x, src, axis=0) * coef[:, None]
    agg = jax.ops.segment_sum(msg, dst, num_segments=n)
    return agg @ W + b


def setup_inputs(seed: int = 0) -> dict:
    key = jax.random.key(seed)
    k1, k2, k3, k4, k5, k6 = jax.random.split(key, 6)
    x = jax.random.normal(k1, (N, D_IN), dtype=jnp.float32)
    edge_index = jax.random.randint(k2, (2, E), 0, N, dtype=jnp.int32)
    W1 = jax.random.normal(k3, (D_IN, D_HID), dtype=jnp.float32) * (1.0 / np.sqrt(D_IN))
    b1 = jnp.zeros((D_HID,), dtype=jnp.float32)
    W2 = jax.random.normal(k4, (D_HID, D_OUT), dtype=jnp.float32) * (1.0 / np.sqrt(D_HID))
    b2 = jnp.zeros((D_OUT,), dtype=jnp.float32)
    return {"x": x, "edge_index": edge_index, "W1": W1, "b1": b1, "W2": W2, "b2": b2}


def reference(x, edge_index, W1, b1, W2, b2):
    h = gcn_conv(x, edge_index, W1, b1)
    h = jax.nn.relu(h)
    # F.normalize(p=2, dim=-1)
    nrm = jnp.sqrt(jnp.sum(h * h, axis=-1, keepdims=True))
    h = h / jnp.maximum(nrm, 1e-12)
    # dropout is identity in eval mode
    return gcn_conv(h, edge_index, W2, b2)

if __name__ == "__main__":
    import jax
    _d = setup_inputs()
    print(jax.jit(kernel)(*tuple(_d.values())))

</pallas_src>

<mosaic_0001>
#map = affine_map<(d0, d1) -> (0, 0)>
module attributes {stable_mosaic.version = 14 : i64} {
  func.func @body(%arg0: i32, %arg1: i32, %arg2: memref<10240x128xf32, #tpu.memory_space<hbm>>, %arg3: memref<2560x125xi32, #tpu.memory_space<hbm>>, %arg4: memref<2560x125xi32, #tpu.memory_space<hbm>>, %arg5: memref<10240x128xf32, #tpu.memory_space<hbm>>, %arg6: memref<20480x128xf32, #tpu.memory_space<hbm>>, %arg7: memref<40x125xi32, #tpu.memory_space<vmem>>, %arg8: memref<40x125xi32, #tpu.memory_space<vmem>>, %arg9: memref<125x128xf32, #tpu.memory_space<vmem>>, %arg10: memref<125x128xf32, #tpu.memory_space<vmem>>, %arg11: memref<!tpu.dma_semaphore, #tpu.memory_space<semaphore_mem>>, %arg12: memref<!tpu.dma_semaphore, #tpu.memory_space<semaphore_mem>>, %arg13: memref<!tpu.dma_semaphore, #tpu.memory_space<semaphore_mem>>, %arg14: memref<!tpu.dma_semaphore, #tpu.memory_space<semaphore_mem>>, %arg15: memref<10240x128xf32, #tpu.memory_space<vmem_shared>>) attributes {dimension_semantics = [#tpu.dimension_semantics<core_parallel>, #tpu.dimension_semantics<subcore_parallel>], iteration_bounds = array<i64: 2, 16>, scalar_prefetch = 0 : i64, scratch_operands = 9 : i64, tpu.core_type = #tpu.core_type<sc_vector_subcore>, window_params = [{transform_indices = #map}, {transform_indices = #map}, {transform_indices = #map}, {transform_indices = #map}, {transform_indices = #map}]} {
    %mul3A = arith.constant 2 : i32
    %mul3A_0 = arith.muli %arg1, %mul3A : i32
    %add3A = arith.addi %mul3A_0, %arg0 : i32
    %eq3A = arith.constant 0 : i32
    %eq3A_1 = arith.cmpi eq, %arg0, %eq3A : i32
    %convert_element_type3A = arith.extui %eq3A_1 : i1 to i32
    %cond3A = arith.constant 0 : i32
    %cond3A_2 = arith.cmpi ne, %convert_element_type3A, %cond3A : i32
    scf.if %cond3A_2 {
      %mul3A_125 = arith.constant 640 : i32
      %mul3A_126 = arith.muli %arg1, %mul3A_125 : i32
      %mul3A_127 = arith.constant 640 : i32
      %mul3A_128 = arith.muli %arg1, %mul3A_127 : i32
      "tpu.region"() ({
        %run_scoped3A_129 = tpu.sem_alloc : memref<!tpu.dma_semaphore, #tpu.memory_space<semaphore_mem>>
        %dma_start3A_130 = arith.constant 0 : i32
        %dma_start3A_131 = tpu.memref_slice %arg15[%mul3A_128, %dma_start3A_130] : memref<10240x128xf32, #tpu.memory_space<vmem_shared>> -> memref<640x128xf32, #tpu.memory_space<vmem_shared>>
        %dma_start3A_132 = arith.constant 0 : i32
        %dma_start3A_133 = tpu.memref_slice %arg2[%mul3A_126, %dma_start3A_132] : memref<10240x128xf32, #tpu.memory_space<hbm>> -> memref<640x128xf32, #tpu.memory_space<hbm>>
        tpu.enqueue_dma source(%dma_start3A_133 : memref<640x128xf32, #tpu.memory_space<hbm>>) target(%dma_start3A_131 : memref<640x128xf32, #tpu.memory_space<vmem_shared>>) target_semaphore(%run_scoped3A_129 : memref<!tpu.dma_semaphore, #tpu.memory_space<semaphore_mem>>)
        %dma_wait3A_134 = arith.constant 0 : i32
        %dma_wait3A_135 = tpu.memref_slice %arg15[%mul3A_128, %dma_wait3A_134] : memref<10240x128xf32, #tpu.memory_space<vmem_shared>> -> memref<640x128xf32, #tpu.memory_space<vmem_shared>>
        %dma_wait3A_136 = arith.constant 0 : i32
        %dma_wait3A_137 = tpu.memref_slice %arg2[%mul3A_126, %dma_wait3A_136] : memref<10240x128xf32, #tpu.memory_space<hbm>> -> memref<640x128xf32, #tpu.memory_space<hbm>>
        tpu.wait_dma2 semaphore(%run_scoped3A_129 : memref<!tpu.dma_semaphore, #tpu.memory_space<semaphore_mem>>) src(%dma_wait3A_137 : memref<640x128xf32, #tpu.memory_space<hbm>>) dst(%dma_wait3A_135 : memref<640x128xf32, #tpu.memory_space<vmem_shared>>)
        tpu.yield
      }) : () -> ()
    } else {
    }
    %ne3A = arith.constant 0 : i32
    %ne3A_3 = arith.cmpi ne, %arg0, %ne3A : i32
    %convert_element_type3A_4 = arith.extui %ne3A_3 : i1 to i32
    %cond3A_5 = arith.constant 0 : i32
    %cond3A_6 = arith.cmpi ne, %convert_element_type3A_4, %cond3A_5 : i32
    scf.if %cond3A_6 {
      %mul3A_125 = arith.constant 640 : i32
      %mul3A_126 = arith.muli %arg1, %mul3A_125 : i32
      %mul3A_127 = arith.constant 640 : i32
      %mul3A_128 = arith.muli %arg1, %mul3A_127 : i32
      "tpu.region"() ({
        %run_scoped3A_129 = tpu.sem_alloc : memref<!tpu.dma_semaphore, #tpu.memory_space<semaphore_mem>>
        %dma_start3A_130 = arith.constant 0 : i32
        %dma_start3A_131 = tpu.memref_slice %arg15[%mul3A_128, %dma_start3A_130] : memref<10240x128xf32, #tpu.memory_space<vmem_shared>> -> memref<640x128xf32, #tpu.memory_space<vmem_shared>>
        %dma_start3A_132 = arith.constant 0 : i32
        %dma_start3A_133 = tpu.memref_slice %arg5[%mul3A_126, %dma_start3A_132] : memref<10240x128xf32, #tpu.memory_space<hbm>> -> memref<640x128xf32, #tpu.memory_space<hbm>>
        tpu.enqueue_dma source(%dma_start3A_133 : memref<640x128xf32, #tpu.memory_space<hbm>>) target(%dma_start3A_131 : memref<640x128xf32, #tpu.memory_space<vmem_shared>>) target_semaphore(%run_scoped3A_129 : memref<!tpu.dma_semaphore, #tpu.memory_space<semaphore_mem>>)
        %dma_wait3A_134 = arith.constant 0 : i32
        %dma_wait3A_135 = tpu.memref_slice %arg15[%mul3A_128, %dma_wait3A_134] : memref<10240x128xf32, #tpu.memory_space<vmem_shared>> -> memref<640x128xf32, #tpu.memory_space<vmem_shared>>
        %dma_wait3A_136 = arith.constant 0 : i32
        %dma_wait3A_137 = tpu.memref_slice %arg5[%mul3A_126, %dma_wait3A_136] : memref<10240x128xf32, #tpu.memory_space<hbm>> -> memref<640x128xf32, #tpu.memory_space<hbm>>
        tpu.wait_dma2 semaphore(%run_scoped3A_129 : memref<!tpu.dma_semaphore, #tpu.memory_space<semaphore_mem>>) src(%dma_wait3A_137 : memref<640x128xf32, #tpu.memory_space<hbm>>) dst(%dma_wait3A_135 : memref<640x128xf32, #tpu.memory_space<vmem_shared>>)
        tpu.yield
      }) : () -> ()
    } else {
    }
    %barrier3A = arith.constant 0 : index
    tpu.barrier barrier_id(%barrier3A)
    %mul3A_7 = arith.constant 80 : i32
    %mul3A_8 = arith.muli %add3A, %mul3A_7 : i32
    %add3A_9 = arith.constant 0 : i32
    %add3A_10 = arith.addi %mul3A_8, %add3A_9 : i32
    "tpu.region"() ({
      %run_scoped3A_125 = tpu.sem_alloc : memref<!tpu.dma_semaphore, #tpu.memory_space<semaphore_mem>>
      %dma_start3A_126 = arith.constant 0 : i32
      %dma_start3A_127 = tpu.memref_slice %arg3[%add3A_10, %dma_start3A_126] : memref<2560x125xi32, #tpu.memory_space<hbm>> -> memref<40x125xi32, #tpu.memory_space<hbm>>
      %dma_start3A_128 = arith.constant 0 : i32
      %dma_start3A_129 = tpu.memref_slice %arg3[%add3A_10, %dma_start3A_128] : memref<2560x125xi32, #tpu.memory_space<hbm>> -> memref<40x125xi32, #tpu.memory_space<hbm>>
      tpu.enqueue_dma source(%dma_start3A_129 : memref<40x125xi32, #tpu.memory_space<hbm>>) target(%arg7 : memref<40x125xi32, #tpu.memory_space<vmem>>) target_semaphore(%run_scoped3A_125 : memref<!tpu.dma_semaphore, #tpu.memory_space<semaphore_mem>>)
      %dma_wait3A_130 = arith.constant 0 : i32
      %dma_wait3A_131 = tpu.memref_slice %arg3[%add3A_10, %dma_wait3A_130] : memref<2560x125xi32, #tpu.memory_space<hbm>> -> memref<40x125xi32, #tpu.memory_space<hbm>>
      %dma_wait3A_132 = arith.constant 0 : i32
      %dma_wait3A_133 = tpu.memref_slice %arg3[%add3A_10, %dma_wait3A_132] : memref<2560x125xi32, #tpu.memory_space<hbm>> -> memref<40x125xi32, #tpu.memory_space<hbm>>
      tpu.wait_dma2 semaphore(%run_scoped3A_125 : memref<!tpu.dma_semaphore, #tpu.memory_space<semaphore_mem>>) src(%dma_wait3A_133 : memref<40x125xi32, #tpu.memory_space<hbm>>) dst(%arg7 : memref<40x125xi32, #tpu.memory_space<vmem>>)
      tpu.yield
    }) : () -> ()
    %mul3A_11 = arith.constant 80 : i32
    %mul3A_12 = arith.muli %add3A, %mul3A_11 : i32
    %add3A_13 = arith.constant 0 : i32
    %add3A_14 = arith.addi %mul3A_12, %add3A_13 : i32
    "tpu.region"() ({
      %run_scoped3A_125 = tpu.sem_alloc : memref<!tpu.dma_semaphore, #tpu.memory_space<semaphore_mem>>
      %dma_start3A_126 = arith.constant 0 : i32
      %dma_start3A_127 = tpu.memref_slice %arg4[%add3A_14, %dma_start3A_126] : memref<2560x125xi32, #tpu.memory_space<hbm>> -> memref<40x125xi32, #tpu.memory_space<hbm>>
      %dma_start3A_128 = arith.constant 0 : i32
      %dma_start3A_129 = tpu.memref_slice %arg4[%add3A_14, %dma_start3A_128] : memref<2560x125xi32, #tpu.memory_space<hbm>> -> memref<40x125xi32, #tpu.memory_space<hbm>>
      tpu.enqueue_dma source(%dma_start3A_129 : memref<40x125xi32, #tpu.memory_space<hbm>>) target(%arg8 : memref<40x125xi32, #tpu.memory_space<vmem>>) target_semaphore(%run_scoped3A_125 : memref<!tpu.dma_semaphore, #tpu.memory_space<semaphore_mem>>)
      %dma_wait3A_130 = arith.constant 0 : i32
      %dma_wait3A_131 = tpu.memref_slice %arg4[%add3A_14, %dma_wait3A_130] : memref<2560x125xi32, #tpu.memory_space<hbm>> -> memref<40x125xi32, #tpu.memory_space<hbm>>
      %dma_wait3A_132 = arith.constant 0 : i32
      %dma_wait3A_133 = tpu.memref_slice %arg4[%add3A_14, %dma_wait3A_132] : memref<2560x125xi32, #tpu.memory_space<hbm>> -> memref<40x125xi32, #tpu.memory_space<hbm>>
      tpu.wait_dma2 semaphore(%run_scoped3A_125 : memref<!tpu.dma_semaphore, #tpu.memory_space<semaphore_mem>>) src(%dma_wait3A_133 : memref<40x125xi32, #tpu.memory_space<hbm>>) dst(%arg8 : memref<40x125xi32, #tpu.memory_space<vmem>>)
      tpu.yield
    }) : () -> ()
    %dma_start3A = arith.constant 0 : i32
    %dma_start3A_15 = arith.constant 0 : i32
    %dma_start3A_16 = tpu.memref_slice %arg7[%dma_start3A, %dma_start3A_15] : memref<40x125xi32, #tpu.memory_space<vmem>> -> memref<1x125xi32, #tpu.memory_space<vmem>>
    %dma_start3A_17 = tpu.memref_squeeze %dma_start3A_16 : memref<1x125xi32, #tpu.memory_space<vmem>> -> memref<125xi32, #tpu.memory_space<vmem>>
    %dma_start3A_18 = arith.constant 0 : i32
    %dma_start3A_19 = arith.constant 0 : i32
    %dma_start3A_20 = tpu.memref_slice %arg2[%dma_start3A_18, %dma_start3A_19] : memref<10240x128xf32, #tpu.memory_space<hbm>> -> memref<10240x128xf32, #tpu.memory_space<hbm>>
    tpu.enqueue_indirect_dma source(%dma_start3A_20 : memref<10240x128xf32, #tpu.memory_space<hbm>>) target(%arg9 : memref<125x128xf32, #tpu.memory_space<vmem>>) offsets(%dma_start3A_17 : memref<125xi32, #tpu.memory_space<vmem>>) semaphore(%arg11 : memref<!tpu.dma_semaphore, #tpu.memory_space<semaphore_mem>>)
    %dma_wait3A = arith.constant 0 : i32
    %dma_wait3A_21 = arith.constant 0 : i32
    %dma_wait3A_22 = tpu.memref_slice %arg7[%dma_wait3A, %dma_wait3A_21] : memref<40x125xi32, #tpu.memory_space<vmem>> -> memref<1x125xi32, #tpu.memory_space<vmem>>
    %dma_wait3A_23 = tpu.memref_squeeze %dma_wait3A_22 : memref<1x125xi32, #tpu.memory_space<vmem>> -> memref<125xi32, #tpu.memory_space<vmem>>
    %dma_wait3A_24 = arith.constant 0 : i32
    %dma_wait3A_25 = arith.constant 0 : i32
    %dma_wait3A_26 = tpu.memref_slice %arg2[%dma_wait3A_24, %dma_wait3A_25] : memref<10240x128xf32, #tpu.memory_space<hbm>> -> memref<10240x128xf32, #tpu.memory_space<hbm>>
    tpu.wait_indirect_dma semaphore(%arg11 : memref<!tpu.dma_semaphore, #tpu.memory_space<semaphore_mem>>) src(%dma_wait3A_26 : memref<10240x128xf32, #tpu.memory_space<hbm>>) dst(%arg9 : memref<125x128xf32, #tpu.memory_space<vmem>>)
    %dma_start3A_27 = arith.constant 1 : i32
    %dma_start3A_28 = arith.constant 0 : i32
    %dma_start3A_29 = tpu.memref_slice %arg7[%dma_start3A_27, %dma_start3A_28] : memref<40x125xi32, #tpu.memory_space<vmem>> -> memref<1x125xi32, #tpu.memory_space<vmem>>
    %dma_start3A_30 = tpu.memref_squeeze %dma_start3A_29 : memref<1x125xi32, #tpu.memory_space<vmem>> -> memref<125xi32, #tpu.memory_space<vmem>>
    %dma_start3A_31 = arith.constant 0 : i32
    %dma_start3A_32 = arith.constant 0 : i32
    %dma_start3A_33 = tpu.memref_slice %arg2[%dma_start3A_31, %dma_start3A_32] : memref<10240x128xf32, #tpu.memory_space<hbm>> -> memref<10240x128xf32, #tpu.memory_space<hbm>>
    tpu.enqueue_indirect_dma source(%dma_start3A_33 : memref<10240x128xf32, #tpu.memory_space<hbm>>) target(%arg10 : memref<125x128xf32, #tpu.memory_space<vmem>>) offsets(%dma_start3A_30 : memref<125xi32, #tpu.memory_space<vmem>>) semaphore(%arg12 : memref<!tpu.dma_semaphore, #tpu.memory_space<semaphore_mem>>)
    %dma_start3A_34 = arith.constant 0 : i32
    %dma_start3A_35 = arith.constant 0 : i32
    %dma_start3A_36 = tpu.memref_slice %arg8[%dma_start3A_34, %dma_start3A_35] : memref<40x125xi32, #tpu.memory_space<vmem>> -> memref<1x125xi32, #tpu.memory_space<vmem>>
    %dma_start3A_37 = tpu.memref_squeeze %dma_start3A_36 : memref<1x125xi32, #tpu.memory_space<vmem>> -> memref<125xi32, #tpu.memory_space<vmem>>
    %dma_start3A_38 = arith.constant 0 : i32
    %dma_start3A_39 = arith.constant 0 : i32
    %dma_start3A_40 = tpu.memref_slice %arg15[%dma_start3A_38, %dma_start3A_39] : memref<10240x128xf32, #tpu.memory_space<vmem_shared>> -> memref<10240x128xf32, #tpu.memory_space<vmem_shared>>
    tpu.enqueue_indirect_dma source(%arg9 : memref<125x128xf32, #tpu.memory_space<vmem>>) target(%dma_start3A_40 : memref<10240x128xf32, #tpu.memory_space<vmem_shared>>) offsets(%dma_start3A_37 : memref<125xi32, #tpu.memory_space<vmem>>) semaphore(%arg13 : memref<!tpu.dma_semaphore, #tpu.memory_space<semaphore_mem>>) {add = true}
    %scan3A = arith.constant 0 : i32
    %scan3A_41 = arith.constant 0 : i32
    %scan3A_42 = arith.constant 19 : i32
    %scan3A_43 = arith.addi %scan3A_41, %scan3A_42 : i32
    %scan3A_44 = arith.constant 1 : i32
    scf.for %scan3A_125 = %scan3A_41 to %scan3A_43 step %scan3A_44  : i32 {
      %mul3A_126 = arith.constant 2 : i32
      %mul3A_127 = arith.muli %mul3A_126, %scan3A_125 : i32
      %add3A_128 = arith.constant 1 : i32
      %add3A_129 = arith.addi %mul3A_127, %add3A_128 : i32
      %add3A_130 = arith.constant 0 : i32
      %add3A_131 = arith.addi %add3A_129, %add3A_130 : i32
      %dma_wait3A_132 = arith.constant 0 : i32
      %dma_wait3A_133 = tpu.memref_slice %arg7[%add3A_131, %dma_wait3A_132] : memref<40x125xi32, #tpu.memory_space<vmem>> -> memref<1x125xi32, #tpu.memory_space<vmem>>
      %dma_wait3A_134 = tpu.memref_squeeze %dma_wait3A_133 : memref<1x125xi32, #tpu.memory_space<vmem>> -> memref<125xi32, #tpu.memory_space<vmem>>
      %dma_wait3A_135 = arith.constant 0 : i32
      %dma_wait3A_136 = arith.constant 0 : i32
      %dma_wait3A_137 = tpu.memref_slice %arg2[%dma_wait3A_135, %dma_wait3A_136] : memref<10240x128xf32, #tpu.memory_space<hbm>> -> memref<10240x128xf32, #tpu.memory_space<hbm>>
      tpu.wait_indirect_dma semaphore(%arg12 : memref<!tpu.dma_semaphore, #tpu.memory_space<semaphore_mem>>) src(%dma_wait3A_137 : memref<10240x128xf32, #tpu.memory_space<hbm>>) dst(%arg10 : memref<125x128xf32, #tpu.memory_space<vmem>>)
      %sub3A = arith.constant 1 : i32
      %sub3A_138 = arith.subi %add3A_131, %sub3A : i32
      %dma_wait3A_139 = arith.constant 0 : i32
      %dma_wait3A_140 = tpu.memref_slice %arg8[%sub3A_138, %dma_wait3A_139] : memref<40x125xi32, #tpu.memory_space<vmem>> -> memref<1x125xi32, #tpu.memory_space<vmem>>
      %dma_wait3A_141 = tpu.memref_squeeze %dma_wait3A_140 : memref<1x125xi32, #tpu.memory_space<vmem>> -> memref<125xi32, #tpu.memory_space<vmem>>
      %dma_wait3A_142 = arith.constant 0 : i32
      %dma_wait3A_143 = arith.constant 0 : i32
      %dma_wait3A_144 = tpu.memref_slice %arg15[%dma_wait3A_142, %dma_wait3A_143] : memref<10240x128xf32, #tpu.memory_space<vmem_shared>> -> memref<10240x128xf32, #tpu.memory_space<vmem_shared>>
      tpu.wait_indirect_dma semaphore(%arg13 : memref<!tpu.dma_semaphore, #tpu.memory_space<semaphore_mem>>) src(%arg9 : memref<125x128xf32, #tpu.memory_space<vmem>>) dst(%dma_wait3A_144 : memref<10240x128xf32, #tpu.memory_space<vmem_shared>>)
      %add3A_145 = arith.constant 1 : i32
      %add3A_146 = arith.addi %add3A_131, %add3A_145 : i32
      %dma_start3A_147 = arith.constant 0 : i32
      %dma_start3A_148 = tpu.memref_slice %arg7[%add3A_146, %dma_start3A_147] : memref<40x125xi32, #tpu.memory_space<vmem>> -> memref<1x125xi32, #tpu.memory_space<vmem>>
      %dma_start3A_149 = tpu.memref_squeeze %dma_start3A_148 : memref<1x125xi32, #tpu.memory_space<vmem>> -> memref<125xi32, #tpu.memory_space<vmem>>
      %dma_start3A_150 = arith.constant 0 : i32
      %dma_start3A_151 = arith.constant 0 : i32
      %dma_start3A_152 = tpu.memref_slice %arg2[%dma_start3A_150, %dma_start3A_151] : memref<10240x128xf32, #tpu.memory_space<hbm>> -> memref<10240x128xf32, #tpu.memory_space<hbm>>
      tpu.enqueue_indirect_dma source(%dma_start3A_152 : memref<10240x128xf32, #tpu.memory_space<hbm>>) target(%arg9 : memref<125x128xf32, #tpu.memory_space<vmem>>) offsets(%dma_start3A_149 : memref<125xi32, #tpu.memory_space<vmem>>) semaphore(%arg11 : memref<!tpu.dma_semaphore, #tpu.memory_space<semaphore_mem>>)
      %dma_start3A_153 = arith.constant 0 : i32
      %dma_start3A_154 = tpu.memref_slice %arg8[%add3A_131, %dma_start3A_153] : memref<40x125xi32, #tpu.memory_space<vmem>> -> memref<1x125xi32, #tpu.memory_space<vmem>>
      %dma_start3A_155 = tpu.memref_squeeze %dma_start3A_154 : memref<1x125xi32, #tpu.memory_space<vmem>> -> memref<125xi32, #tpu.memory_space<vmem>>
      %dma_start3A_156 = arith.constant 0 : i32
      %dma_start3A_157 = arith.constant 0 : i32
      %dma_start3A_158 = tpu.memref_slice %arg15[%dma_start3A_156, %dma_start3A_157] : memref<10240x128xf32, #tpu.memory_space<vmem_shared>> -> memref<10240x128xf32, #tpu.memory_space<vmem_shared>>
      tpu.enqueue_indirect_dma source(%arg10 : memref<125x128xf32, #tpu.memory_space<vmem>>) target(%dma_start3A_158 : memref<10240x128xf32, #tpu.memory_space<vmem_shared>>) offsets(%dma_start3A_155 : memref<125xi32, #tpu.memory_space<vmem>>) semaphore(%arg14 : memref<!tpu.dma_semaphore, #tpu.memory_space<semaphore_mem>>) {add = true}
      %mul3A_159 = arith.constant 2 : i32
      %mul3A_160 = arith.muli %mul3A_159, %scan3A_125 : i32
      %add3A_161 = arith.constant 1 : i32
      %add3A_162 = arith.addi %mul3A_160, %add3A_161 : i32
      %add3A_163 = arith.constant 1 : i32
      %add3A_164 = arith.addi %add3A_162, %add3A_163 : i32
      %dma_wait3A_165 = arith.constant 0 : i32
      %dma_wait3A_166 = tpu.memref_slice %arg7[%add3A_164, %dma_wait3A_165] : memref<40x125xi32, #tpu.memory_space<vmem>> -> memref<1x125xi32, #tpu.memory_space<vmem>>
      %dma_wait3A_167 = tpu.memref_squeeze %dma_wait3A_166 : memref<1x125xi32, #tpu.memory_space<vmem>> -> memref<125xi32, #tpu.memory_space<vmem>>
      %dma_wait3A_168 = arith.constant 0 : i32
      %dma_wait3A_169 = arith.constant 0 : i32
      %dma_wait3A_170 = tpu.memref_slice %arg2[%dma_wait3A_168, %dma_wait3A_169] : memref<10240x128xf32, #tpu.memory_space<hbm>> -> memref<10240x128xf32, #tpu.memory_space<hbm>>
      tpu.wait_indirect_dma semaphore(%arg11 : memref<!tpu.dma_semaphore, #tpu.memory_space<semaphore_mem>>) src(%dma_wait3A_170 : memref<10240x128xf32, #tpu.memory_space<hbm>>) dst(%arg9 : memref<125x128xf32, #tpu.memory_space<vmem>>)
      %sub3A_171 = arith.constant 1 : i32
      %sub3A_172 = arith.subi %add3A_164, %sub3A_171 : i32
      %dma_wait3A_173 = arith.constant 0 : i32
      %dma_wait3A_174 = tpu.memref_slice %arg8[%sub3A_172, %dma_wait3A_173] : memref<40x125xi32, #tpu.memory_space<vmem>> -> memref<1x125xi32, #tpu.memory_space<vmem>>
      %dma_wait3A_175 = tpu.memref_squeeze %dma_wait3A_174 : memref<1x125xi32, #tpu.memory_space<vmem>> -> memref<125xi32, #tpu.memory_space<vmem>>
      %dma_wait3A_176 = arith.constant 0 : i32
      %dma_wait3A_177 = arith.constant 0 : i32
      %dma_wait3A_178 = tpu.memref_slice %arg15[%dma_wait3A_176, %dma_wait3A_177] : memref<10240x128xf32, #tpu.memory_space<vmem_shared>> -> memref<10240x128xf32, #tpu.memory_space<vmem_shared>>
      tpu.wait_indirect_dma semaphore(%arg14 : memref<!tpu.dma_semaphore, #tpu.memory_space<semaphore_mem>>) src(%arg10 : memref<125x128xf32, #tpu.memory_space<vmem>>) dst(%dma_wait3A_178 : memref<10240x128xf32, #tpu.memory_space<vmem_shared>>)
      %add3A_179 = arith.constant 1 : i32
      %add3A_180 = arith.addi %add3A_164, %add3A_179 : i32
      %dma_start3A_181 = arith.constant 0 : i32
      %dma_start3A_182 = tpu.memref_slice %arg7[%add3A_180, %dma_start3A_181] : memref<40x125xi32, #tpu.memory_space<vmem>> -> memref<1x125xi32, #tpu.memory_space<vmem>>
      %dma_start3A_183 = tpu.memref_squeeze %dma_start3A_182 : memref<1x125xi32, #tpu.memory_space<vmem>> -> memref<125xi32, #tpu.memory_space<vmem>>
      %dma_start3A_184 = arith.constant 0 : i32
      %dma_start3A_185 = arith.constant 0 : i32
      %dma_start3A_186 = tpu.memref_slice %arg2[%dma_start3A_184, %dma_start3A_185] : memref<10240x128xf32, #tpu.memory_space<hbm>> -> memref<10240x128xf32, #tpu.memory_space<hbm>>
      tpu.enqueue_indirect_dma source(%dma_start3A_186 : memref<10240x128xf32, #tpu.memory_space<hbm>>) target(%arg10 : memref<125x128xf32, #tpu.memory_space<vmem>>) offsets(%dma_start3A_183 : memref<125xi32, #tpu.memory_space<vmem>>) semaphore(%arg12 : memref<!tpu.dma_semaphore, #tpu.memory_space<semaphore_mem>>)
      %dma_start3A_187 = arith.constant 0 : i32
      %dma_start3A_188 = tpu.memref_slice %arg8[%add3A_164, %dma_start3A_187] : memref<40x125xi32, #tpu.memory_space<vmem>> -> memref<1x125xi32, #tpu.memory_space<vmem>>
      %dma_start3A_189 = tpu.memref_squeeze %dma_start3A_188 : memref<1x125xi32, #tpu.memory_space<vmem>> -> memref<125xi32, #tpu.memory_space<vmem>>
      %dma_start3A_190 = arith.constant 0 : i32
      %dma_start3A_191 = arith.constant 0 : i32
      %dma_start3A_192 = tpu.memref_slice %arg15[%dma_start3A_190, %dma_start3A_191] : memref<10240x128xf32, #tpu.memory_space<vmem_shared>> -> memref<10240x128xf32, #tpu.memory_space<vmem_shared>>
      tpu.enqueue_indirect_dma source(%arg9 : memref<125x128xf32, #tpu.memory_space<vmem>>) target(%dma_start3A_192 : memref<10240x128xf32, #tpu.memory_space<vmem_shared>>) offsets(%dma_start3A_189 : memref<125xi32, #tpu.memory_space<vmem>>) semaphore(%arg13 : memref<!tpu.dma_semaphore, #tpu.memory_space<semaphore_mem>>) {add = true}
    }
    %scan3A_45 = arith.constant 19 : i32
    %dma_wait3A_46 = arith.constant 39 : i32
    %dma_wait3A_47 = arith.constant 0 : i32
    %dma_wait3A_48 = tpu.memref_slice %arg7[%dma_wait3A_46, %dma_wait3A_47] : memref<40x125xi32, #tpu.memory_space<vmem>> -> memref<1x125xi32, #tpu.memory_space<vmem>>
    %dma_wait3A_49 = tpu.memref_squeeze %dma_wait3A_48 : memref<1x125xi32, #tpu.memory_space<vmem>> -> memref<125xi32, #tpu.memory_space<vmem>>
    %dma_wait3A_50 = arith.constant 0 : i32
    %dma_wait3A_51 = arith.constant 0 : i32
    %dma_wait3A_52 = tpu.memref_slice %arg2[%dma_wait3A_50, %dma_wait3A_51] : memref<10240x128xf32, #tpu.memory_space<hbm>> -> memref<10240x128xf32, #tpu.memory_space<hbm>>
    tpu.wait_indirect_dma semaphore(%arg12 : memref<!tpu.dma_semaphore, #tpu.memory_space<semaphore_mem>>) src(%dma_wait3A_52 : memref<10240x128xf32, #tpu.memory_space<hbm>>) dst(%arg10 : memref<125x128xf32, #tpu.memory_space<vmem>>)
    %dma_wait3A_53 = arith.constant 38 : i32
    %dma_wait3A_54 = arith.constant 0 : i32
    %dma_wait3A_55 = tpu.memref_slice %arg8[%dma_wait3A_53, %dma_wait3A_54] : memref<40x125xi32, #tpu.memory_space<vmem>> -> memref<1x125xi32, #tpu.memory_space<vmem>>
    %dma_wait3A_56 = tpu.memref_squeeze %dma_wait3A_55 : memref<1x125xi32, #tpu.memory_space<vmem>> -> memref<125xi32, #tpu.memory_space<vmem>>
    %dma_wait3A_57 = arith.constant 0 : i32
    %dma_wait3A_58 = arith.constant 0 : i32
    %dma_wait3A_59 = tpu.memref_slice %arg15[%dma_wait3A_57, %dma_wait3A_58] : memref<10240x128xf32, #tpu.memory_space<vmem_shared>> -> memref<10240x128xf32, #tpu.memory_space<vmem_shared>>
    tpu.wait_indirect_dma semaphore(%arg13 : memref<!tpu.dma_semaphore, #tpu.memory_space<semaphore_mem>>) src(%arg9 : memref<125x128xf32, #tpu.memory_space<vmem>>) dst(%dma_wait3A_59 : memref<10240x128xf32, #tpu.memory_space<vmem_shared>>)
    %run_scoped3A = arith.constant 39 : i32
    "tpu.region"() ({
      %run_scoped3A_125 = tpu.sem_alloc : memref<!tpu.dma_semaphore, #tpu.memory_space<semaphore_mem>>
      %dma_start3A_126 = arith.constant 0 : i32
      %dma_start3A_127 = tpu.memref_slice %arg8[%run_scoped3A, %dma_start3A_126] : memref<40x125xi32, #tpu.memory_space<vmem>> -> memref<1x125xi32, #tpu.memory_space<vmem>>
      %dma_start3A_128 = tpu.memref_squeeze %dma_start3A_127 : memref<1x125xi32, #tpu.memory_space<vmem>> -> memref<125xi32, #tpu.memory_space<vmem>>
      %dma_start3A_129 = arith.constant 0 : i32
      %dma_start3A_130 = arith.constant 0 : i32
      %dma_start3A_131 = tpu.memref_slice %arg15[%dma_start3A_129, %dma_start3A_130] : memref<10240x128xf32, #tpu.memory_space<vmem_shared>> -> memref<10240x128xf32, #tpu.memory_space<vmem_shared>>
      tpu.enqueue_indirect_dma source(%arg10 : memref<125x128xf32, #tpu.memory_space<vmem>>) target(%dma_start3A_131 : memref<10240x128xf32, #tpu.memory_space<vmem_shared>>) offsets(%dma_start3A_128 : memref<125xi32, #tpu.memory_space<vmem>>) semaphore(%run_scoped3A_125 : memref<!tpu.dma_semaphore, #tpu.memory_space<semaphore_mem>>) {add = true}
      %dma_wait3A_132 = arith.constant 0 : i32
      %dma_wait3A_133 = tpu.memref_slice %arg8[%run_scoped3A, %dma_wait3A_132] : memref<40x125xi32, #tpu.memory_space<vmem>> -> memref<1x125xi32, #tpu.memory_space<vmem>>
      %dma_wait3A_134 = tpu.memref_squeeze %dma_wait3A_133 : memref<1x125xi32, #tpu.memory_space<vmem>> -> memref<125xi32, #tpu.memory_space<vmem>>
      %dma_wait3A_135 = arith.constant 0 : i32
      %dma_wait3A_136 = arith.constant 0 : i32
      %dma_wait3A_137 = tpu.memref_slice %arg15[%dma_wait3A_135, %dma_wait3A_136] : memref<10240x128xf32, #tpu.memory_space<vmem_shared>> -> memref<10240x128xf32, #tpu.memory_space<vmem_shared>>
      tpu.wait_indirect_dma semaphore(%run_scoped3A_125 : memref<!tpu.dma_semaphore, #tpu.memory_space<semaphore_mem>>) src(%arg10 : memref<125x128xf32, #tpu.memory_space<vmem>>) dst(%dma_wait3A_137 : memref<10240x128xf32, #tpu.memory_space<vmem_shared>>)
      tpu.yield
    }) : () -> ()
    %mul3A_60 = arith.constant 80 : i32
    %mul3A_61 = arith.muli %add3A, %mul3A_60 : i32
    %add3A_62 = arith.constant 40 : i32
    %add3A_63 = arith.addi %mul3A_61, %add3A_62 : i32
    "tpu.region"() ({
      %run_scoped3A_125 = tpu.sem_alloc : memref<!tpu.dma_semaphore, #tpu.memory_space<semaphore_mem>>
      %dma_start3A_126 = arith.constant 0 : i32
      %dma_start3A_127 = tpu.memref_slice %arg3[%add3A_63, %dma_start3A_126] : memref<2560x125xi32, #tpu.memory_space<hbm>> -> memref<40x125xi32, #tpu.memory_space<hbm>>
      %dma_start3A_128 = arith.constant 0 : i32
      %dma_start3A_129 = tpu.memref_slice %arg3[%add3A_63, %dma_start3A_128] : memref<2560x125xi32, #tpu.memory_space<hbm>> -> memref<40x125xi32, #tpu.memory_space<hbm>>
      tpu.enqueue_dma source(%dma_start3A_129 : memref<40x125xi32, #tpu.memory_space<hbm>>) target(%arg7 : memref<40x125xi32, #tpu.memory_space<vmem>>) target_semaphore(%run_scoped3A_125 : memref<!tpu.dma_semaphore, #tpu.memory_space<semaphore_mem>>)
      %dma_wait3A_130 = arith.constant 0 : i32
      %dma_wait3A_131 = tpu.memref_slice %arg3[%add3A_63, %dma_wait3A_130] : memref<2560x125xi32, #tpu.memory_space<hbm>> -> memref<40x125xi32, #tpu.memory_space<hbm>>
      %dma_wait3A_132 = arith.constant 0 : i32
      %dma_wait3A_133 = tpu.memref_slice %arg3[%add3A_63, %dma_wait3A_132] : memref<2560x125xi32, #tpu.memory_space<hbm>> -> memref<40x125xi32, #tpu.memory_space<hbm>>
      tpu.wait_dma2 semaphore(%run_scoped3A_125 : memref<!tpu.dma_semaphore, #tpu.memory_space<semaphore_mem>>) src(%dma_wait3A_133 : memref<40x125xi32, #tpu.memory_space<hbm>>) dst(%arg7 : memref<40x125xi32, #tpu.memory_space<vmem>>)
      tpu.yield
    }) : () -> ()
    %mul3A_64 = arith.constant 80 : i32
    %mul3A_65 = arith.muli %add3A, %mul3A_64 : i32
    %add3A_66 = arith.constant 40 : i32
    %add3A_67 = arith.addi %mul3A_65, %add3A_66 : i32
    "tpu.region"() ({
      %run_scoped3A_125 = tpu.sem_alloc : memref<!tpu.dma_semaphore, #tpu.memory_space<semaphore_mem>>
      %dma_start3A_126 = arith.constant 0 : i32
      %dma_start3A_127 = tpu.memref_slice %arg4[%add3A_67, %dma_start3A_126] : memref<2560x125xi32, #tpu.memory_space<hbm>> -> memref<40x125xi32, #tpu.memory_space<hbm>>
      %dma_start3A_128 = arith.constant 0 : i32
      %dma_start3A_129 = tpu.memref_slice %arg4[%add3A_67, %dma_start3A_128] : memref<2560x125xi32, #tpu.memory_space<hbm>> -> memref<40x125xi32, #tpu.memory_space<hbm>>
      tpu.enqueue_dma source(%dma_start3A_129 : memref<40x125xi32, #tpu.memory_space<hbm>>) target(%arg8 : memref<40x125xi32, #tpu.memory_space<vmem>>) target_semaphore(%run_scoped3A_125 : memref<!tpu.dma_semaphore, #tpu.memory_space<semaphore_mem>>)
      %dma_wait3A_130 = arith.constant 0 : i32
      %dma_wait3A_131 = tpu.memref_slice %arg4[%add3A_67, %dma_wait3A_130] : memref<2560x125xi32, #tpu.memory_space<hbm>> -> memref<40x125xi32, #tpu.memory_space<hbm>>
      %dma_wait3A_132 = arith.constant 0 : i32
      %dma_wait3A_133 = tpu.memref_slice %arg4[%add3A_67, %dma_wait3A_132] : memref<2560x125xi32, #tpu.memory_space<hbm>> -> memref<40x125xi32, #tpu.memory_space<hbm>>
      tpu.wait_dma2 semaphore(%run_scoped3A_125 : memref<!tpu.dma_semaphore, #tpu.memory_space<semaphore_mem>>) src(%dma_wait3A_133 : memref<40x125xi32, #tpu.memory_space<hbm>>) dst(%arg8 : memref<40x125xi32, #tpu.memory_space<vmem>>)
      tpu.yield
    }) : () -> ()
    %dma_start3A_68 = arith.constant 0 : i32
    %dma_start3A_69 = arith.constant 0 : i32
    %dma_start3A_70 = tpu.memref_slice %arg7[%dma_start3A_68, %dma_start3A_69] : memref<40x125xi32, #tpu.memory_space<vmem>> -> memref<1x125xi32, #tpu.memory_space<vmem>>
    %dma_start3A_71 = tpu.memref_squeeze %dma_start3A_70 : memref<1x125xi32, #tpu.memory_space<vmem>> -> memref<125xi32, #tpu.memory_space<vmem>>
    %dma_start3A_72 = arith.constant 0 : i32
    %dma_start3A_73 = arith.constant 0 : i32
    %dma_start3A_74 = tpu.memref_slice %arg2[%dma_start3A_72, %dma_start3A_73] : memref<10240x128xf32, #tpu.memory_space<hbm>> -> memref<10240x128xf32, #tpu.memory_space<hbm>>
    tpu.enqueue_indirect_dma source(%dma_start3A_74 : memref<10240x128xf32, #tpu.memory_space<hbm>>) target(%arg9 : memref<125x128xf32, #tpu.memory_space<vmem>>) offsets(%dma_start3A_71 : memref<125xi32, #tpu.memory_space<vmem>>) semaphore(%arg11 : memref<!tpu.dma_semaphore, #tpu.memory_space<semaphore_mem>>)
    %dma_wait3A_75 = arith.constant 0 : i32
    %dma_wait3A_76 = arith.constant 0 : i32
    %dma_wait3A_77 = tpu.memref_slice %arg7[%dma_wait3A_75, %dma_wait3A_76] : memref<40x125xi32, #tpu.memory_space<vmem>> -> memref<1x125xi32, #tpu.memory_space<vmem>>
    %dma_wait3A_78 = tpu.memref_squeeze %dma_wait3A_77 : memref<1x125xi32, #tpu.memory_space<vmem>> -> memref<125xi32, #tpu.memory_space<vmem>>
    %dma_wait3A_79 = arith.constant 0 : i32
    %dma_wait3A_80 = arith.constant 0 : i32
    %dma_wait3A_81 = tpu.memref_slice %arg2[%dma_wait3A_79, %dma_wait3A_80] : memref<10240x128xf32, #tpu.memory_space<hbm>> -> memref<10240x128xf32, #tpu.memory_space<hbm>>
    tpu.wait_indirect_dma semaphore(%arg11 : memref<!tpu.dma_semaphore, #tpu.memory_space<semaphore_mem>>) src(%dma_wait3A_81 : memref<10240x128xf32, #tpu.memory_space<hbm>>) dst(%arg9 : memref<125x128xf32, #tpu.memory_space<vmem>>)
    %dma_start3A_82 = arith.constant 1 : i32
    %dma_start3A_83 = arith.constant 0 : i32
    %dma_start3A_84 = tpu.memref_slice %arg7[%dma_start3A_82, %dma_start3A_83] : memref<40x125xi32, #tpu.memory_space<vmem>> -> memref<1x125xi32, #tpu.memory_space<vmem>>
    %dma_start3A_85 = tpu.memref_squeeze %dma_start3A_84 : memref<1x125xi32, #tpu.memory_space<vmem>> -> memref<125xi32, #tpu.memory_space<vmem>>
    %dma_start3A_86 = arith.constant 0 : i32
    %dma_start3A_87 = arith.constant 0 : i32
    %dma_start3A_88 = tpu.memref_slice %arg2[%dma_start3A_86, %dma_start3A_87] : memref<10240x128xf32, #tpu.memory_space<hbm>> -> memref<10240x128xf32, #tpu.memory_space<hbm>>
    tpu.enqueue_indirect_dma source(%dma_start3A_88 : memref<10240x128xf32, #tpu.memory_space<hbm>>) target(%arg10 : memref<125x128xf32, #tpu.memory_space<vmem>>) offsets(%dma_start3A_85 : memref<125xi32, #tpu.memory_space<vmem>>) semaphore(%arg12 : memref<!tpu.dma_semaphore, #tpu.memory_space<semaphore_mem>>)
    %dma_start3A_89 = arith.constant 0 : i32
    %dma_start3A_90 = arith.constant 0 : i32
    %dma_start3A_91 = tpu.memref_slice %arg8[%dma_start3A_89, %dma_start3A_90] : memref<40x125xi32, #tpu.memory_space<vmem>> -> memref<1x125xi32, #tpu.memory_space<vmem>>
    %dma_start3A_92 = tpu.memref_squeeze %dma_start3A_91 : memref<1x125xi32, #tpu.memory_space<vmem>> -> memref<125xi32, #tpu.memory_space<vmem>>
    %dma_start3A_93 = arith.constant 0 : i32
    %dma_start3A_94 = arith.constant 0 : i32
    %dma_start3A_95 = tpu.memref_slice %arg15[%dma_start3A_93, %dma_start3A_94] : memref<10240x128xf32, #tpu.memory_space<vmem_shared>> -> memref<10240x128xf32, #tpu.memory_space<vmem_shared>>
    tpu.enqueue_indirect_dma source(%arg9 : memref<125x128xf32, #tpu.memory_space<vmem>>) target(%dma_start3A_95 : memref<10240x128xf32, #tpu.memory_space<vmem_shared>>) offsets(%dma_start3A_92 : memref<125xi32, #tpu.memory_space<vmem>>) semaphore(%arg13 : memref<!tpu.dma_semaphore, #tpu.memory_space<semaphore_mem>>) {add = true}
    %scan3A_96 = arith.constant 0 : i32
    %scan3A_97 = arith.constant 0 : i32
    %scan3A_98 = arith.constant 19 : i32
    %scan3A_99 = arith.addi %scan3A_97, %scan3A_98 : i32
    %scan3A_100 = arith.constant 1 : i32
    scf.for %scan3A_125 = %scan3A_97 to %scan3A_99 step %scan3A_100  : i32 {
      %mul3A_126 = arith.constant 2 : i32
      %mul3A_127 = arith.muli %mul3A_126, %scan3A_125 : i32
      %add3A_128 = arith.constant 1 : i32
      %add3A_129 = arith.addi %mul3A_127, %add3A_128 : i32
      %add3A_130 = arith.constant 0 : i32
      %add3A_131 = arith.addi %add3A_129, %add3A_130 : i32
      %dma_wait3A_132 = arith.constant 0 : i32
      %dma_wait3A_133 = tpu.memref_slice %arg7[%add3A_131, %dma_wait3A_132] : memref<40x125xi32, #tpu.memory_space<vmem>> -> memref<1x125xi32, #tpu.memory_space<vmem>>
      %dma_wait3A_134 = tpu.memref_squeeze %dma_wait3A_133 : memref<1x125xi32, #tpu.memory_space<vmem>> -> memref<125xi32, #tpu.memory_space<vmem>>
      %dma_wait3A_135 = arith.constant 0 : i32
      %dma_wait3A_136 = arith.constant 0 : i32
      %dma_wait3A_137 = tpu.memref_slice %arg2[%dma_wait3A_135, %dma_wait3A_136] : memref<10240x128xf32, #tpu.memory_space<hbm>> -> memref<10240x128xf32, #tpu.memory_space<hbm>>
      tpu.wait_indirect_dma semaphore(%arg12 : memref<!tpu.dma_semaphore, #tpu.memory_space<semaphore_mem>>) src(%dma_wait3A_137 : memref<10240x128xf32, #tpu.memory_space<hbm>>) dst(%arg10 : memref<125x128xf32, #tpu.memory_space<vmem>>)
      %sub3A = arith.constant 1 : i32
      %sub3A_138 = arith.subi %add3A_131, %sub3A : i32
      %dma_wait3A_139 = arith.constant 0 : i32
      %dma_wait3A_140 = tpu.memref_slice %arg8[%sub3A_138, %dma_wait3A_139] : memref<40x125xi32, #tpu.memory_space<vmem>> -> memref<1x125xi32, #tpu.memory_space<vmem>>
      %dma_wait3A_141 = tpu.memref_squeeze %dma_wait3A_140 : memref<1x125xi32, #tpu.memory_space<vmem>> -> memref<125xi32, #tpu.memory_space<vmem>>
      %dma_wait3A_142 = arith.constant 0 : i32
      %dma_wait3A_143 = arith.constant 0 : i32
      %dma_wait3A_144 = tpu.memref_slice %arg15[%dma_wait3A_142, %dma_wait3A_143] : memref<10240x128xf32, #tpu.memory_space<vmem_shared>> -> memref<10240x128xf32, #tpu.memory_space<vmem_shared>>
      tpu.wait_indirect_dma semaphore(%arg13 : memref<!tpu.dma_semaphore, #tpu.memory_space<semaphore_mem>>) src(%arg9 : memref<125x128xf32, #tpu.memory_space<vmem>>) dst(%dma_wait3A_144 : memref<10240x128xf32, #tpu.memory_space<vmem_shared>>)
      %add3A_145 = arith.constant 1 : i32
      %add3A_146 = arith.addi %add3A_131, %add3A_145 : i32
      %dma_start3A_147 = arith.constant 0 : i32
      %dma_start3A_148 = tpu.memref_slice %arg7[%add3A_146, %dma_start3A_147] : memref<40x125xi32, #tpu.memory_space<vmem>> -> memref<1x125xi32, #tpu.memory_space<vmem>>
      %dma_start3A_149 = tpu.memref_squeeze %dma_start3A_148 : memref<1x125xi32, #tpu.memory_space<vmem>> -> memref<125xi32, #tpu.memory_space<vmem>>
      %dma_start3A_150 = arith.constant 0 : i32
      %dma_start3A_151 = arith.constant 0 : i32
      %dma_start3A_152 = tpu.memref_slice %arg2[%dma_start3A_150, %dma_start3A_151] : memref<10240x128xf32, #tpu.memory_space<hbm>> -> memref<10240x128xf32, #tpu.memory_space<hbm>>
      tpu.enqueue_indirect_dma source(%dma_start3A_152 : memref<10240x128xf32, #tpu.memory_space<hbm>>) target(%arg9 : memref<125x128xf32, #tpu.memory_space<vmem>>) offsets(%dma_start3A_149 : memref<125xi32, #tpu.memory_space<vmem>>) semaphore(%arg11 : memref<!tpu.dma_semaphore, #tpu.memory_space<semaphore_mem>>)
      %dma_start3A_153 = arith.constant 0 : i32
      %dma_start3A_154 = tpu.memref_slice %arg8[%add3A_131, %dma_start3A_153] : memref<40x125xi32, #tpu.memory_space<vmem>> -> memref<1x125xi32, #tpu.memory_space<vmem>>
      %dma_start3A_155 = tpu.memref_squeeze %dma_start3A_154 : memref<1x125xi32, #tpu.memory_space<vmem>> -> memref<125xi32, #tpu.memory_space<vmem>>
      %dma_start3A_156 = arith.constant 0 : i32
      %dma_start3A_157 = arith.constant 0 : i32
      %dma_start3A_158 = tpu.memref_slice %arg15[%dma_start3A_156, %dma_start3A_157] : memref<10240x128xf32, #tpu.memory_space<vmem_shared>> -> memref<10240x128xf32, #tpu.memory_space<vmem_shared>>
      tpu.enqueue_indirect_dma source(%arg10 : memref<125x128xf32, #tpu.memory_space<vmem>>) target(%dma_start3A_158 : memref<10240x128xf32, #tpu.memory_space<vmem_shared>>) offsets(%dma_start3A_155 : memref<125xi32, #tpu.memory_space<vmem>>) semaphore(%arg14 : memref<!tpu.dma_semaphore, #tpu.memory_space<semaphore_mem>>) {add = true}
      %mul3A_159 = arith.constant 2 : i32
      %mul3A_160 = arith.muli %mul3A_159, %scan3A_125 : i32
      %add3A_161 = arith.constant 1 : i32
      %add3A_162 = arith.addi %mul3A_160, %add3A_161 : i32
      %add3A_163 = arith.constant 1 : i32
      %add3A_164 = arith.addi %add3A_162, %add3A_163 : i32
      %dma_wait3A_165 = arith.constant 0 : i32
      %dma_wait3A_166 = tpu.memref_slice %arg7[%add3A_164, %dma_wait3A_165] : memref<40x125xi32, #tpu.memory_space<vmem>> -> memref<1x125xi32, #tpu.memory_space<vmem>>
      %dma_wait3A_167 = tpu.memref_squeeze %dma_wait3A_166 : memref<1x125xi32, #tpu.memory_space<vmem>> -> memref<125xi32, #tpu.memory_space<vmem>>
      %dma_wait3A_168 = arith.constant 0 : i32
      %dma_wait3A_169 = arith.constant 0 : i32
      %dma_wait3A_170 = tpu.memref_slice %arg2[%dma_wait3A_168, %dma_wait3A_169] : memref<10240x128xf32, #tpu.memory_space<hbm>> -> memref<10240x128xf32, #tpu.memory_space<hbm>>
      tpu.wait_indirect_dma semaphore(%arg11 : memref<!tpu.dma_semaphore, #tpu.memory_space<semaphore_mem>>) src(%dma_wait3A_170 : memref<10240x128xf32, #tpu.memory_space<hbm>>) dst(%arg9 : memref<125x128xf32, #tpu.memory_space<vmem>>)
      %sub3A_171 = arith.constant 1 : i32
      %sub3A_172 = arith.subi %add3A_164, %sub3A_171 : i32
      %dma_wait3A_173 = arith.constant 0 : i32
      %dma_wait3A_174 = tpu.memref_slice %arg8[%sub3A_172, %dma_wait3A_173] : memref<40x125xi32, #tpu.memory_space<vmem>> -> memref<1x125xi32, #tpu.memory_space<vmem>>
      %dma_wait3A_175 = tpu.memref_squeeze %dma_wait3A_174 : memref<1x125xi32, #tpu.memory_space<vmem>> -> memref<125xi32, #tpu.memory_space<vmem>>
      %dma_wait3A_176 = arith.constant 0 : i32
      %dma_wait3A_177 = arith.constant 0 : i32
      %dma_wait3A_178 = tpu.memref_slice %arg15[%dma_wait3A_176, %dma_wait3A_177] : memref<10240x128xf32, #tpu.memory_space<vmem_shared>> -> memref<10240x128xf32, #tpu.memory_space<vmem_shared>>
      tpu.wait_indirect_dma semaphore(%arg14 : memref<!tpu.dma_semaphore, #tpu.memory_space<semaphore_mem>>) src(%arg10 : memref<125x128xf32, #tpu.memory_space<vmem>>) dst(%dma_wait3A_178 : memref<10240x128xf32, #tpu.memory_space<vmem_shared>>)
      %add3A_179 = arith.constant 1 : i32
      %add3A_180 = arith.addi %add3A_164, %add3A_179 : i32
      %dma_start3A_181 = arith.constant 0 : i32
      %dma_start3A_182 = tpu.memref_slice %arg7[%add3A_180, %dma_start3A_181] : memref<40x125xi32, #tpu.memory_space<vmem>> -> memref<1x125xi32, #tpu.memory_space<vmem>>
      %dma_start3A_183 = tpu.memref_squeeze %dma_start3A_182 : memref<1x125xi32, #tpu.memory_space<vmem>> -> memref<125xi32, #tpu.memory_space<vmem>>
      %dma_start3A_184 = arith.constant 0 : i32
      %dma_start3A_185 = arith.constant 0 : i32
      %dma_start3A_186 = tpu.memref_slice %arg2[%dma_start3A_184, %dma_start3A_185] : memref<10240x128xf32, #tpu.memory_space<hbm>> -> memref<10240x128xf32, #tpu.memory_space<hbm>>
      tpu.enqueue_indirect_dma source(%dma_start3A_186 : memref<10240x128xf32, #tpu.memory_space<hbm>>) target(%arg10 : memref<125x128xf32, #tpu.memory_space<vmem>>) offsets(%dma_start3A_183 : memref<125xi32, #tpu.memory_space<vmem>>) semaphore(%arg12 : memref<!tpu.dma_semaphore, #tpu.memory_space<semaphore_mem>>)
      %dma_start3A_187 = arith.constant 0 : i32
      %dma_start3A_188 = tpu.memref_slice %arg8[%add3A_164, %dma_start3A_187] : memref<40x125xi32, #tpu.memory_space<vmem>> -> memref<1x125xi32, #tpu.memory_space<vmem>>
      %dma_start3A_189 = tpu.memref_squeeze %dma_start3A_188 : memref<1x125xi32, #tpu.memory_space<vmem>> -> memref<125xi32, #tpu.memory_space<vmem>>
      %dma_start3A_190 = arith.constant 0 : i32
      %dma_start3A_191 = arith.constant 0 : i32
      %dma_start3A_192 = tpu.memref_slice %arg15[%dma_start3A_190, %dma_start3A_191] : memref<10240x128xf32, #tpu.memory_space<vmem_shared>> -> memref<10240x128xf32, #tpu.memory_space<vmem_shared>>
      tpu.enqueue_indirect_dma source(%arg9 : memref<125x128xf32, #tpu.memory_space<vmem>>) target(%dma_start3A_192 : memref<10240x128xf32, #tpu.memory_space<vmem_shared>>) offsets(%dma_start3A_189 : memref<125xi32, #tpu.memory_space<vmem>>) semaphore(%arg13 : memref<!tpu.dma_semaphore, #tpu.memory_space<semaphore_mem>>) {add = true}
    }
    %scan3A_101 = arith.constant 19 : i32
    %dma_wait3A_102 = arith.constant 39 : i32
    %dma_wait3A_103 = arith.constant 0 : i32
    %dma_wait3A_104 = tpu.memref_slice %arg7[%dma_wait3A_102, %dma_wait3A_103] : memref<40x125xi32, #tpu.memory_space<vmem>> -> memref<1x125xi32, #tpu.memory_space<vmem>>
    %dma_wait3A_105 = tpu.memref_squeeze %dma_wait3A_104 : memref<1x125xi32, #tpu.memory_space<vmem>> -> memref<125xi32, #tpu.memory_space<vmem>>
    %dma_wait3A_106 = arith.constant 0 : i32
    %dma_wait3A_107 = arith.constant 0 : i32
    %dma_wait3A_108 = tpu.memref_slice %arg2[%dma_wait3A_106, %dma_wait3A_107] : memref<10240x128xf32, #tpu.memory_space<hbm>> -> memref<10240x128xf32, #tpu.memory_space<hbm>>
    tpu.wait_indirect_dma semaphore(%arg12 : memref<!tpu.dma_semaphore, #tpu.memory_space<semaphore_mem>>) src(%dma_wait3A_108 : memref<10240x128xf32, #tpu.memory_space<hbm>>) dst(%arg10 : memref<125x128xf32, #tpu.memory_space<vmem>>)
    %dma_wait3A_109 = arith.constant 38 : i32
    %dma_wait3A_110 = arith.constant 0 : i32
    %dma_wait3A_111 = tpu.memref_slice %arg8[%dma_wait3A_109, %dma_wait3A_110] : memref<40x125xi32, #tpu.memory_space<vmem>> -> memref<1x125xi32, #tpu.memory_space<vmem>>
    %dma_wait3A_112 = tpu.memref_squeeze %dma_wait3A_111 : memref<1x125xi32, #tpu.memory_space<vmem>> -> memref<125xi32, #tpu.memory_space<vmem>>
    %dma_wait3A_113 = arith.constant 0 : i32
    %dma_wait3A_114 = arith.constant 0 : i32
    %dma_wait3A_115 = tpu.memref_slice %arg15[%dma_wait3A_113, %dma_wait3A_114] : memref<10240x128xf32, #tpu.memory_space<vmem_shared>> -> memref<10240x128xf32, #tpu.memory_space<vmem_shared>>
    tpu.wait_indirect_dma semaphore(%arg13 : memref<!tpu.dma_semaphore, #tpu.memory_space<semaphore_mem>>) src(%arg9 : memref<125x128xf32, #tpu.memory_space<vmem>>) dst(%dma_wait3A_115 : memref<10240x128xf32, #tpu.memory_space<vmem_shared>>)
    %run_scoped3A_116 = arith.constant 39 : i32
    "tpu.region"() ({
      %run_scoped3A_125 = tpu.sem_alloc : memref<!tpu.dma_semaphore, #tpu.memory_space<semaphore_mem>>
      %dma_start3A_126 = arith.constant 0 : i32
      %dma_start3A_127 = tpu.memref_slice %arg8[%run_scoped3A_116, %dma_start3A_126] : memref<40x125xi32, #tpu.memory_space<vmem>> -> memref<1x125xi32, #tpu.memory_space<vmem>>
      %dma_start3A_128 = tpu.memref_squeeze %dma_start3A_127 : memref<1x125xi32, #tpu.memory_space<vmem>> -> memref<125xi32, #tpu.memory_space<vmem>>
      %dma_start3A_129 = arith.constant 0 : i32
      %dma_start3A_130 = arith.constant 0 : i32
      %dma_start3A_131 = tpu.memref_slice %arg15[%dma_start3A_129, %dma_start3A_130] : memref<10240x128xf32, #tpu.memory_space<vmem_shared>> -> memref<10240x128xf32, #tpu.memory_space<vmem_shared>>
      tpu.enqueue_indirect_dma source(%arg10 : memref<125x128xf32, #tpu.memory_space<vmem>>) target(%dma_start3A_131 : memref<10240x128xf32, #tpu.memory_space<vmem_shared>>) offsets(%dma_start3A_128 : memref<125xi32, #tpu.memory_space<vmem>>) semaphore(%run_scoped3A_125 : memref<!tpu.dma_semaphore, #tpu.memory_space<semaphore_mem>>) {add = true}
      %dma_wait3A_132 = arith.constant 0 : i32
      %dma_wait3A_133 = tpu.memref_slice %arg8[%run_scoped3A_116, %dma_wait3A_132] : memref<40x125xi32, #tpu.memory_space<vmem>> -> memref<1x125xi32, #tpu.memory_space<vmem>>
      %dma_wait3A_134 = tpu.memref_squeeze %dma_wait3A_133 : memref<1x125xi32, #tpu.memory_space<vmem>> -> memref<125xi32, #tpu.memory_space<vmem>>
      %dma_wait3A_135 = arith.constant 0 : i32
      %dma_wait3A_136 = arith.constant 0 : i32
      %dma_wait3A_137 = tpu.memref_slice %arg15[%dma_wait3A_135, %dma_wait3A_136] : memref<10240x128xf32, #tpu.memory_space<vmem_shared>> -> memref<10240x128xf32, #tpu.memory_space<vmem_shared>>
      tpu.wait_indirect_dma semaphore(%run_scoped3A_125 : memref<!tpu.dma_semaphore, #tpu.memory_space<semaphore_mem>>) src(%arg10 : memref<125x128xf32, #tpu.memory_space<vmem>>) dst(%dma_wait3A_137 : memref<10240x128xf32, #tpu.memory_space<vmem_shared>>)
      tpu.yield
    }) : () -> ()
    %barrier3A_117 = arith.constant 0 : index
    tpu.barrier barrier_id(%barrier3A_117)
    %mul3A_118 = arith.constant 640 : i32
    %mul3A_119 = arith.muli %arg1, %mul3A_118 : i32
    %mul3A_120 = arith.constant 10240 : i32
    %mul3A_121 = arith.muli %arg0, %mul3A_120 : i32
    %mul3A_122 = arith.constant 640 : i32
    %mul3A_123 = arith.muli %arg1, %mul3A_122 : i32
    %add3A_124 = arith.addi %mul3A_121, %mul3A_123 : i32
    "tpu.region"() ({
      %run_scoped3A_125 = tpu.sem_alloc : memref<!tpu.dma_semaphore, #tpu.memory_space<semaphore_mem>>
      %dma_start3A_126 = arith.constant 0 : i32
      %dma_start3A_127 = tpu.memref_slice %arg6[%add3A_124, %dma_start3A_126] : memref<20480x128xf32, #tpu.memory_space<hbm>> -> memref<640x128xf32, #tpu.memory_space<hbm>>
      %dma_start3A_128 = arith.constant 0 : i32
      %dma_start3A_129 = tpu.memref_slice %arg15[%mul3A_119, %dma_start3A_128] : memref<10240x128xf32, #tpu.memory_space<vmem_shared>> -> memref<640x128xf32, #tpu.memory_space<vmem_shared>>
      tpu.enqueue_dma source(%dma_start3A_129 : memref<640x128xf32, #tpu.memory_space<vmem_shared>>) target(%dma_start3A_127 : memref<640x128xf32, #tpu.memory_space<hbm>>) target_semaphore(%run_scoped3A_125 : memref<!tpu.dma_semaphore, #tpu.memory_space<semaphore_mem>>)
      %dma_wait3A_130 = arith.constant 0 : i32
      %dma_wait3A_131 = tpu.memref_slice %arg6[%add3A_124, %dma_wait3A_130] : memref<20480x128xf32, #tpu.memory_space<hbm>> -> memref<640x128xf32, #tpu.memory_space<hbm>>
      %dma_wait3A_132 = arith.constant 0 : i32
      %dma_wait3A_133 = tpu.memref_slice %arg15[%mul3A_119, %dma_wait3A_132] : memref<10240x128xf32, #tpu.memory_space<vmem_shared>> -> memref<640x128xf32, #tpu.memory_space<vmem_shared>>
      tpu.wait_dma2 semaphore(%run_scoped3A_125 : memref<!tpu.dma_semaphore, #tpu.memory_space<semaphore_mem>>) src(%dma_wait3A_133 : memref<640x128xf32, #tpu.memory_space<vmem_shared>>) dst(%dma_wait3A_131 : memref<640x128xf32, #tpu.memory_space<hbm>>)
      tpu.yield
    }) : () -> ()
    return
  }
}

#map = affine_map<(d0, d1) -> (0)>
module attributes {stable_mosaic.version = 14 : i64} {
  func.func @body(%arg0: i32, %arg1: i32, %arg2: memref<320000xi32, #tpu.memory_space<hbm>>, %arg3: memref<81920xf32, #tpu.memory_space<hbm>>, %arg4: memref<20480xf32, #tpu.memory_space<hbm>>, %arg5: memref<10000xi32, #tpu.memory_space<vmem>>, %arg6: memref<81920xf32, #tpu.memory_space<vmem>>, %arg7: memref<10240xf32, #tpu.memory_space<vmem>>, %arg8: memref<10240xf32, #tpu.memory_space<vmem>>, %arg9: memref<640xf32, #tpu.memory_space<vmem>>, %arg10: memref<163840xf32, #tpu.memory_space<vmem_shared>>) attributes {dimension_semantics = [#tpu.dimension_semantics<core_parallel>, #tpu.dimension_semantics<subcore_parallel>], iteration_bounds = array<i64: 2, 16>, scalar_prefetch = 0 : i64, scratch_operands = 6 : i64, tpu.core_type = #tpu.core_type<sc_vector_subcore>, window_params = [{transform_indices = #map}, {transform_indices = #map}, {transform_indices = #map}]} {
    %mul3A = arith.constant 2 : i32
    %mul3A_0 = arith.muli %arg1, %mul3A : i32
    %add3A = arith.addi %mul3A_0, %arg0 : i32
    %broadcast_in_dim3A = arith.constant 1.000000e+00 : f32
    %broadcast_in_dim3A_1 = vector.broadcast %broadcast_in_dim3A : f32 to vector<16xf32>
    %iota3A = tpu.iota {dimensions = array<i32: 0>} : vector<16xi32>
    %jit3A = arith.constant 8 : i32
    %eq3A = arith.constant 0 : i32
    %eq3A_2 = arith.cmpi eq, %jit3A, %eq3A : i32
    %jit3A_3 = arith.constant 1 : i32
    %select_n3A = arith.select %eq3A_2, %jit3A_3, %jit3A : i32
    %rem3A = vector.broadcast %select_n3A : i32 to vector<16xi32>
    %rem3A_4 = arith.remsi %iota3A, %rem3A : vector<16xi32>
    %ne3A = arith.constant 0 : i32
    %ne3A_5 = vector.broadcast %ne3A : i32 to vector<16xi32>
    %ne3A_6 = arith.cmpi ne, %rem3A_4, %ne3A_5 : vector<16xi32>
    %lt3A = arith.constant 0 : i32
    %lt3A_7 = vector.broadcast %lt3A : i32 to vector<16xi32>
    %lt3A_8 = arith.cmpi slt, %rem3A_4, %lt3A_7 : vector<16xi32>
    %lt3A_9 = arith.constant 0 : i32
    %lt3A_10 = arith.cmpi slt, %select_n3A, %lt3A_9 : i32
    %ne3A_11 = vector.broadcast %lt3A_10 : i1 to vector<16xi1>
    %ne3A_12 = vector.broadcast %ne3A_11 : vector<16xi1> to vector<16xi1>
    %ne3A_13 = arith.xori %lt3A_8, %ne3A_12 : vector<16xi1>
    %and3A = arith.andi %ne3A_13, %ne3A_6 : vector<16xi1>
    %add3A_14 = vector.broadcast %select_n3A : i32 to vector<16xi32>
    %add3A_15 = arith.addi %rem3A_4, %add3A_14 : vector<16xi32>
    %select_n3A_16 = arith.select %and3A, %add3A_15, %rem3A_4 : vector<16xi1>, vector<16xi32>
    %mul3A_17 = arith.constant 10240 : i32
    %mul3A_18 = vector.broadcast %mul3A_17 : i32 to vector<16xi32>
    %mul3A_19 = arith.muli %select_n3A_16, %mul3A_18 : vector<16xi32>
    %lt3A_20 = arith.constant 8 : i32
    %lt3A_21 = vector.broadcast %lt3A_20 : i32 to vector<16xi32>
    %lt3A_22 = arith.cmpi slt, %iota3A, %lt3A_21 : vector<16xi32>
    %ge3A = arith.constant 8 : i32
    %ge3A_23 = vector.broadcast %ge3A : i32 to vector<16xi32>
    %ge3A_24 = arith.cmpi sge, %iota3A, %ge3A_23 : vector<16xi32>
    %mul3A_25 = arith.constant 10000 : i32
    %mul3A_26 = arith.muli %add3A, %mul3A_25 : i32
    "tpu.region"() ({
      %run_scoped3A = tpu.sem_alloc : memref<!tpu.dma_semaphore, #tpu.memory_space<semaphore_mem>>
      %dma_start3A = tpu.memref_slice %arg2[%mul3A_26] : memref<320000xi32, #tpu.memory_space<hbm>> -> memref<10000xi32, #tpu.memory_space<hbm>>
      %dma_start3A_115 = tpu.memref_slice %arg2[%mul3A_26] : memref<320000xi32, #tpu.memory_space<hbm>> -> memref<10000xi32, #tpu.memory_space<hbm>>
      tpu.enqueue_dma source(%dma_start3A_115 : memref<10000xi32, #tpu.memory_space<hbm>>) target(%arg5 : memref<10000xi32, #tpu.memory_space<vmem>>) target_semaphore(%run_scoped3A : memref<!tpu.dma_semaphore, #tpu.memory_space<semaphore_mem>>)
      %dma_wait3A = tpu.memref_slice %arg2[%mul3A_26] : memref<320000xi32, #tpu.memory_space<hbm>> -> memref<10000xi32, #tpu.memory_space<hbm>>
      %dma_wait3A_116 = tpu.memref_slice %arg2[%mul3A_26] : memref<320000xi32, #tpu.memory_space<hbm>> -> memref<10000xi32, #tpu.memory_space<hbm>>
      tpu.wait_dma2 semaphore(%run_scoped3A : memref<!tpu.dma_semaphore, #tpu.memory_space<semaphore_mem>>) src(%dma_wait3A_116 : memref<10000xi32, #tpu.memory_space<hbm>>) dst(%arg5 : memref<10000xi32, #tpu.memory_space<vmem>>)
      tpu.yield
    }) : () -> ()
    "tpu.region"() ({
      %run_scoped3A = tpu.sem_alloc : memref<!tpu.dma_semaphore, #tpu.memory_space<semaphore_mem>>
      tpu.enqueue_dma source(%arg3 : memref<81920xf32, #tpu.memory_space<hbm>>) target(%arg6 : memref<81920xf32, #tpu.memory_space<vmem>>) target_semaphore(%run_scoped3A : memref<!tpu.dma_semaphore, #tpu.memory_space<semaphore_mem>>)
      tpu.wait_dma2 semaphore(%run_scoped3A : memref<!tpu.dma_semaphore, #tpu.memory_space<semaphore_mem>>) src(%arg3 : memref<81920xf32, #tpu.memory_space<hbm>>) dst(%arg6 : memref<81920xf32, #tpu.memory_space<vmem>>)
      tpu.yield
    }) : () -> ()
    %scan3A = arith.constant 0 : i32
    %scan3A_27 = arith.constant 0 : i32
    %scan3A_28 = arith.constant 125 : i32
    %scan3A_29 = arith.addi %scan3A_27, %scan3A_28 : i32
    %scan3A_30 = arith.constant 1 : i32
    scf.for %scan3A_115 = %scan3A_27 to %scan3A_29 step %scan3A_30  : i32 {
      %mul3A_116 = arith.constant 5 : i32
      %mul3A_117 = arith.muli %scan3A_115, %mul3A_116 : i32
      %add3A_118 = arith.constant 0 : i32
      %add3A_119 = arith.addi %mul3A_117, %add3A_118 : i32
      %mul3A_120 = arith.constant 16 : i32
      %mul3A_121 = arith.muli %add3A_119, %mul3A_120 : i32
      %get3A = arith.index_cast %mul3A_121 : i32 to index
      %get3A_122 = tpu.vector_load %arg5[%get3A] {strides = array<i32>} : memref<10000xi32, #tpu.memory_space<vmem>>, vector<16xi32>,
      %add3A_123 = arith.addi %get3A_122, %mul3A_19 : vector<16xi32>
      tpu.vector_store_idx %arg6[%add3A_123], %broadcast_in_dim3A_1 masked %lt3A_22 {add = true} : memref<81920xf32, #tpu.memory_space<vmem>>[vector<16xi32>], vector<16xf32>, vector<16xi1>
      tpu.vector_store_idx %arg6[%add3A_123], %broadcast_in_dim3A_1 masked %ge3A_24 {add = true} : memref<81920xf32, #tpu.memory_space<vmem>>[vector<16xi32>], vector<16xf32>, vector<16xi1>
      %mul3A_124 = arith.constant 5 : i32
      %mul3A_125 = arith.muli %scan3A_115, %mul3A_124 : i32
      %add3A_126 = arith.constant 1 : i32
      %add3A_127 = arith.addi %mul3A_125, %add3A_126 : i32
      %mul3A_128 = arith.constant 16 : i32
      %mul3A_129 = arith.muli %add3A_127, %mul3A_128 : i32
      %get3A_130 = arith.index_cast %mul3A_129 : i32 to index
      %get3A_131 = tpu.vector_load %arg5[%get3A_130] {strides = array<i32>} : memref<10000xi32, #tpu.memory_space<vmem>>, vector<16xi32>,
      %add3A_132 = arith.addi %get3A_131, %mul3A_19 : vector<16xi32>
      tpu.vector_store_idx %arg6[%add3A_132], %broadcast_in_dim3A_1 masked %lt3A_22 {add = true} : memref<81920xf32, #tpu.memory_space<vmem>>[vector<16xi32>], vector<16xf32>, vector<16xi1>
      tpu.vector_store_idx %arg6[%add3A_132], %broadcast_in_dim3A_1 masked %ge3A_24 {add = true} : memref<81920xf32, #tpu.memory_space<vmem>>[vector<16xi32>], vector<16xf32>, vector<16xi1>
      %mul3A_133 = arith.constant 5 : i32
      %mul3A_134 = arith.muli %scan3A_115, %mul3A_133 : i32
      %add3A_135 = arith.constant 2 : i32
      %add3A_136 = arith.addi %mul3A_134, %add3A_135 : i32
      %mul3A_137 = arith.constant 16 : i32
      %mul3A_138 = arith.muli %add3A_136, %mul3A_137 : i32
      %get3A_139 = arith.index_cast %mul3A_138 : i32 to index
      %get3A_140 = tpu.vector_load %arg5[%get3A_139] {strides = array<i32>} : memref<10000xi32, #tpu.memory_space<vmem>>, vector<16xi32>,
      %add3A_141 = arith.addi %get3A_140, %mul3A_19 : vector<16xi32>
      tpu.vector_store_idx %arg6[%add3A_141], %broadcast_in_dim3A_1 masked %lt3A_22 {add = true} : memref<81920xf32, #tpu.memory_space<vmem>>[vector<16xi32>], vector<16xf32>, vector<16xi1>
      tpu.vector_store_idx %arg6[%add3A_141], %broadcast_in_dim3A_1 masked %ge3A_24 {add = true} : memref<81920xf32, #tpu.memory_space<vmem>>[vector<16xi32>], vector<16xf32>, vector<16xi1>
      %mul3A_142 = arith.constant 5 : i32
      %mul3A_143 = arith.muli %scan3A_115, %mul3A_142 : i32
      %add3A_144 = arith.constant 3 : i32
      %add3A_145 = arith.addi %mul3A_143, %add3A_144 : i32
      %mul3A_146 = arith.constant 16 : i32
      %mul3A_147 = arith.muli %add3A_145, %mul3A_146 : i32
      %get3A_148 = arith.index_cast %mul3A_147 : i32 to index
      %get3A_149 = tpu.vector_load %arg5[%get3A_148] {strides = array<i32>} : memref<10000xi32, #tpu.memory_space<vmem>>, vector<16xi32>,
      %add3A_150 = arith.addi %get3A_149, %mul3A_19 : vector<16xi32>
      tpu.vector_store_idx %arg6[%add3A_150], %broadcast_in_dim3A_1 masked %lt3A_22 {add = true} : memref<81920xf32, #tpu.memory_space<vmem>>[vector<16xi32>], vector<16xf32>, vector<16xi1>
      tpu.vector_store_idx %arg6[%add3A_150], %broadcast_in_dim3A_1 masked %ge3A_24 {add = true} : memref<81920xf32, #tpu.memory_space<vmem>>[vector<16xi32>], vector<16xf32>, vector<16xi1>
      %mul3A_151 = arith.constant 5 : i32
      %mul3A_152 = arith.muli %scan3A_115, %mul3A_151 : i32
      %add3A_153 = arith.constant 4 : i32
      %add3A_154 = arith.addi %mul3A_152, %add3A_153 : i32
      %mul3A_155 = arith.constant 16 : i32
      %mul3A_156 = arith.muli %add3A_154, %mul3A_155 : i32
      %get3A_157 = arith.index_cast %mul3A_156 : i32 to index
      %get3A_158 = tpu.vector_load %arg5[%get3A_157] {strides = array<i32>} : memref<10000xi32, #tpu.memory_space<vmem>>, vector<16xi32>,
      %add3A_159 = arith.addi %get3A_158, %mul3A_19 : vector<16xi32>
      tpu.vector_store_idx %arg6[%add3A_159], %broadcast_in_dim3A_1 masked %lt3A_22 {add = true} : memref<81920xf32, #tpu.memory_space<vmem>>[vector<16xi32>], vector<16xf32>, vector<16xi1>
      tpu.vector_store_idx %arg6[%add3A_159], %broadcast_in_dim3A_1 masked %ge3A_24 {add = true} : memref<81920xf32, #tpu.memory_space<vmem>>[vector<16xi32>], vector<16xf32>, vector<16xi1>
    }
    %scan3A_31 = arith.constant 125 : i32
    %scan3A_32 = arith.constant 0 : i32
    %scan3A_33 = arith.constant 0 : i32
    %scan3A_34 = arith.constant 320 : i32
    %scan3A_35 = arith.addi %scan3A_33, %scan3A_34 : i32
    %scan3A_36 = arith.constant 1 : i32
    scf.for %scan3A_115 = %scan3A_33 to %scan3A_35 step %scan3A_36  : i32 {
      %broadcast_in_dim3A_116 = arith.constant 0.000000e+00 : f32
      %broadcast_in_dim3A_117 = vector.broadcast %broadcast_in_dim3A_116 : f32 to vector<16xf32>
      %mul3A_118 = arith.constant 2 : i32
      %mul3A_119 = arith.muli %mul3A_118, %scan3A_115 : i32
      %add3A_120 = arith.constant 0 : i32
      %add3A_121 = arith.addi %mul3A_119, %add3A_120 : i32
      %mul3A_122 = arith.constant 16 : i32
      %mul3A_123 = arith.muli %add3A_121, %mul3A_122 : i32
      %add3A_124 = arith.constant 0 : i32
      %add3A_125 = arith.addi %add3A_124, %mul3A_123 : i32
      %get3A = arith.index_cast %add3A_125 : i32 to index
      %get3A_126 = tpu.vector_load %arg6[%get3A] {strides = array<i32>} : memref<81920xf32, #tpu.memory_space<vmem>>, vector<16xf32>,
      %add3A_127 = arith.addf %broadcast_in_dim3A_117, %get3A_126 : vector<16xf32>
      %mul3A_128 = arith.constant 2 : i32
      %mul3A_129 = arith.muli %mul3A_128, %scan3A_115 : i32
      %add3A_130 = arith.constant 0 : i32
      %add3A_131 = arith.addi %mul3A_129, %add3A_130 : i32
      %mul3A_132 = arith.constant 16 : i32
      %mul3A_133 = arith.muli %add3A_131, %mul3A_132 : i32
      %add3A_134 = arith.constant 10240 : i32
      %add3A_135 = arith.addi %add3A_134, %mul3A_133 : i32
      %get3A_136 = arith.index_cast %add3A_135 : i32 to index
      %get3A_137 = tpu.vector_load %arg6[%get3A_136] {strides = array<i32>} : memref<81920xf32, #tpu.memory_space<vmem>>, vector<16xf32>,
      %add3A_138 = arith.addf %add3A_127, %get3A_137 : vector<16xf32>
      %mul3A_139 = arith.constant 2 : i32
      %mul3A_140 = arith.muli %mul3A_139, %scan3A_115 : i32
      %add3A_141 = arith.constant 0 : i32
      %add3A_142 = arith.addi %mul3A_140, %add3A_141 : i32
      %mul3A_143 = arith.constant 16 : i32
      %mul3A_144 = arith.muli %add3A_142, %mul3A_143 : i32
      %add3A_145 = arith.constant 20480 : i32
      %add3A_146 = arith.addi %add3A_145, %mul3A_144 : i32
      %get3A_147 = arith.index_cast %add3A_146 : i32 to index
      %get3A_148 = tpu.vector_load %arg6[%get3A_147] {strides = array<i32>} : memref<81920xf32, #tpu.memory_space<vmem>>, vector<16xf32>,
      %add3A_149 = arith.addf %add3A_138, %get3A_148 : vector<16xf32>
      %mul3A_150 = arith.constant 2 : i32
      %mul3A_151 = arith.muli %mul3A_150, %scan3A_115 : i32
      %add3A_152 = arith.constant 0 : i32
      %add3A_153 = arith.addi %mul3A_151, %add3A_152 : i32
      %mul3A_154 = arith.constant 16 : i32
      %mul3A_155 = arith.muli %add3A_153, %mul3A_154 : i32
      %add3A_156 = arith.constant 30720 : i32
      %add3A_157 = arith.addi %add3A_156, %mul3A_155 : i32
      %get3A_158 = arith.index_cast %add3A_157 : i32 to index
      %get3A_159 = tpu.vector_load %arg6[%get3A_158] {strides = array<i32>} : memref<81920xf32, #tpu.memory_space<vmem>>, vector<16xf32>,
      %add3A_160 = arith.addf %add3A_149, %get3A_159 : vector<16xf32>
      %mul3A_161 = arith.constant 2 : i32
      %mul3A_162 = arith.muli %mul3A_161, %scan3A_115 : i32
      %add3A_163 = arith.constant 0 : i32
      %add3A_164 = arith.addi %mul3A_162, %add3A_163 : i32
      %mul3A_165 = arith.constant 16 : i32
      %mul3A_166 = arith.muli %add3A_164, %mul3A_165 : i32
      %add3A_167 = arith.constant 40960 : i32
      %add3A_168 = arith.addi %add3A_167, %mul3A_166 : i32
      %get3A_169 = arith.index_cast %add3A_168 : i32 to index
      %get3A_170 = tpu.vector_load %arg6[%get3A_169] {strides = array<i32>} : memref<81920xf32, #tpu.memory_space<vmem>>, vector<16xf32>,
      %add3A_171 = arith.addf %add3A_160, %get3A_170 : vector<16xf32>
      %mul3A_172 = arith.constant 2 : i32
      %mul3A_173 = arith.muli %mul3A_172, %scan3A_115 : i32
      %add3A_174 = arith.constant 0 : i32
      %add3A_175 = arith.addi %mul3A_173, %add3A_174 : i32
      %mul3A_176 = arith.constant 16 : i32
      %mul3A_177 = arith.muli %add3A_175, %mul3A_176 : i32
      %add3A_178 = arith.constant 51200 : i32
      %add3A_179 = arith.addi %add3A_178, %mul3A_177 : i32
      %get3A_180 = arith.index_cast %add3A_179 : i32 to index
      %get3A_181 = tpu.vector_load %arg6[%get3A_180] {strides = array<i32>} : memref<81920xf32, #tpu.memory_space<vmem>>, vector<16xf32>,
      %add3A_182 = arith.addf %add3A_171, %get3A_181 : vector<16xf32>
      %mul3A_183 = arith.constant 2 : i32
      %mul3A_184 = arith.muli %mul3A_183, %scan3A_115 : i32
      %add3A_185 = arith.constant 0 : i32
      %add3A_186 = arith.addi %mul3A_184, %add3A_185 : i32
      %mul3A_187 = arith.constant 16 : i32
      %mul3A_188 = arith.muli %add3A_186, %mul3A_187 : i32
      %add3A_189 = arith.constant 61440 : i32
      %add3A_190 = arith.addi %add3A_189, %mul3A_188 : i32
      %get3A_191 = arith.index_cast %add3A_190 : i32 to index
      %get3A_192 = tpu.vector_load %arg6[%get3A_191] {strides = array<i32>} : memref<81920xf32, #tpu.memory_space<vmem>>, vector<16xf32>,
      %add3A_193 = arith.addf %add3A_182, %get3A_192 : vector<16xf32>
      %mul3A_194 = arith.constant 2 : i32
      %mul3A_195 = arith.muli %mul3A_194, %scan3A_115 : i32
      %add3A_196 = arith.constant 0 : i32
      %add3A_197 = arith.addi %mul3A_195, %add3A_196 : i32
      %mul3A_198 = arith.constant 16 : i32
      %mul3A_199 = arith.muli %add3A_197, %mul3A_198 : i32
      %add3A_200 = arith.constant 71680 : i32
      %add3A_201 = arith.addi %add3A_200, %mul3A_199 : i32
      %get3A_202 = arith.index_cast %add3A_201 : i32 to index
      %get3A_203 = tpu.vector_load %arg6[%get3A_202] {strides = array<i32>} : memref<81920xf32, #tpu.memory_space<vmem>>, vector<16xf32>,
      %add3A_204 = arith.addf %add3A_193, %get3A_203 : vector<16xf32>
      %mul3A_205 = arith.constant 2 : i32
      %mul3A_206 = arith.muli %mul3A_205, %scan3A_115 : i32
      %add3A_207 = arith.constant 0 : i32
      %add3A_208 = arith.addi %mul3A_206, %add3A_207 : i32
      %mul3A_209 = arith.constant 16 : i32
      %mul3A_210 = arith.muli %add3A_208, %mul3A_209 : i32
      %swap3A = arith.index_cast %mul3A_210 : i32 to index
      %swap3A_211 = tpu.vector_load %arg7[%swap3A] {strides = array<i32>} : memref<10240xf32, #tpu.memory_space<vmem>>, vector<16xf32>,
      tpu.vector_store %arg7[%swap3A], %add3A_204 {strides = array<i32>} : memref<10240xf32, #tpu.memory_space<vmem>>, vector<16xf32>,
      %broadcast_in_dim3A_212 = arith.constant 0.000000e+00 : f32
      %broadcast_in_dim3A_213 = vector.broadcast %broadcast_in_dim3A_212 : f32 to vector<16xf32>
      %mul3A_214 = arith.constant 2 : i32
      %mul3A_215 = arith.muli %mul3A_214, %scan3A_115 : i32
      %add3A_216 = arith.constant 1 : i32
      %add3A_217 = arith.addi %mul3A_215, %add3A_216 : i32
      %mul3A_218 = arith.constant 16 : i32
      %mul3A_219 = arith.muli %add3A_217, %mul3A_218 : i32
      %add3A_220 = arith.constant 0 : i32
      %add3A_221 = arith.addi %add3A_220, %mul3A_219 : i32
      %get3A_222 = arith.index_cast %add3A_221 : i32 to index
      %get3A_223 = tpu.vector_load %arg6[%get3A_222] {strides = array<i32>} : memref<81920xf32, #tpu.memory_space<vmem>>, vector<16xf32>,
      %add3A_224 = arith.addf %broadcast_in_dim3A_213, %get3A_223 : vector<16xf32>
      %mul3A_225 = arith.constant 2 : i32
      %mul3A_226 = arith.muli %mul3A_225, %scan3A_115 : i32
      %add3A_227 = arith.constant 1 : i32
      %add3A_228 = arith.addi %mul3A_226, %add3A_227 : i32
      %mul3A_229 = arith.constant 16 : i32
      %mul3A_230 = arith.muli %add3A_228, %mul3A_229 : i32
      %add3A_231 = arith.constant 10240 : i32
      %add3A_232 = arith.addi %add3A_231, %mul3A_230 : i32
      %get3A_233 = arith.index_cast %add3A_232 : i32 to index
      %get3A_234 = tpu.vector_load %arg6[%get3A_233] {strides = array<i32>} : memref<81920xf32, #tpu.memory_space<vmem>>, vector<16xf32>,
      %add3A_235 = arith.addf %add3A_224, %get3A_234 : vector<16xf32>
      %mul3A_236 = arith.constant 2 : i32
      %mul3A_237 = arith.muli %mul3A_236, %scan3A_115 : i32
      %add3A_238 = arith.constant 1 : i32
      %add3A_239 = arith.addi %mul3A_237, %add3A_238 : i32
      %mul3A_240 = arith.constant 16 : i32
      %mul3A_241 = arith.muli %add3A_239, %mul3A_240 : i32
      %add3A_242 = arith.constant 20480 : i32
      %add3A_243 = arith.addi %add3A_242, %mul3A_241 : i32
      %get3A_244 = arith.index_cast %add3A_243 : i32 to index
      %get3A_245 = tpu.vector_load %arg6[%get3A_244] {strides = array<i32>} : memref<81920xf32, #tpu.memory_space<vmem>>, vector<16xf32>,
      %add3A_246 = arith.addf %add3A_235, %get3A_245 : vector<16xf32>
      %mul3A_247 = arith.constant 2 : i32
      %mul3A_248 = arith.muli %mul3A_247, %scan3A_115 : i32
      %add3A_249 = arith.constant 1 : i32
      %add3A_250 = arith.addi %mul3A_248, %add3A_249 : i32
      %mul3A_251 = arith.constant 16 : i32
      %mul3A_252 = arith.muli %add3A_250, %mul3A_251 : i32
      %add3A_253 = arith.constant 30720 : i32
      %add3A_254 = arith.addi %add3A_253, %mul3A_252 : i32
      %get3A_255 = arith.index_cast %add3A_254 : i32 to index
      %get3A_256 = tpu.vector_load %arg6[%get3A_255] {strides = array<i32>} : memref<81920xf32, #tpu.memory_space<vmem>>, vector<16xf32>,
      %add3A_257 = arith.addf %add3A_246, %get3A_256 : vector<16xf32>
      %mul3A_258 = arith.constant 2 : i32
      %mul3A_259 = arith.muli %mul3A_258, %scan3A_115 : i32
      %add3A_260 = arith.constant 1 : i32
      %add3A_261 = arith.addi %mul3A_259, %add3A_260 : i32
      %mul3A_262 = arith.constant 16 : i32
      %mul3A_263 = arith.muli %add3A_261, %mul3A_262 : i32
      %add3A_264 = arith.constant 40960 : i32
      %add3A_265 = arith.addi %add3A_264, %mul3A_263 : i32
      %get3A_266 = arith.index_cast %add3A_265 : i32 to index
      %get3A_267 = tpu.vector_load %arg6[%get3A_266] {strides = array<i32>} : memref<81920xf32, #tpu.memory_space<vmem>>, vector<16xf32>,
      %add3A_268 = arith.addf %add3A_257, %get3A_267 : vector<16xf32>
      %mul3A_269 = arith.constant 2 : i32
      %mul3A_270 = arith.muli %mul3A_269, %scan3A_115 : i32
      %add3A_271 = arith.constant 1 : i32
      %add3A_272 = arith.addi %mul3A_270, %add3A_271 : i32
      %mul3A_273 = arith.constant 16 : i32
      %mul3A_274 = arith.muli %add3A_272, %mul3A_273 : i32
      %add3A_275 = arith.constant 51200 : i32
      %add3A_276 = arith.addi %add3A_275, %mul3A_274 : i32
      %get3A_277 = arith.index_cast %add3A_276 : i32 to index
      %get3A_278 = tpu.vector_load %arg6[%get3A_277] {strides = array<i32>} : memref<81920xf32, #tpu.memory_space<vmem>>, vector<16xf32>,
      %add3A_279 = arith.addf %add3A_268, %get3A_278 : vector<16xf32>
      %mul3A_280 = arith.constant 2 : i32
      %mul3A_281 = arith.muli %mul3A_280, %scan3A_115 : i32
      %add3A_282 = arith.constant 1 : i32
      %add3A_283 = arith.addi %mul3A_281, %add3A_282 : i32
      %mul3A_284 = arith.constant 16 : i32
      %mul3A_285 = arith.muli %add3A_283, %mul3A_284 : i32
      %add3A_286 = arith.constant 61440 : i32
      %add3A_287 = arith.addi %add3A_286, %mul3A_285 : i32
      %get3A_288 = arith.index_cast %add3A_287 : i32 to index
      %get3A_289 = tpu.vector_load %arg6[%get3A_288] {strides = array<i32>} : memref<81920xf32, #tpu.memory_space<vmem>>, vector<16xf32>,
      %add3A_290 = arith.addf %add3A_279, %get3A_289 : vector<16xf32>
      %mul3A_291 = arith.constant 2 : i32
      %mul3A_292 = arith.muli %mul3A_291, %scan3A_115 : i32
      %add3A_293 = arith.constant 1 : i32
      %add3A_294 = arith.addi %mul3A_292, %add3A_293 : i32
      %mul3A_295 = arith.constant 16 : i32
      %mul3A_296 = arith.muli %add3A_294, %mul3A_295 : i32
      %add3A_297 = arith.constant 71680 : i32
      %add3A_298 = arith.addi %add3A_297, %mul3A_296 : i32
      %get3A_299 = arith.index_cast %add3A_298 : i32 to index
      %get3A_300 = tpu.vector_load %arg6[%get3A_299] {strides = array<i32>} : memref<81920xf32, #tpu.memory_space<vmem>>, vector<16xf32>,
      %add3A_301 = arith.addf %add3A_290, %get3A_300 : vector<16xf32>
      %mul3A_302 = arith.constant 2 : i32
      %mul3A_303 = arith.muli %mul3A_302, %scan3A_115 : i32
      %add3A_304 = arith.constant 1 : i32
      %add3A_305 = arith.addi %mul3A_303, %add3A_304 : i32
      %mul3A_306 = arith.constant 16 : i32
      %mul3A_307 = arith.muli %add3A_305, %mul3A_306 : i32
      %swap3A_308 = arith.index_cast %mul3A_307 : i32 to index
      %swap3A_309 = tpu.vector_load %arg7[%swap3A_308] {strides = array<i32>} : memref<10240xf32, #tpu.memory_space<vmem>>, vector<16xf32>,
      tpu.vector_store %arg7[%swap3A_308], %add3A_301 {strides = array<i32>} : memref<10240xf32, #tpu.memory_space<vmem>>, vector<16xf32>,
    }
    %scan3A_37 = arith.constant 320 : i32
    %mul3A_38 = arith.constant 10240 : i32
    %mul3A_39 = arith.muli %arg1, %mul3A_38 : i32
    "tpu.region"() ({
      %run_scoped3A = tpu.sem_alloc : memref<!tpu.dma_semaphore, #tpu.memory_space<semaphore_mem>>
      %dma_start3A = tpu.memref_slice %arg10[%mul3A_39] : memref<163840xf32, #tpu.memory_space<vmem_shared>> -> memref<10240xf32, #tpu.memory_space<vmem_shared>>
      %dma_start3A_115 = tpu.memref_slice %arg10[%mul3A_39] : memref<163840xf32, #tpu.memory_space<vmem_shared>> -> memref<10240xf32, #tpu.memory_space<vmem_shared>>
      tpu.enqueue_dma source(%arg7 : memref<10240xf32, #tpu.memory_space<vmem>>) target(%dma_start3A_115 : memref<10240xf32, #tpu.memory_space<vmem_shared>>) target_semaphore(%run_scoped3A : memref<!tpu.dma_semaphore, #tpu.memory_space<semaphore_mem>>)
      %dma_wait3A = tpu.memref_slice %arg10[%mul3A_39] : memref<163840xf32, #tpu.memory_space<vmem_shared>> -> memref<10240xf32, #tpu.memory_space<vmem_shared>>
      %dma_wait3A_116 = tpu.memref_slice %arg10[%mul3A_39] : memref<163840xf32, #tpu.memory_space<vmem_shared>> -> memref<10240xf32, #tpu.memory_space<vmem_shared>>
      tpu.wait_dma2 semaphore(%run_scoped3A : memref<!tpu.dma_semaphore, #tpu.memory_space<semaphore_mem>>) src(%arg7 : memref<10240xf32, #tpu.memory_space<vmem>>) dst(%dma_wait3A_116 : memref<10240xf32, #tpu.memory_space<vmem_shared>>)
      tpu.yield
    }) : () -> ()
    %barrier3A = arith.constant 0 : index
    tpu.barrier barrier_id(%barrier3A)
    %mul3A_40 = arith.constant 640 : i32
    %mul3A_41 = arith.muli %arg1, %mul3A_40 : i32
    %add3A_42 = arith.constant 0 : i32
    %add3A_43 = arith.addi %add3A_42, %mul3A_41 : i32
    "tpu.region"() ({
      %run_scoped3A = tpu.sem_alloc : memref<!tpu.dma_semaphore, #tpu.memory_space<semaphore_mem>>
      %dma_start3A = arith.constant 0 : i32
      %dma_start3A_115 = tpu.memref_slice %arg8[%dma_start3A] : memref<10240xf32, #tpu.memory_space<vmem>> -> memref<640xf32, #tpu.memory_space<vmem>>
      %dma_start3A_116 = tpu.memref_slice %arg10[%add3A_43] : memref<163840xf32, #tpu.memory_space<vmem_shared>> -> memref<640xf32, #tpu.memory_space<vmem_shared>>
      %dma_start3A_117 = arith.constant 0 : i32
      %dma_start3A_118 = tpu.memref_slice %arg8[%dma_start3A_117] : memref<10240xf32, #tpu.memory_space<vmem>> -> memref<640xf32, #tpu.memory_space<vmem>>
      %dma_start3A_119 = tpu.memref_slice %arg10[%add3A_43] : memref<163840xf32, #tpu.memory_space<vmem_shared>> -> memref<640xf32, #tpu.memory_space<vmem_shared>>
      tpu.enqueue_dma source(%dma_start3A_119 : memref<640xf32, #tpu.memory_space<vmem_shared>>) target(%dma_start3A_118 : memref<640xf32, #tpu.memory_space<vmem>>) target_semaphore(%run_scoped3A : memref<!tpu.dma_semaphore, #tpu.memory_space<semaphore_mem>>)
      %dma_wait3A = arith.constant 0 : i32
      %dma_wait3A_120 = tpu.memref_slice %arg8[%dma_wait3A] : memref<10240xf32, #tpu.memory_space<vmem>> -> memref<640xf32, #tpu.memory_space<vmem>>
      %dma_wait3A_121 = tpu.memref_slice %arg10[%add3A_43] : memref<163840xf32, #tpu.memory_space<vmem_shared>> -> memref<640xf32, #tpu.memory_space<vmem_shared>>
      %dma_wait3A_122 = arith.constant 0 : i32
      %dma_wait3A_123 = tpu.memref_slice %arg8[%dma_wait3A_122] : memref<10240xf32, #tpu.memory_space<vmem>> -> memref<640xf32, #tpu.memory_space<vmem>>
      %dma_wait3A_124 = tpu.memref_slice %arg10[%add3A_43] : memref<163840xf32, #tpu.memory_space<vmem_shared>> -> memref<640xf32, #tpu.memory_space<vmem_shared>>
      tpu.wait_dma2 semaphore(%run_scoped3A : memref<!tpu.dma_semaphore, #tpu.memory_space<semaphore_mem>>) src(%dma_wait3A_124 : memref<640xf32, #tpu.memory_space<vmem_shared>>) dst(%dma_wait3A_123 : memref<640xf32, #tpu.memory_space<vmem>>)
      tpu.yield
    }) : () -> ()
    %mul3A_44 = arith.constant 640 : i32
    %mul3A_45 = arith.muli %arg1, %mul3A_44 : i32
    %add3A_46 = arith.constant 10240 : i32
    %add3A_47 = arith.addi %add3A_46, %mul3A_45 : i32
    "tpu.region"() ({
      %run_scoped3A = tpu.sem_alloc : memref<!tpu.dma_semaphore, #tpu.memory_space<semaphore_mem>>
      %dma_start3A = arith.constant 640 : i32
      %dma_start3A_115 = tpu.memref_slice %arg8[%dma_start3A] : memref<10240xf32, #tpu.memory_space<vmem>> -> memref<640xf32, #tpu.memory_space<vmem>>
      %dma_start3A_116 = tpu.memref_slice %arg10[%add3A_47] : memref<163840xf32, #tpu.memory_space<vmem_shared>> -> memref<640xf32, #tpu.memory_space<vmem_shared>>
      %dma_start3A_117 = arith.constant 640 : i32
      %dma_start3A_118 = tpu.memref_slice %arg8[%dma_start3A_117] : memref<10240xf32, #tpu.memory_space<vmem>> -> memref<640xf32, #tpu.memory_space<vmem>>
      %dma_start3A_119 = tpu.memref_slice %arg10[%add3A_47] : memref<163840xf32, #tpu.memory_space<vmem_shared>> -> memref<640xf32, #tpu.memory_space<vmem_shared>>
      tpu.enqueue_dma source(%dma_start3A_119 : memref<640xf32, #tpu.memory_space<vmem_shared>>) target(%dma_start3A_118 : memref<640xf32, #tpu.memory_space<vmem>>) target_semaphore(%run_scoped3A : memref<!tpu.dma_semaphore, #tpu.memory_space<semaphore_mem>>)
      %dma_wait3A = arith.constant 640 : i32
      %dma_wait3A_120 = tpu.memref_slice %arg8[%dma_wait3A] : memref<10240xf32, #tpu.memory_space<vmem>> -> memref<640xf32, #tpu.memory_space<vmem>>
      %dma_wait3A_121 = tpu.memref_slice %arg10[%add3A_47] : memref<163840xf32, #tpu.memory_space<vmem_shared>> -> memref<640xf32, #tpu.memory_space<vmem_shared>>
      %dma_wait3A_122 = arith.constant 640 : i32
      %dma_wait3A_123 = tpu.memref_slice %arg8[%dma_wait3A_122] : memref<10240xf32, #tpu.memory_space<vmem>> -> memref<640xf32, #tpu.memory_space<vmem>>
      %dma_wait3A_124 = tpu.memref_slice %arg10[%add3A_47] : memref<163840xf32, #tpu.memory_space<vmem_shared>> -> memref<640xf32, #tpu.memory_space<vmem_shared>>
      tpu.wait_dma2 semaphore(%run_scoped3A : memref<!tpu.dma_semaphore, #tpu.memory_space<semaphore_mem>>) src(%dma_wait3A_124 : memref<640xf32, #tpu.memory_space<vmem_shared>>) dst(%dma_wait3A_123 : memref<640xf32, #tpu.memory_space<vmem>>)
      tpu.yield
    }) : () -> ()
    %mul3A_48 = arith.constant 640 : i32
    %mul3A_49 = arith.muli %arg1, %mul3A_48 : i32
    %add3A_50 = arith.constant 20480 : i32
    %add3A_51 = arith.addi %add3A_50, %mul3A_49 : i32
    "tpu.region"() ({
      %run_scoped3A = tpu.sem_alloc : memref<!tpu.dma_semaphore, #tpu.memory_space<semaphore_mem>>
      %dma_start3A = arith.constant 1280 : i32
      %dma_start3A_115 = tpu.memref_slice %arg8[%dma_start3A] : memref<10240xf32, #tpu.memory_space<vmem>> -> memref<640xf32, #tpu.memory_space<vmem>>
      %dma_start3A_116 = tpu.memref_slice %arg10[%add3A_51] : memref<163840xf32, #tpu.memory_space<vmem_shared>> -> memref<640xf32, #tpu.memory_space<vmem_shared>>
      %dma_start3A_117 = arith.constant 1280 : i32
      %dma_start3A_118 = tpu.memref_slice %arg8[%dma_start3A_117] : memref<10240xf32, #tpu.memory_space<vmem>> -> memref<640xf32, #tpu.memory_space<vmem>>
      %dma_start3A_119 = tpu.memref_slice %arg10[%add3A_51] : memref<163840xf32, #tpu.memory_space<vmem_shared>> -> memref<640xf32, #tpu.memory_space<vmem_shared>>
      tpu.enqueue_dma source(%dma_start3A_119 : memref<640xf32, #tpu.memory_space<vmem_shared>>) target(%dma_start3A_118 : memref<640xf32, #tpu.memory_space<vmem>>) target_semaphore(%run_scoped3A : memref<!tpu.dma_semaphore, #tpu.memory_space<semaphore_mem>>)
      %dma_wait3A = arith.constant 1280 : i32
      %dma_wait3A_120 = tpu.memref_slice %arg8[%dma_wait3A] : memref<10240xf32, #tpu.memory_space<vmem>> -> memref<640xf32, #tpu.memory_space<vmem>>
      %dma_wait3A_121 = tpu.memref_slice %arg10[%add3A_51] : memref<163840xf32, #tpu.memory_space<vmem_shared>> -> memref<640xf32, #tpu.memory_space<vmem_shared>>
      %dma_wait3A_122 = arith.constant 1280 : i32
      %dma_wait3A_123 = tpu.memref_slice %arg8[%dma_wait3A_122] : memref<10240xf32, #tpu.memory_space<vmem>> -> memref<640xf32, #tpu.memory_space<vmem>>
      %dma_wait3A_124 = tpu.memref_slice %arg10[%add3A_51] : memref<163840xf32, #tpu.memory_space<vmem_shared>> -> memref<640xf32, #tpu.memory_space<vmem_shared>>
      tpu.wait_dma2 semaphore(%run_scoped3A : memref<!tpu.dma_semaphore, #tpu.memory_space<semaphore_mem>>) src(%dma_wait3A_124 : memref<640xf32, #tpu.memory_space<vmem_shared>>) dst(%dma_wait3A_123 : memref<640xf32, #tpu.memory_space<vmem>>)
      tpu.yield
    }) : () -> ()
    %mul3A_52 = arith.constant 640 : i32
    %mul3A_53 = arith.muli %arg1, %mul3A_52 : i32
    %add3A_54 = arith.constant 30720 : i32
    %add3A_55 = arith.addi %add3A_54, %mul3A_53 : i32
    "tpu.region"() ({
      %run_scoped3A = tpu.sem_alloc : memref<!tpu.dma_semaphore, #tpu.memory_space<semaphore_mem>>
      %dma_start3A = arith.constant 1920 : i32
      %dma_start3A_115 = tpu.memref_slice %arg8[%dma_start3A] : memref<10240xf32, #tpu.memory_space<vmem>> -> memref<640xf32, #tpu.memory_space<vmem>>
      %dma_start3A_116 = tpu.memref_slice %arg10[%add3A_55] : memref<163840xf32, #tpu.memory_space<vmem_shared>> -> memref<640xf32, #tpu.memory_space<vmem_shared>>
      %dma_start3A_117 = arith.constant 1920 : i32
      %dma_start3A_118 = tpu.memref_slice %arg8[%dma_start3A_117] : memref<10240xf32, #tpu.memory_space<vmem>> -> memref<640xf32, #tpu.memory_space<vmem>>
      %dma_start3A_119 = tpu.memref_slice %arg10[%add3A_55] : memref<163840xf32, #tpu.memory_space<vmem_shared>> -> memref<640xf32, #tpu.memory_space<vmem_shared>>
      tpu.enqueue_dma source(%dma_start3A_119 : memref<640xf32, #tpu.memory_space<vmem_shared>>) target(%dma_start3A_118 : memref<640xf32, #tpu.memory_space<vmem>>) target_semaphore(%run_scoped3A : memref<!tpu.dma_semaphore, #tpu.memory_space<semaphore_mem>>)
      %dma_wait3A = arith.constant 1920 : i32
      %dma_wait3A_120 = tpu.memref_slice %arg8[%dma_wait3A] : memref<10240xf32, #tpu.memory_space<vmem>> -> memref<640xf32, #tpu.memory_space<vmem>>
      %dma_wait3A_121 = tpu.memref_slice %arg10[%add3A_55] : memref<163840xf32, #tpu.memory_space<vmem_shared>> -> memref<640xf32, #tpu.memory_space<vmem_shared>>
      %dma_wait3A_122 = arith.constant 1920 : i32
      %dma_wait3A_123 = tpu.memref_slice %arg8[%dma_wait3A_122] : memref<10240xf32, #tpu.memory_space<vmem>> -> memref<640xf32, #tpu.memory_space<vmem>>
      %dma_wait3A_124 = tpu.memref_slice %arg10[%add3A_55] : memref<163840xf32, #tpu.memory_space<vmem_shared>> -> memref<640xf32, #tpu.memory_space<vmem_shared>>
      tpu.wait_dma2 semaphore(%run_scoped3A : memref<!tpu.dma_semaphore, #tpu.memory_space<semaphore_mem>>) src(%dma_wait3A_124 : memref<640xf32, #tpu.memory_space<vmem_shared>>) dst(%dma_wait3A_123 : memref<640xf32, #tpu.memory_space<vmem>>)
      tpu.yield
    }) : () -> ()
    %mul3A_56 = arith.constant 640 : i32
    %mul3A_57 = arith.muli %arg1, %mul3A_56 : i32
    %add3A_58 = arith.constant 40960 : i32
    %add3A_59 = arith.addi %add3A_58, %mul3A_57 : i32
    "tpu.region"() ({
      %run_scoped3A = tpu.sem_alloc : memref<!tpu.dma_semaphore, #tpu.memory_space<semaphore_mem>>
      %dma_start3A = arith.constant 2560 : i32
      %dma_start3A_115 = tpu.memref_slice %arg8[%dma_start3A] : memref<10240xf32, #tpu.memory_space<vmem>> -> memref<640xf32, #tpu.memory_space<vmem>>
      %dma_start3A_116 = tpu.memref_slice %arg10[%add3A_59] : memref<163840xf32, #tpu.memory_space<vmem_shared>> -> memref<640xf32, #tpu.memory_space<vmem_shared>>
      %dma_start3A_117 = arith.constant 2560 : i32
      %dma_start3A_118 = tpu.memref_slice %arg8[%dma_start3A_117] : memref<10240xf32, #tpu.memory_space<vmem>> -> memref<640xf32, #tpu.memory_space<vmem>>
      %dma_start3A_119 = tpu.memref_slice %arg10[%add3A_59] : memref<163840xf32, #tpu.memory_space<vmem_shared>> -> memref<640xf32, #tpu.memory_space<vmem_shared>>
      tpu.enqueue_dma source(%dma_start3A_119 : memref<640xf32, #tpu.memory_space<vmem_shared>>) target(%dma_start3A_118 : memref<640xf32, #tpu.memory_space<vmem>>) target_semaphore(%run_scoped3A : memref<!tpu.dma_semaphore, #tpu.memory_space<semaphore_mem>>)
      %dma_wait3A = arith.constant 2560 : i32
      %dma_wait3A_120 = tpu.memref_slice %arg8[%dma_wait3A] : memref<10240xf32, #tpu.memory_space<vmem>> -> memref<640xf32, #tpu.memory_space<vmem>>
      %dma_wait3A_121 = tpu.memref_slice %arg10[%add3A_59] : memref<163840xf32, #tpu.memory_space<vmem_shared>> -> memref<640xf32, #tpu.memory_space<vmem_shared>>
      %dma_wait3A_122 = arith.constant 2560 : i32
      %dma_wait3A_123 = tpu.memref_slice %arg8[%dma_wait3A_122] : memref<10240xf32, #tpu.memory_space<vmem>> -> memref<640xf32, #tpu.memory_space<vmem>>
      %dma_wait3A_124 = tpu.memref_slice %arg10[%add3A_59] : memref<163840xf32, #tpu.memory_space<vmem_shared>> -> memref<640xf32, #tpu.memory_space<vmem_shared>>
      tpu.wait_dma2 semaphore(%run_scoped3A : memref<!tpu.dma_semaphore, #tpu.memory_space<semaphore_mem>>) src(%dma_wait3A_124 : memref<640xf32, #tpu.memory_space<vmem_shared>>) dst(%dma_wait3A_123 : memref<640xf32, #tpu.memory_space<vmem>>)
      tpu.yield
    }) : () -> ()
    %mul3A_60 = arith.constant 640 : i32
    %mul3A_61 = arith.muli %arg1, %mul3A_60 : i32
    %add3A_62 = arith.constant 51200 : i32
    %add3A_63 = arith.addi %add3A_62, %mul3A_61 : i32
    "tpu.region"() ({
      %run_scoped3A = tpu.sem_alloc : memref<!tpu.dma_semaphore, #tpu.memory_space<semaphore_mem>>
      %dma_start3A = arith.constant 3200 : i32
      %dma_start3A_115 = tpu.memref_slice %arg8[%dma_start3A] : memref<10240xf32, #tpu.memory_space<vmem>> -> memref<640xf32, #tpu.memory_space<vmem>>
      %dma_start3A_116 = tpu.memref_slice %arg10[%add3A_63] : memref<163840xf32, #tpu.memory_space<vmem_shared>> -> memref<640xf32, #tpu.memory_space<vmem_shared>>
      %dma_start3A_117 = arith.constant 3200 : i32
      %dma_start3A_118 = tpu.memref_slice %arg8[%dma_start3A_117] : memref<10240xf32, #tpu.memory_space<vmem>> -> memref<640xf32, #tpu.memory_space<vmem>>
      %dma_start3A_119 = tpu.memref_slice %arg10[%add3A_63] : memref<163840xf32, #tpu.memory_space<vmem_shared>> -> memref<640xf32, #tpu.memory_space<vmem_shared>>
      tpu.enqueue_dma source(%dma_start3A_119 : memref<640xf32, #tpu.memory_space<vmem_shared>>) target(%dma_start3A_118 : memref<640xf32, #tpu.memory_space<vmem>>) target_semaphore(%run_scoped3A : memref<!tpu.dma_semaphore, #tpu.memory_space<semaphore_mem>>)
      %dma_wait3A = arith.constant 3200 : i32
      %dma_wait3A_120 = tpu.memref_slice %arg8[%dma_wait3A] : memref<10240xf32, #tpu.memory_space<vmem>> -> memref<640xf32, #tpu.memory_space<vmem>>
      %dma_wait3A_121 = tpu.memref_slice %arg10[%add3A_63] : memref<163840xf32, #tpu.memory_space<vmem_shared>> -> memref<640xf32, #tpu.memory_space<vmem_shared>>
      %dma_wait3A_122 = arith.constant 3200 : i32
      %dma_wait3A_123 = tpu.memref_slice %arg8[%dma_wait3A_122] : memref<10240xf32, #tpu.memory_space<vmem>> -> memref<640xf32, #tpu.memory_space<vmem>>
      %dma_wait3A_124 = tpu.memref_slice %arg10[%add3A_63] : memref<163840xf32, #tpu.memory_space<vmem_shared>> -> memref<640xf32, #tpu.memory_space<vmem_shared>>
      tpu.wait_dma2 semaphore(%run_scoped3A : memref<!tpu.dma_semaphore, #tpu.memory_space<semaphore_mem>>) src(%dma_wait3A_124 : memref<640xf32, #tpu.memory_space<vmem_shared>>) dst(%dma_wait3A_123 : memref<640xf32, #tpu.memory_space<vmem>>)
      tpu.yield
    }) : () -> ()
    %mul3A_64 = arith.constant 640 : i32
    %mul3A_65 = arith.muli %arg1, %mul3A_64 : i32
    %add3A_66 = arith.constant 61440 : i32
    %add3A_67 = arith.addi %add3A_66, %mul3A_65 : i32
    "tpu.region"() ({
      %run_scoped3A = tpu.sem_alloc : memref<!tpu.dma_semaphore, #tpu.memory_space<semaphore_mem>>
      %dma_start3A = arith.constant 3840 : i32
      %dma_start3A_115 = tpu.memref_slice %arg8[%dma_start3A] : memref<10240xf32, #tpu.memory_space<vmem>> -> memref<640xf32, #tpu.memory_space<vmem>>
      %dma_start3A_116 = tpu.memref_slice %arg10[%add3A_67] : memref<163840xf32, #tpu.memory_space<vmem_shared>> -> memref<640xf32, #tpu.memory_space<vmem_shared>>
      %dma_start3A_117 = arith.constant 3840 : i32
      %dma_start3A_118 = tpu.memref_slice %arg8[%dma_start3A_117] : memref<10240xf32, #tpu.memory_space<vmem>> -> memref<640xf32, #tpu.memory_space<vmem>>
      %dma_start3A_119 = tpu.memref_slice %arg10[%add3A_67] : memref<163840xf32, #tpu.memory_space<vmem_shared>> -> memref<640xf32, #tpu.memory_space<vmem_shared>>
      tpu.enqueue_dma source(%dma_start3A_119 : memref<640xf32, #tpu.memory_space<vmem_shared>>) target(%dma_start3A_118 : memref<640xf32, #tpu.memory_space<vmem>>) target_semaphore(%run_scoped3A : memref<!tpu.dma_semaphore, #tpu.memory_space<semaphore_mem>>)
      %dma_wait3A = arith.constant 3840 : i32
      %dma_wait3A_120 = tpu.memref_slice %arg8[%dma_wait3A] : memref<10240xf32, #tpu.memory_space<vmem>> -> memref<640xf32, #tpu.memory_space<vmem>>
      %dma_wait3A_121 = tpu.memref_slice %arg10[%add3A_67] : memref<163840xf32, #tpu.memory_space<vmem_shared>> -> memref<640xf32, #tpu.memory_space<vmem_shared>>
      %dma_wait3A_122 = arith.constant 3840 : i32
      %dma_wait3A_123 = tpu.memref_slice %arg8[%dma_wait3A_122] : memref<10240xf32, #tpu.memory_space<vmem>> -> memref<640xf32, #tpu.memory_space<vmem>>
      %dma_wait3A_124 = tpu.memref_slice %arg10[%add3A_67] : memref<163840xf32, #tpu.memory_space<vmem_shared>> -> memref<640xf32, #tpu.memory_space<vmem_shared>>
      tpu.wait_dma2 semaphore(%run_scoped3A : memref<!tpu.dma_semaphore, #tpu.memory_space<semaphore_mem>>) src(%dma_wait3A_124 : memref<640xf32, #tpu.memory_space<vmem_shared>>) dst(%dma_wait3A_123 : memref<640xf32, #tpu.memory_space<vmem>>)
      tpu.yield
    }) : () -> ()
    %mul3A_68 = arith.constant 640 : i32
    %mul3A_69 = arith.muli %arg1, %mul3A_68 : i32
    %add3A_70 = arith.constant 71680 : i32
    %add3A_71 = arith.addi %add3A_70, %mul3A_69 : i32
    "tpu.region"() ({
      %run_scoped3A = tpu.sem_alloc : memref<!tpu.dma_semaphore, #tpu.memory_space<semaphore_mem>>
      %dma_start3A = arith.constant 4480 : i32
      %dma_start3A_115 = tpu.memref_slice %arg8[%dma_start3A] : memref<10240xf32, #tpu.memory_space<vmem>> -> memref<640xf32, #tpu.memory_space<vmem>>
      %dma_start3A_116 = tpu.memref_slice %arg10[%add3A_71] : memref<163840xf32, #tpu.memory_space<vmem_shared>> -> memref<640xf32, #tpu.memory_space<vmem_shared>>
      %dma_start3A_117 = arith.constant 4480 : i32
      %dma_start3A_118 = tpu.memref_slice %arg8[%dma_start3A_117] : memref<10240xf32, #tpu.memory_space<vmem>> -> memref<640xf32, #tpu.memory_space<vmem>>
      %dma_start3A_119 = tpu.memref_slice %arg10[%add3A_71] : memref<163840xf32, #tpu.memory_space<vmem_shared>> -> memref<640xf32, #tpu.memory_space<vmem_shared>>
      tpu.enqueue_dma source(%dma_start3A_119 : memref<640xf32, #tpu.memory_space<vmem_shared>>) target(%dma_start3A_118 : memref<640xf32, #tpu.memory_space<vmem>>) target_semaphore(%run_scoped3A : memref<!tpu.dma_semaphore, #tpu.memory_space<semaphore_mem>>)
      %dma_wait3A = arith.constant 4480 : i32
      %dma_wait3A_120 = tpu.memref_slice %arg8[%dma_wait3A] : memref<10240xf32, #tpu.memory_space<vmem>> -> memref<640xf32, #tpu.memory_space<vmem>>
      %dma_wait3A_121 = tpu.memref_slice %arg10[%add3A_71] : memref<163840xf32, #tpu.memory_space<vmem_shared>> -> memref<640xf32, #tpu.memory_space<vmem_shared>>
      %dma_wait3A_122 = arith.constant 4480 : i32
      %dma_wait3A_123 = tpu.memref_slice %arg8[%dma_wait3A_122] : memref<10240xf32, #tpu.memory_space<vmem>> -> memref<640xf32, #tpu.memory_space<vmem>>
      %dma_wait3A_124 = tpu.memref_slice %arg10[%add3A_71] : memref<163840xf32, #tpu.memory_space<vmem_shared>> -> memref<640xf32, #tpu.memory_space<vmem_shared>>
      tpu.wait_dma2 semaphore(%run_scoped3A : memref<!tpu.dma_semaphore, #tpu.memory_space<semaphore_mem>>) src(%dma_wait3A_124 : memref<640xf32, #tpu.memory_space<vmem_shared>>) dst(%dma_wait3A_123 : memref<640xf32, #tpu.memory_space<vmem>>)
      tpu.yield
    }) : () -> ()
    %mul3A_72 = arith.constant 640 : i32
    %mul3A_73 = arith.muli %arg1, %mul3A_72 : i32
    %add3A_74 = arith.constant 81920 : i32
    %add3A_75 = arith.addi %add3A_74, %mul3A_73 : i32
    "tpu.region"() ({
      %run_scoped3A = tpu.sem_alloc : memref<!tpu.dma_semaphore, #tpu.memory_space<semaphore_mem>>
      %dma_start3A = arith.constant 5120 : i32
      %dma_start3A_115 = tpu.memref_slice %arg8[%dma_start3A] : memref<10240xf32, #tpu.memory_space<vmem>> -> memref<640xf32, #tpu.memory_space<vmem>>
      %dma_start3A_116 = tpu.memref_slice %arg10[%add3A_75] : memref<163840xf32, #tpu.memory_space<vmem_shared>> -> memref<640xf32, #tpu.memory_space<vmem_shared>>
      %dma_start3A_117 = arith.constant 5120 : i32
      %dma_start3A_118 = tpu.memref_slice %arg8[%dma_start3A_117] : memref<10240xf32, #tpu.memory_space<vmem>> -> memref<640xf32, #tpu.memory_space<vmem>>
      %dma_start3A_119 = tpu.memref_slice %arg10[%add3A_75] : memref<163840xf32, #tpu.memory_space<vmem_shared>> -> memref<640xf32, #tpu.memory_space<vmem_shared>>
      tpu.enqueue_dma source(%dma_start3A_119 : memref<640xf32, #tpu.memory_space<vmem_shared>>) target(%dma_start3A_118 : memref<640xf32, #tpu.memory_space<vmem>>) target_semaphore(%run_scoped3A : memref<!tpu.dma_semaphore, #tpu.memory_space<semaphore_mem>>)
      %dma_wait3A = arith.constant 5120 : i32
      %dma_wait3A_120 = tpu.memref_slice %arg8[%dma_wait3A] : memref<10240xf32, #tpu.memory_space<vmem>> -> memref<640xf32, #tpu.memory_space<vmem>>
      %dma_wait3A_121 = tpu.memref_slice %arg10[%add3A_75] : memref<163840xf32, #tpu.memory_space<vmem_shared>> -> memref<640xf32, #tpu.memory_space<vmem_shared>>
      %dma_wait3A_122 = arith.constant 5120 : i32
      %dma_wait3A_123 = tpu.memref_slice %arg8[%dma_wait3A_122] : memref<10240xf32, #tpu.memory_space<vmem>> -> memref<640xf32, #tpu.memory_space<vmem>>
      %dma_wait3A_124 = tpu.memref_slice %arg10[%add3A_75] : memref<163840xf32, #tpu.memory_space<vmem_shared>> -> memref<640xf32, #tpu.memory_space<vmem_shared>>
      tpu.wait_dma2 semaphore(%run_scoped3A : memref<!tpu.dma_semaphore, #tpu.memory_space<semaphore_mem>>) src(%dma_wait3A_124 : memref<640xf32, #tpu.memory_space<vmem_shared>>) dst(%dma_wait3A_123 : memref<640xf32, #tpu.memory_space<vmem>>)
      tpu.yield
    }) : () -> ()
    %mul3A_76 = arith.constant 640 : i32
    %mul3A_77 = arith.muli %arg1, %mul3A_76 : i32
    %add3A_78 = arith.constant 92160 : i32
    %add3A_79 = arith.addi %add3A_78, %mul3A_77 : i32
    "tpu.region"() ({
      %run_scoped3A = tpu.sem_alloc : memref<!tpu.dma_semaphore, #tpu.memory_space<semaphore_mem>>
      %dma_start3A = arith.constant 5760 : i32
      %dma_start3A_115 = tpu.memref_slice %arg8[%dma_start3A] : memref<10240xf32, #tpu.memory_space<vmem>> -> memref<640xf32, #tpu.memory_space<vmem>>
      %dma_start3A_116 = tpu.memref_slice %arg10[%add3A_79] : memref<163840xf32, #tpu.memory_space<vmem_shared>> -> memref<640xf32, #tpu.memory_space<vmem_shared>>
      %dma_start3A_117 = arith.constant 5760 : i32
      %dma_start3A_118 = tpu.memref_slice %arg8[%dma_start3A_117] : memref<10240xf32, #tpu.memory_space<vmem>> -> memref<640xf32, #tpu.memory_space<vmem>>
      %dma_start3A_119 = tpu.memref_slice %arg10[%add3A_79] : memref<163840xf32, #tpu.memory_space<vmem_shared>> -> memref<640xf32, #tpu.memory_space<vmem_shared>>
      tpu.enqueue_dma source(%dma_start3A_119 : memref<640xf32, #tpu.memory_space<vmem_shared>>) target(%dma_start3A_118 : memref<640xf32, #tpu.memory_space<vmem>>) target_semaphore(%run_scoped3A : memref<!tpu.dma_semaphore, #tpu.memory_space<semaphore_mem>>)
      %dma_wait3A = arith.constant 5760 : i32
      %dma_wait3A_120 = tpu.memref_slice %arg8[%dma_wait3A] : memref<10240xf32, #tpu.memory_space<vmem>> -> memref<640xf32, #tpu.memory_space<vmem>>
      %dma_wait3A_121 = tpu.memref_slice %arg10[%add3A_79] : memref<163840xf32, #tpu.memory_space<vmem_shared>> -> memref<640xf32, #tpu.memory_space<vmem_shared>>
      %dma_wait3A_122 = arith.constant 5760 : i32
      %dma_wait3A_123 = tpu.memref_slice %arg8[%dma_wait3A_122] : memref<10240xf32, #tpu.memory_space<vmem>> -> memref<640xf32, #tpu.memory_space<vmem>>
      %dma_wait3A_124 = tpu.memref_slice %arg10[%add3A_79] : memref<163840xf32, #tpu.memory_space<vmem_shared>> -> memref<640xf32, #tpu.memory_space<vmem_shared>>
      tpu.wait_dma2 semaphore(%run_scoped3A : memref<!tpu.dma_semaphore, #tpu.memory_space<semaphore_mem>>) src(%dma_wait3A_124 : memref<640xf32, #tpu.memory_space<vmem_shared>>) dst(%dma_wait3A_123 : memref<640xf32, #tpu.memory_space<vmem>>)
      tpu.yield
    }) : () -> ()
    %mul3A_80 = arith.constant 640 : i32
    %mul3A_81 = arith.muli %arg1, %mul3A_80 : i32
    %add3A_82 = arith.constant 102400 : i32
    %add3A_83 = arith.addi %add3A_82, %mul3A_81 : i32
    "tpu.region"() ({
      %run_scoped3A = tpu.sem_alloc : memref<!tpu.dma_semaphore, #tpu.memory_space<semaphore_mem>>
      %dma_start3A = arith.constant 6400 : i32
      %dma_start3A_115 = tpu.memref_slice %arg8[%dma_start3A] : memref<10240xf32, #tpu.memory_space<vmem>> -> memref<640xf32, #tpu.memory_space<vmem>>
      %dma_start3A_116 = tpu.memref_slice %arg10[%add3A_83] : memref<163840xf32, #tpu.memory_space<vmem_shared>> -> memref<640xf32, #tpu.memory_space<vmem_shared>>
      %dma_start3A_117 = arith.constant 6400 : i32
      %dma_start3A_118 = tpu.memref_slice %arg8[%dma_start3A_117] : memref<10240xf32, #tpu.memory_space<vmem>> -> memref<640xf32, #tpu.memory_space<vmem>>
      %dma_start3A_119 = tpu.memref_slice %arg10[%add3A_83] : memref<163840xf32, #tpu.memory_space<vmem_shared>> -> memref<640xf32, #tpu.memory_space<vmem_shared>>
      tpu.enqueue_dma source(%dma_start3A_119 : memref<640xf32, #tpu.memory_space<vmem_shared>>) target(%dma_start3A_118 : memref<640xf32, #tpu.memory_space<vmem>>) target_semaphore(%run_scoped3A : memref<!tpu.dma_semaphore, #tpu.memory_space<semaphore_mem>>)
      %dma_wait3A = arith.constant 6400 : i32
      %dma_wait3A_120 = tpu.memref_slice %arg8[%dma_wait3A] : memref<10240xf32, #tpu.memory_space<vmem>> -> memref<640xf32, #tpu.memory_space<vmem>>
      %dma_wait3A_121 = tpu.memref_slice %arg10[%add3A_83] : memref<163840xf32, #tpu.memory_space<vmem_shared>> -> memref<640xf32, #tpu.memory_space<vmem_shared>>
      %dma_wait3A_122 = arith.constant 6400 : i32
      %dma_wait3A_123 = tpu.memref_slice %arg8[%dma_wait3A_122] : memref<10240xf32, #tpu.memory_space<vmem>> -> memref<640xf32, #tpu.memory_space<vmem>>
      %dma_wait3A_124 = tpu.memref_slice %arg10[%add3A_83] : memref<163840xf32, #tpu.memory_space<vmem_shared>> -> memref<640xf32, #tpu.memory_space<vmem_shared>>
      tpu.wait_dma2 semaphore(%run_scoped3A : memref<!tpu.dma_semaphore, #tpu.memory_space<semaphore_mem>>) src(%dma_wait3A_124 : memref<640xf32, #tpu.memory_space<vmem_shared>>) dst(%dma_wait3A_123 : memref<640xf32, #tpu.memory_space<vmem>>)
      tpu.yield
    }) : () -> ()
    %mul3A_84 = arith.constant 640 : i32
    %mul3A_85 = arith.muli %arg1, %mul3A_84 : i32
    %add3A_86 = arith.constant 112640 : i32
    %add3A_87 = arith.addi %add3A_86, %mul3A_85 : i32
    "tpu.region"() ({
      %run_scoped3A = tpu.sem_alloc : memref<!tpu.dma_semaphore, #tpu.memory_space<semaphore_mem>>
      %dma_start3A = arith.constant 7040 : i32
      %dma_start3A_115 = tpu.memref_slice %arg8[%dma_start3A] : memref<10240xf32, #tpu.memory_space<vmem>> -> memref<640xf32, #tpu.memory_space<vmem>>
      %dma_start3A_116 = tpu.memref_slice %arg10[%add3A_87] : memref<163840xf32, #tpu.memory_space<vmem_shared>> -> memref<640xf32, #tpu.memory_space<vmem_shared>>
      %dma_start3A_117 = arith.constant 7040 : i32
      %dma_start3A_118 = tpu.memref_slice %arg8[%dma_start3A_117] : memref<10240xf32, #tpu.memory_space<vmem>> -> memref<640xf32, #tpu.memory_space<vmem>>
      %dma_start3A_119 = tpu.memref_slice %arg10[%add3A_87] : memref<163840xf32, #tpu.memory_space<vmem_shared>> -> memref<640xf32, #tpu.memory_space<vmem_shared>>
      tpu.enqueue_dma source(%dma_start3A_119 : memref<640xf32, #tpu.memory_space<vmem_shared>>) target(%dma_start3A_118 : memref<640xf32, #tpu.memory_space<vmem>>) target_semaphore(%run_scoped3A : memref<!tpu.dma_semaphore, #tpu.memory_space<semaphore_mem>>)
      %dma_wait3A = arith.constant 7040 : i32
      %dma_wait3A_120 = tpu.memref_slice %arg8[%dma_wait3A] : memref<10240xf32, #tpu.memory_space<vmem>> -> memref<640xf32, #tpu.memory_space<vmem>>
      %dma_wait3A_121 = tpu.memref_slice %arg10[%add3A_87] : memref<163840xf32, #tpu.memory_space<vmem_shared>> -> memref<640xf32, #tpu.memory_space<vmem_shared>>
      %dma_wait3A_122 = arith.constant 7040 : i32
      %dma_wait3A_123 = tpu.memref_slice %arg8[%dma_wait3A_122] : memref<10240xf32, #tpu.memory_space<vmem>> -> memref<640xf32, #tpu.memory_space<vmem>>
      %dma_wait3A_124 = tpu.memref_slice %arg10[%add3A_87] : memref<163840xf32, #tpu.memory_space<vmem_shared>> -> memref<640xf32, #tpu.memory_space<vmem_shared>>
      tpu.wait_dma2 semaphore(%run_scoped3A : memref<!tpu.dma_semaphore, #tpu.memory_space<semaphore_mem>>) src(%dma_wait3A_124 : memref<640xf32, #tpu.memory_space<vmem_shared>>) dst(%dma_wait3A_123 : memref<640xf32, #tpu.memory_space<vmem>>)
      tpu.yield
    }) : () -> ()
    %mul3A_88 = arith.constant 640 : i32
    %mul3A_89 = arith.muli %arg1, %mul3A_88 : i32
    %add3A_90 = arith.constant 122880 : i32
    %add3A_91 = arith.addi %add3A_90, %mul3A_89 : i32
    "tpu.region"() ({
      %run_scoped3A = tpu.sem_alloc : memref<!tpu.dma_semaphore, #tpu.memory_space<semaphore_mem>>
      %dma_start3A = arith.constant 7680 : i32
      %dma_start3A_115 = tpu.memref_slice %arg8[%dma_start3A] : memref<10240xf32, #tpu.memory_space<vmem>> -> memref<640xf32, #tpu.memory_space<vmem>>
      %dma_start3A_116 = tpu.memref_slice %arg10[%add3A_91] : memref<163840xf32, #tpu.memory_space<vmem_shared>> -> memref<640xf32, #tpu.memory_space<vmem_shared>>
      %dma_start3A_117 = arith.constant 7680 : i32
      %dma_start3A_118 = tpu.memref_slice %arg8[%dma_start3A_117] : memref<10240xf32, #tpu.memory_space<vmem>> -> memref<640xf32, #tpu.memory_space<vmem>>
      %dma_start3A_119 = tpu.memref_slice %arg10[%add3A_91] : memref<163840xf32, #tpu.memory_space<vmem_shared>> -> memref<640xf32, #tpu.memory_space<vmem_shared>>
      tpu.enqueue_dma source(%dma_start3A_119 : memref<640xf32, #tpu.memory_space<vmem_shared>>) target(%dma_start3A_118 : memref<640xf32, #tpu.memory_space<vmem>>) target_semaphore(%run_scoped3A : memref<!tpu.dma_semaphore, #tpu.memory_space<semaphore_mem>>)
      %dma_wait3A = arith.constant 7680 : i32
      %dma_wait3A_120 = tpu.memref_slice %arg8[%dma_wait3A] : memref<10240xf32, #tpu.memory_space<vmem>> -> memref<640xf32, #tpu.memory_space<vmem>>
      %dma_wait3A_121 = tpu.memref_slice %arg10[%add3A_91] : memref<163840xf32, #tpu.memory_space<vmem_shared>> -> memref<640xf32, #tpu.memory_space<vmem_shared>>
      %dma_wait3A_122 = arith.constant 7680 : i32
      %dma_wait3A_123 = tpu.memref_slice %arg8[%dma_wait3A_122] : memref<10240xf32, #tpu.memory_space<vmem>> -> memref<640xf32, #tpu.memory_space<vmem>>
      %dma_wait3A_124 = tpu.memref_slice %arg10[%add3A_91] : memref<163840xf32, #tpu.memory_space<vmem_shared>> -> memref<640xf32, #tpu.memory_space<vmem_shared>>
      tpu.wait_dma2 semaphore(%run_scoped3A : memref<!tpu.dma_semaphore, #tpu.memory_space<semaphore_mem>>) src(%dma_wait3A_124 : memref<640xf32, #tpu.memory_space<vmem_shared>>) dst(%dma_wait3A_123 : memref<640xf32, #tpu.memory_space<vmem>>)
      tpu.yield
    }) : () -> ()
    %mul3A_92 = arith.constant 640 : i32
    %mul3A_93 = arith.muli %arg1, %mul3A_92 : i32
    %add3A_94 = arith.constant 133120 : i32
    %add3A_95 = arith.addi %add3A_94, %mul3A_93 : i32
    "tpu.region"() ({
      %run_scoped3A = tpu.sem_alloc : memref<!tpu.dma_semaphore, #tpu.memory_space<semaphore_mem>>
      %dma_start3A = arith.constant 8320 : i32
      %dma_start3A_115 = tpu.memref_slice %arg8[%dma_start3A] : memref<10240xf32, #tpu.memory_space<vmem>> -> memref<640xf32, #tpu.memory_space<vmem>>
      %dma_start3A_116 = tpu.memref_slice %arg10[%add3A_95] : memref<163840xf32, #tpu.memory_space<vmem_shared>> -> memref<640xf32, #tpu.memory_space<vmem_shared>>
      %dma_start3A_117 = arith.constant 8320 : i32
      %dma_start3A_118 = tpu.memref_slice %arg8[%dma_start3A_117] : memref<10240xf32, #tpu.memory_space<vmem>> -> memref<640xf32, #tpu.memory_space<vmem>>
      %dma_start3A_119 = tpu.memref_slice %arg10[%add3A_95] : memref<163840xf32, #tpu.memory_space<vmem_shared>> -> memref<640xf32, #tpu.memory_space<vmem_shared>>
      tpu.enqueue_dma source(%dma_start3A_119 : memref<640xf32, #tpu.memory_space<vmem_shared>>) target(%dma_start3A_118 : memref<640xf32, #tpu.memory_space<vmem>>) target_semaphore(%run_scoped3A : memref<!tpu.dma_semaphore, #tpu.memory_space<semaphore_mem>>)
      %dma_wait3A = arith.constant 8320 : i32
      %dma_wait3A_120 = tpu.memref_slice %arg8[%dma_wait3A] : memref<10240xf32, #tpu.memory_space<vmem>> -> memref<640xf32, #tpu.memory_space<vmem>>
      %dma_wait3A_121 = tpu.memref_slice %arg10[%add3A_95] : memref<163840xf32, #tpu.memory_space<vmem_shared>> -> memref<640xf32, #tpu.memory_space<vmem_shared>>
      %dma_wait3A_122 = arith.constant 8320 : i32
      %dma_wait3A_123 = tpu.memref_slice %arg8[%dma_wait3A_122] : memref<10240xf32, #tpu.memory_space<vmem>> -> memref<640xf32, #tpu.memory_space<vmem>>
      %dma_wait3A_124 = tpu.memref_slice %arg10[%add3A_95] : memref<163840xf32, #tpu.memory_space<vmem_shared>> -> memref<640xf32, #tpu.memory_space<vmem_shared>>
      tpu.wait_dma2 semaphore(%run_scoped3A : memref<!tpu.dma_semaphore, #tpu.memory_space<semaphore_mem>>) src(%dma_wait3A_124 : memref<640xf32, #tpu.memory_space<vmem_shared>>) dst(%dma_wait3A_123 : memref<640xf32, #tpu.memory_space<vmem>>)
      tpu.yield
    }) : () -> ()
    %mul3A_96 = arith.constant 640 : i32
    %mul3A_97 = arith.muli %arg1, %mul3A_96 : i32
    %add3A_98 = arith.constant 143360 : i32
    %add3A_99 = arith.addi %add3A_98, %mul3A_97 : i32
    "tpu.region"() ({
      %run_scoped3A = tpu.sem_alloc : memref<!tpu.dma_semaphore, #tpu.memory_space<semaphore_mem>>
      %dma_start3A = arith.constant 8960 : i32
      %dma_start3A_115 = tpu.memref_slice %arg8[%dma_start3A] : memref<10240xf32, #tpu.memory_space<vmem>> -> memref<640xf32, #tpu.memory_space<vmem>>
      %dma_start3A_116 = tpu.memref_slice %arg10[%add3A_99] : memref<163840xf32, #tpu.memory_space<vmem_shared>> -> memref<640xf32, #tpu.memory_space<vmem_shared>>
      %dma_start3A_117 = arith.constant 8960 : i32
      %dma_start3A_118 = tpu.memref_slice %arg8[%dma_start3A_117] : memref<10240xf32, #tpu.memory_space<vmem>> -> memref<640xf32, #tpu.memory_space<vmem>>
      %dma_start3A_119 = tpu.memref_slice %arg10[%add3A_99] : memref<163840xf32, #tpu.memory_space<vmem_shared>> -> memref<640xf32, #tpu.memory_space<vmem_shared>>
      tpu.enqueue_dma source(%dma_start3A_119 : memref<640xf32, #tpu.memory_space<vmem_shared>>) target(%dma_start3A_118 : memref<640xf32, #tpu.memory_space<vmem>>) target_semaphore(%run_scoped3A : memref<!tpu.dma_semaphore, #tpu.memory_space<semaphore_mem>>)
      %dma_wait3A = arith.constant 8960 : i32
      %dma_wait3A_120 = tpu.memref_slice %arg8[%dma_wait3A] : memref<10240xf32, #tpu.memory_space<vmem>> -> memref<640xf32, #tpu.memory_space<vmem>>
      %dma_wait3A_121 = tpu.memref_slice %arg10[%add3A_99] : memref<163840xf32, #tpu.memory_space<vmem_shared>> -> memref<640xf32, #tpu.memory_space<vmem_shared>>
      %dma_wait3A_122 = arith.constant 8960 : i32
      %dma_wait3A_123 = tpu.memref_slice %arg8[%dma_wait3A_122] : memref<10240xf32, #tpu.memory_space<vmem>> -> memref<640xf32, #tpu.memory_space<vmem>>
      %dma_wait3A_124 = tpu.memref_slice %arg10[%add3A_99] : memref<163840xf32, #tpu.memory_space<vmem_shared>> -> memref<640xf32, #tpu.memory_space<vmem_shared>>
      tpu.wait_dma2 semaphore(%run_scoped3A : memref<!tpu.dma_semaphore, #tpu.memory_space<semaphore_mem>>) src(%dma_wait3A_124 : memref<640xf32, #tpu.memory_space<vmem_shared>>) dst(%dma_wait3A_123 : memref<640xf32, #tpu.memory_space<vmem>>)
      tpu.yield
    }) : () -> ()
    %mul3A_100 = arith.constant 640 : i32
    %mul3A_101 = arith.muli %arg1, %mul3A_100 : i32
    %add3A_102 = arith.constant 153600 : i32
    %add3A_103 = arith.addi %add3A_102, %mul3A_101 : i32
    "tpu.region"() ({
      %run_scoped3A = tpu.sem_alloc : memref<!tpu.dma_semaphore, #tpu.memory_space<semaphore_mem>>
      %dma_start3A = arith.constant 9600 : i32
      %dma_start3A_115 = tpu.memref_slice %arg8[%dma_start3A] : memref<10240xf32, #tpu.memory_space<vmem>> -> memref<640xf32, #tpu.memory_space<vmem>>
      %dma_start3A_116 = tpu.memref_slice %arg10[%add3A_103] : memref<163840xf32, #tpu.memory_space<vmem_shared>> -> memref<640xf32, #tpu.memory_space<vmem_shared>>
      %dma_start3A_117 = arith.constant 9600 : i32
      %dma_start3A_118 = tpu.memref_slice %arg8[%dma_start3A_117] : memref<10240xf32, #tpu.memory_space<vmem>> -> memref<640xf32, #tpu.memory_space<vmem>>
      %dma_start3A_119 = tpu.memref_slice %arg10[%add3A_103] : memref<163840xf32, #tpu.memory_space<vmem_shared>> -> memref<640xf32, #tpu.memory_space<vmem_shared>>
      tpu.enqueue_dma source(%dma_start3A_119 : memref<640xf32, #tpu.memory_space<vmem_shared>>) target(%dma_start3A_118 : memref<640xf32, #tpu.memory_space<vmem>>) target_semaphore(%run_scoped3A : memref<!tpu.dma_semaphore, #tpu.memory_space<semaphore_mem>>)
      %dma_wait3A = arith.constant 9600 : i32
      %dma_wait3A_120 = tpu.memref_slice %arg8[%dma_wait3A] : memref<10240xf32, #tpu.memory_space<vmem>> -> memref<640xf32, #tpu.memory_space<vmem>>
      %dma_wait3A_121 = tpu.memref_slice %arg10[%add3A_103] : memref<163840xf32, #tpu.memory_space<vmem_shared>> -> memref<640xf32, #tpu.memory_space<vmem_shared>>
      %dma_wait3A_122 = arith.constant 9600 : i32
      %dma_wait3A_123 = tpu.memref_slice %arg8[%dma_wait3A_122] : memref<10240xf32, #tpu.memory_space<vmem>> -> memref<640xf32, #tpu.memory_space<vmem>>
      %dma_wait3A_124 = tpu.memref_slice %arg10[%add3A_103] : memref<163840xf32, #tpu.memory_space<vmem_shared>> -> memref<640xf32, #tpu.memory_space<vmem_shared>>
      tpu.wait_dma2 semaphore(%run_scoped3A : memref<!tpu.dma_semaphore, #tpu.memory_space<semaphore_mem>>) src(%dma_wait3A_124 : memref<640xf32, #tpu.memory_space<vmem_shared>>) dst(%dma_wait3A_123 : memref<640xf32, #tpu.memory_space<vmem>>)
      tpu.yield
    }) : () -> ()
    %scan3A_104 = arith.constant 0 : i32
    %scan3A_105 = arith.constant 0 : i32
    %scan3A_106 = arith.constant 40 : i32
    %scan3A_107 = arith.addi %scan3A_105, %scan3A_106 : i32
    %scan3A_108 = arith.constant 1 : i32
    scf.for %scan3A_115 = %scan3A_105 to %scan3A_107 step %scan3A_108  : i32 {
      %broadcast_in_dim3A_116 = arith.constant 0.000000e+00 : f32
      %broadcast_in_dim3A_117 = vector.broadcast %broadcast_in_dim3A_116 : f32 to vector<16xf32>
      %mul3A_118 = arith.constant 16 : i32
      %mul3A_119 = arith.muli %scan3A_115, %mul3A_118 : i32
      %add3A_120 = arith.constant 0 : i32
      %add3A_121 = arith.addi %add3A_120, %mul3A_119 : i32
      %get3A = arith.index_cast %add3A_121 : i32 to index
      %get3A_122 = tpu.vector_load %arg8[%get3A] {strides = array<i32>} : memref<10240xf32, #tpu.memory_space<vmem>>, vector<16xf32>,
      %add3A_123 = arith.addf %broadcast_in_dim3A_117, %get3A_122 : vector<16xf32>
      %mul3A_124 = arith.constant 16 : i32
      %mul3A_125 = arith.muli %scan3A_115, %mul3A_124 : i32
      %add3A_126 = arith.constant 640 : i32
      %add3A_127 = arith.addi %add3A_126, %mul3A_125 : i32
      %get3A_128 = arith.index_cast %add3A_127 : i32 to index
      %get3A_129 = tpu.vector_load %arg8[%get3A_128] {strides = array<i32>} : memref<10240xf32, #tpu.memory_space<vmem>>, vector<16xf32>,
      %add3A_130 = arith.addf %add3A_123, %get3A_129 : vector<16xf32>
      %mul3A_131 = arith.constant 16 : i32
      %mul3A_132 = arith.muli %scan3A_115, %mul3A_131 : i32
      %add3A_133 = arith.constant 1280 : i32
      %add3A_134 = arith.addi %add3A_133, %mul3A_132 : i32
      %get3A_135 = arith.index_cast %add3A_134 : i32 to index
      %get3A_136 = tpu.vector_load %arg8[%get3A_135] {strides = array<i32>} : memref<10240xf32, #tpu.memory_space<vmem>>, vector<16xf32>,
      %add3A_137 = arith.addf %add3A_130, %get3A_136 : vector<16xf32>
      %mul3A_138 = arith.constant 16 : i32
      %mul3A_139 = arith.muli %scan3A_115, %mul3A_138 : i32
      %add3A_140 = arith.constant 1920 : i32
      %add3A_141 = arith.addi %add3A_140, %mul3A_139 : i32
      %get3A_142 = arith.index_cast %add3A_141 : i32 to index
      %get3A_143 = tpu.vector_load %arg8[%get3A_142] {strides = array<i32>} : memref<10240xf32, #tpu.memory_space<vmem>>, vector<16xf32>,
      %add3A_144 = arith.addf %add3A_137, %get3A_143 : vector<16xf32>
      %mul3A_145 = arith.constant 16 : i32
      %mul3A_146 = arith.muli %scan3A_115, %mul3A_145 : i32
      %add3A_147 = arith.constant 2560 : i32
      %add3A_148 = arith.addi %add3A_147, %mul3A_146 : i32
      %get3A_149 = arith.index_cast %add3A_148 : i32 to index
      %get3A_150 = tpu.vector_load %arg8[%get3A_149] {strides = array<i32>} : memref<10240xf32, #tpu.memory_space<vmem>>, vector<16xf32>,
      %add3A_151 = arith.addf %add3A_144, %get3A_150 : vector<16xf32>
      %mul3A_152 = arith.constant 16 : i32
      %mul3A_153 = arith.muli %scan3A_115, %mul3A_152 : i32
      %add3A_154 = arith.constant 3200 : i32
      %add3A_155 = arith.addi %add3A_154, %mul3A_153 : i32
      %get3A_156 = arith.index_cast %add3A_155 : i32 to index
      %get3A_157 = tpu.vector_load %arg8[%get3A_156] {strides = array<i32>} : memref<10240xf32, #tpu.memory_space<vmem>>, vector<16xf32>,
      %add3A_158 = arith.addf %add3A_151, %get3A_157 : vector<16xf32>
      %mul3A_159 = arith.constant 16 : i32
      %mul3A_160 = arith.muli %scan3A_115, %mul3A_159 : i32
      %add3A_161 = arith.constant 3840 : i32
      %add3A_162 = arith.addi %add3A_161, %mul3A_160 : i32
      %get3A_163 = arith.index_cast %add3A_162 : i32 to index
      %get3A_164 = tpu.vector_load %arg8[%get3A_163] {strides = array<i32>} : memref<10240xf32, #tpu.memory_space<vmem>>, vector<16xf32>,
      %add3A_165 = arith.addf %add3A_158, %get3A_164 : vector<16xf32>
      %mul3A_166 = arith.constant 16 : i32
      %mul3A_167 = arith.muli %scan3A_115, %mul3A_166 : i32
      %add3A_168 = arith.constant 4480 : i32
      %add3A_169 = arith.addi %add3A_168, %mul3A_167 : i32
      %get3A_170 = arith.index_cast %add3A_169 : i32 to index
      %get3A_171 = tpu.vector_load %arg8[%get3A_170] {strides = array<i32>} : memref<10240xf32, #tpu.memory_space<vmem>>, vector<16xf32>,
      %add3A_172 = arith.addf %add3A_165, %get3A_171 : vector<16xf32>
      %mul3A_173 = arith.constant 16 : i32
      %mul3A_174 = arith.muli %scan3A_115, %mul3A_173 : i32
      %add3A_175 = arith.constant 5120 : i32
      %add3A_176 = arith.addi %add3A_175, %mul3A_174 : i32
      %get3A_177 = arith.index_cast %add3A_176 : i32 to index
      %get3A_178 = tpu.vector_load %arg8[%get3A_177] {strides = array<i32>} : memref<10240xf32, #tpu.memory_space<vmem>>, vector<16xf32>,
      %add3A_179 = arith.addf %add3A_172, %get3A_178 : vector<16xf32>
      %mul3A_180 = arith.constant 16 : i32
      %mul3A_181 = arith.muli %scan3A_115, %mul3A_180 : i32
      %add3A_182 = arith.constant 5760 : i32
      %add3A_183 = arith.addi %add3A_182, %mul3A_181 : i32
      %get3A_184 = arith.index_cast %add3A_183 : i32 to index
      %get3A_185 = tpu.vector_load %arg8[%get3A_184] {strides = array<i32>} : memref<10240xf32, #tpu.memory_space<vmem>>, vector<16xf32>,
      %add3A_186 = arith.addf %add3A_179, %get3A_185 : vector<16xf32>
      %mul3A_187 = arith.constant 16 : i32
      %mul3A_188 = arith.muli %scan3A_115, %mul3A_187 : i32
      %add3A_189 = arith.constant 6400 : i32
      %add3A_190 = arith.addi %add3A_189, %mul3A_188 : i32
      %get3A_191 = arith.index_cast %add3A_190 : i32 to index
      %get3A_192 = tpu.vector_load %arg8[%get3A_191] {strides = array<i32>} : memref<10240xf32, #tpu.memory_space<vmem>>, vector<16xf32>,
      %add3A_193 = arith.addf %add3A_186, %get3A_192 : vector<16xf32>
      %mul3A_194 = arith.constant 16 : i32
      %mul3A_195 = arith.muli %scan3A_115, %mul3A_194 : i32
      %add3A_196 = arith.constant 7040 : i32
      %add3A_197 = arith.addi %add3A_196, %mul3A_195 : i32
      %get3A_198 = arith.index_cast %add3A_197 : i32 to index
      %get3A_199 = tpu.vector_load %arg8[%get3A_198] {strides = array<i32>} : memref<10240xf32, #tpu.memory_space<vmem>>, vector<16xf32>,
      %add3A_200 = arith.addf %add3A_193, %get3A_199 : vector<16xf32>
      %mul3A_201 = arith.constant 16 : i32
      %mul3A_202 = arith.muli %scan3A_115, %mul3A_201 : i32
      %add3A_203 = arith.constant 7680 : i32
      %add3A_204 = arith.addi %add3A_203, %mul3A_202 : i32
      %get3A_205 = arith.index_cast %add3A_204 : i32 to index
      %get3A_206 = tpu.vector_load %arg8[%get3A_205] {strides = array<i32>} : memref<10240xf32, #tpu.memory_space<vmem>>, vector<16xf32>,
      %add3A_207 = arith.addf %add3A_200, %get3A_206 : vector<16xf32>
      %mul3A_208 = arith.constant 16 : i32
      %mul3A_209 = arith.muli %scan3A_115, %mul3A_208 : i32
      %add3A_210 = arith.constant 8320 : i32
      %add3A_211 = arith.addi %add3A_210, %mul3A_209 : i32
      %get3A_212 = arith.index_cast %add3A_211 : i32 to index
      %get3A_213 = tpu.vector_load %arg8[%get3A_212] {strides = array<i32>} : memref<10240xf32, #tpu.memory_space<vmem>>, vector<16xf32>,
      %add3A_214 = arith.addf %add3A_207, %get3A_213 : vector<16xf32>
      %mul3A_215 = arith.constant 16 : i32
      %mul3A_216 = arith.muli %scan3A_115, %mul3A_215 : i32
      %add3A_217 = arith.constant 8960 : i32
      %add3A_218 = arith.addi %add3A_217, %mul3A_216 : i32
      %get3A_219 = arith.index_cast %add3A_218 : i32 to index
      %get3A_220 = tpu.vector_load %arg8[%get3A_219] {strides = array<i32>} : memref<10240xf32, #tpu.memory_space<vmem>>, vector<16xf32>,
      %add3A_221 = arith.addf %add3A_214, %get3A_220 : vector<16xf32>
      %mul3A_222 = arith.constant 16 : i32
      %mul3A_223 = arith.muli %scan3A_115, %mul3A_222 : i32
      %add3A_224 = arith.constant 9600 : i32
      %add3A_225 = arith.addi %add3A_224, %mul3A_223 : i32
      %get3A_226 = arith.index_cast %add3A_225 : i32 to index
      %get3A_227 = tpu.vector_load %arg8[%get3A_226] {strides = array<i32>} : memref<10240xf32, #tpu.memory_space<vmem>>, vector<16xf32>,
      %add3A_228 = arith.addf %add3A_221, %get3A_227 : vector<16xf32>
      %mul3A_229 = arith.constant 16 : i32
      %mul3A_230 = arith.muli %scan3A_115, %mul3A_229 : i32
      %swap3A = arith.index_cast %mul3A_230 : i32 to index
      %swap3A_231 = tpu.vector_load %arg9[%swap3A] {strides = array<i32>} : memref<640xf32, #tpu.memory_space<vmem>>, vector<16xf32>,
      tpu.vector_store %arg9[%swap3A], %add3A_228 {strides = array<i32>} : memref<640xf32, #tpu.memory_space<vmem>>, vector<16xf32>,
    }
    %scan3A_109 = arith.constant 40 : i32
    %mul3A_110 = arith.constant 10240 : i32
    %mul3A_111 = arith.muli %arg0, %mul3A_110 : i32
    %mul3A_112 = arith.constant 640 : i32
    %mul3A_113 = arith.muli %arg1, %mul3A_112 : i32
    %add3A_114 = arith.addi %mul3A_111, %mul3A_113 : i32
    "tpu.region"() ({
      %run_scoped3A = tpu.sem_alloc : memref<!tpu.dma_semaphore, #tpu.memory_space<semaphore_mem>>
      %dma_start3A = tpu.memref_slice %arg4[%add3A_114] : memref<20480xf32, #tpu.memory_space<hbm>> -> memref<640xf32, #tpu.memory_space<hbm>>
      %dma_start3A_115 = tpu.memref_slice %arg4[%add3A_114] : memref<20480xf32, #tpu.memory_space<hbm>> -> memref<640xf32, #tpu.memory_space<hbm>>
      tpu.enqueue_dma source(%arg9 : memref<640xf32, #tpu.memory_space<vmem>>) target(%dma_start3A_115 : memref<640xf32, #tpu.memory_space<hbm>>) target_semaphore(%run_scoped3A : memref<!tpu.dma_semaphore, #tpu.memory_space<semaphore_mem>>)
      %dma_wait3A = tpu.memref_slice %arg4[%add3A_114] : memref<20480xf32, #tpu.memory_space<hbm>> -> memref<640xf32, #tpu.memory_space<hbm>>
      %dma_wait3A_116 = tpu.memref_slice %arg4[%add3A_114] : memref<20480xf32, #tpu.memory_space<hbm>> -> memref<640xf32, #tpu.memory_space<hbm>>
      tpu.wait_dma2 semaphore(%run_scoped3A : memref<!tpu.dma_semaphore, #tpu.memory_space<semaphore_mem>>) src(%arg9 : memref<640xf32, #tpu.memory_space<vmem>>) dst(%dma_wait3A_116 : memref<640xf32, #tpu.memory_space<hbm>>)
      tpu.yield
    }) : () -> ()
    return
  }
}

#map = affine_map<(d0, d1) -> (0, 0)>
module attributes {stable_mosaic.version = 14 : i64} {
  func.func @body(%arg0: i32, %arg1: i32, %arg2: memref<10240x128xf32, #tpu.memory_space<hbm>>, %arg3: memref<2560x125xi32, #tpu.memory_space<hbm>>, %arg4: memref<2560x125xi32, #tpu.memory_space<hbm>>, %arg5: memref<10240x128xf32, #tpu.memory_space<hbm>>, %arg6: memref<20480x128xf32, #tpu.memory_space<hbm>>, %arg7: memref<40x125xi32, #tpu.memory_space<vmem>>, %arg8: memref<40x125xi32, #tpu.memory_space<vmem>>, %arg9: memref<125x128xf32, #tpu.memory_space<vmem>>, %arg10: memref<125x128xf32, #tpu.memory_space<vmem>>, %arg11: memref<!tpu.dma_semaphore, #tpu.memory_space<semaphore_mem>>, %arg12: memref<!tpu.dma_semaphore, #tpu.memory_space<semaphore_mem>>, %arg13: memref<!tpu.dma_semaphore, #tpu.memory_space<semaphore_mem>>, %arg14: memref<!tpu.dma_semaphore, #tpu.memory_space<semaphore_mem>>, %arg15: memref<10240x128xf32, #tpu.memory_space<vmem_shared>>) attributes {dimension_semantics = [#tpu.dimension_semantics<core_parallel>, #tpu.dimension_semantics<subcore_parallel>], iteration_bounds = array<i64: 2, 16>, scalar_prefetch = 0 : i64, scratch_operands = 9 : i64, tpu.core_type = #tpu.core_type<sc_vector_subcore>, window_params = [{transform_indices = #map}, {transform_indices = #map}, {transform_indices = #map}, {transform_indices = #map}, {transform_indices = #map}]} {
    %mul3A = arith.constant 2 : i32
    %mul3A_0 = arith.muli %arg1, %mul3A : i32
    %add3A = arith.addi %mul3A_0, %arg0 : i32
    %eq3A = arith.constant 0 : i32
    %eq3A_1 = arith.cmpi eq, %arg0, %eq3A : i32
    %convert_element_type3A = arith.extui %eq3A_1 : i1 to i32
    %cond3A = arith.constant 0 : i32
    %cond3A_2 = arith.cmpi ne, %convert_element_type3A, %cond3A : i32
    scf.if %cond3A_2 {
      %mul3A_125 = arith.constant 640 : i32
      %mul3A_126 = arith.muli %arg1, %mul3A_125 : i32
      %mul3A_127 = arith.constant 640 : i32
      %mul3A_128 = arith.muli %arg1, %mul3A_127 : i32
      "tpu.region"() ({
        %run_scoped3A_129 = tpu.sem_alloc : memref<!tpu.dma_semaphore, #tpu.memory_space<semaphore_mem>>
        %dma_start3A_130 = arith.constant 0 : i32
        %dma_start3A_131 = tpu.memref_slice %arg15[%mul3A_128, %dma_start3A_130] : memref<10240x128xf32, #tpu.memory_space<vmem_shared>> -> memref<640x128xf32, #tpu.memory_space<vmem_shared>>
        %dma_start3A_132 = arith.constant 0 : i32
        %dma_start3A_133 = tpu.memref_slice %arg2[%mul3A_126, %dma_start3A_132] : memref<10240x128xf32, #tpu.memory_space<hbm>> -> memref<640x128xf32, #tpu.memory_space<hbm>>
        tpu.enqueue_dma source(%dma_start3A_133 : memref<640x128xf32, #tpu.memory_space<hbm>>) target(%dma_start3A_131 : memref<640x128xf32, #tpu.memory_space<vmem_shared>>) target_semaphore(%run_scoped3A_129 : memref<!tpu.dma_semaphore, #tpu.memory_space<semaphore_mem>>)
        %dma_wait3A_134 = arith.constant 0 : i32
        %dma_wait3A_135 = tpu.memref_slice %arg15[%mul3A_128, %dma_wait3A_134] : memref<10240x128xf32, #tpu.memory_space<vmem_shared>> -> memref<640x128xf32, #tpu.memory_space<vmem_shared>>
        %dma_wait3A_136 = arith.constant 0 : i32
        %dma_wait3A_137 = tpu.memref_slice %arg2[%mul3A_126, %dma_wait3A_136] : memref<10240x128xf32, #tpu.memory_space<hbm>> -> memref<640x128xf32, #tpu.memory_space<hbm>>
        tpu.wait_dma2 semaphore(%run_scoped3A_129 : memref<!tpu.dma_semaphore, #tpu.memory_space<semaphore_mem>>) src(%dma_wait3A_137 : memref<640x128xf32, #tpu.memory_space<hbm>>) dst(%dma_wait3A_135 : memref<640x128xf32, #tpu.memory_space<vmem_shared>>)
        tpu.yield
      }) : () -> ()
    } else {
    }
    %ne3A = arith.constant 0 : i32
    %ne3A_3 = arith.cmpi ne, %arg0, %ne3A : i32
    %convert_element_type3A_4 = arith.extui %ne3A_3 : i1 to i32
    %cond3A_5 = arith.constant 0 : i32
    %cond3A_6 = arith.cmpi ne, %convert_element_type3A_4, %cond3A_5 : i32
    scf.if %cond3A_6 {
      %mul3A_125 = arith.constant 640 : i32
      %mul3A_126 = arith.muli %arg1, %mul3A_125 : i32
      %mul3A_127 = arith.constant 640 : i32
      %mul3A_128 = arith.muli %arg1, %mul3A_127 : i32
      "tpu.region"() ({
        %run_scoped3A_129 = tpu.sem_alloc : memref<!tpu.dma_semaphore, #tpu.memory_space<semaphore_mem>>
        %dma_start3A_130 = arith.constant 0 : i32
        %dma_start3A_131 = tpu.memref_slice %arg15[%mul3A_128, %dma_start3A_130] : memref<10240x128xf32, #tpu.memory_space<vmem_shared>> -> memref<640x128xf32, #tpu.memory_space<vmem_shared>>
        %dma_start3A_132 = arith.constant 0 : i32
        %dma_start3A_133 = tpu.memref_slice %arg5[%mul3A_126, %dma_start3A_132] : memref<10240x128xf32, #tpu.memory_space<hbm>> -> memref<640x128xf32, #tpu.memory_space<hbm>>
        tpu.enqueue_dma source(%dma_start3A_133 : memref<640x128xf32, #tpu.memory_space<hbm>>) target(%dma_start3A_131 : memref<640x128xf32, #tpu.memory_space<vmem_shared>>) target_semaphore(%run_scoped3A_129 : memref<!tpu.dma_semaphore, #tpu.memory_space<semaphore_mem>>)
        %dma_wait3A_134 = arith.constant 0 : i32
        %dma_wait3A_135 = tpu.memref_slice %arg15[%mul3A_128, %dma_wait3A_134] : memref<10240x128xf32, #tpu.memory_space<vmem_shared>> -> memref<640x128xf32, #tpu.memory_space<vmem_shared>>
        %dma_wait3A_136 = arith.constant 0 : i32
        %dma_wait3A_137 = tpu.memref_slice %arg5[%mul3A_126, %dma_wait3A_136] : memref<10240x128xf32, #tpu.memory_space<hbm>> -> memref<640x128xf32, #tpu.memory_space<hbm>>
        tpu.wait_dma2 semaphore(%run_scoped3A_129 : memref<!tpu.dma_semaphore, #tpu.memory_space<semaphore_mem>>) src(%dma_wait3A_137 : memref<640x128xf32, #tpu.memory_space<hbm>>) dst(%dma_wait3A_135 : memref<640x128xf32, #tpu.memory_space<vmem_shared>>)
        tpu.yield
      }) : () -> ()
    } else {
    }
    %barrier3A = arith.constant 0 : index
    tpu.barrier barrier_id(%barrier3A)
    %mul3A_7 = arith.constant 80 : i32
    %mul3A_8 = arith.muli %add3A, %mul3A_7 : i32
    %add3A_9 = arith.constant 0 : i32
    %add3A_10 = arith.addi %mul3A_8, %add3A_9 : i32
    "tpu.region"() ({
      %run_scoped3A_125 = tpu.sem_alloc : memref<!tpu.dma_semaphore, #tpu.memory_space<semaphore_mem>>
      %dma_start3A_126 = arith.constant 0 : i32
      %dma_start3A_127 = tpu.memref_slice %arg3[%add3A_10, %dma_start3A_126] : memref<2560x125xi32, #tpu.memory_space<hbm>> -> memref<40x125xi32, #tpu.memory_space<hbm>>
      %dma_start3A_128 = arith.constant 0 : i32
      %dma_start3A_129 = tpu.memref_slice %arg3[%add3A_10, %dma_start3A_128] : memref<2560x125xi32, #tpu.memory_space<hbm>> -> memref<40x125xi32, #tpu.memory_space<hbm>>
      tpu.enqueue_dma source(%dma_start3A_129 : memref<40x125xi32, #tpu.memory_space<hbm>>) target(%arg7 : memref<40x125xi32, #tpu.memory_space<vmem>>) target_semaphore(%run_scoped3A_125 : memref<!tpu.dma_semaphore, #tpu.memory_space<semaphore_mem>>)
      %dma_wait3A_130 = arith.constant 0 : i32
      %dma_wait3A_131 = tpu.memref_slice %arg3[%add3A_10, %dma_wait3A_130] : memref<2560x125xi32, #tpu.memory_space<hbm>> -> memref<40x125xi32, #tpu.memory_space<hbm>>
      %dma_wait3A_132 = arith.constant 0 : i32
      %dma_wait3A_133 = tpu.memref_slice %arg3[%add3A_10, %dma_wait3A_132] : memref<2560x125xi32, #tpu.memory_space<hbm>> -> memref<40x125xi32, #tpu.memory_space<hbm>>
      tpu.wait_dma2 semaphore(%run_scoped3A_125 : memref<!tpu.dma_semaphore, #tpu.memory_space<semaphore_mem>>) src(%dma_wait3A_133 : memref<40x125xi32, #tpu.memory_space<hbm>>) dst(%arg7 : memref<40x125xi32, #tpu.memory_space<vmem>>)
      tpu.yield
    }) : () -> ()
    %mul3A_11 = arith.constant 80 : i32
    %mul3A_12 = arith.muli %add3A, %mul3A_11 : i32
    %add3A_13 = arith.constant 0 : i32
    %add3A_14 = arith.addi %mul3A_12, %add3A_13 : i32
    "tpu.region"() ({
      %run_scoped3A_125 = tpu.sem_alloc : memref<!tpu.dma_semaphore, #tpu.memory_space<semaphore_mem>>
      %dma_start3A_126 = arith.constant 0 : i32
      %dma_start3A_127 = tpu.memref_slice %arg4[%add3A_14, %dma_start3A_126] : memref<2560x125xi32, #tpu.memory_space<hbm>> -> memref<40x125xi32, #tpu.memory_space<hbm>>
      %dma_start3A_128 = arith.constant 0 : i32
      %dma_start3A_129 = tpu.memref_slice %arg4[%add3A_14, %dma_start3A_128] : memref<2560x125xi32, #tpu.memory_space<hbm>> -> memref<40x125xi32, #tpu.memory_space<hbm>>
      tpu.enqueue_dma source(%dma_start3A_129 : memref<40x125xi32, #tpu.memory_space<hbm>>) target(%arg8 : memref<40x125xi32, #tpu.memory_space<vmem>>) target_semaphore(%run_scoped3A_125 : memref<!tpu.dma_semaphore, #tpu.memory_space<semaphore_mem>>)
      %dma_wait3A_130 = arith.constant 0 : i32
      %dma_wait3A_131 = tpu.memref_slice %arg4[%add3A_14, %dma_wait3A_130] : memref<2560x125xi32, #tpu.memory_space<hbm>> -> memref<40x125xi32, #tpu.memory_space<hbm>>
      %dma_wait3A_132 = arith.constant 0 : i32
      %dma_wait3A_133 = tpu.memref_slice %arg4[%add3A_14, %dma_wait3A_132] : memref<2560x125xi32, #tpu.memory_space<hbm>> -> memref<40x125xi32, #tpu.memory_space<hbm>>
      tpu.wait_dma2 semaphore(%run_scoped3A_125 : memref<!tpu.dma_semaphore, #tpu.memory_space<semaphore_mem>>) src(%dma_wait3A_133 : memref<40x125xi32, #tpu.memory_space<hbm>>) dst(%arg8 : memref<40x125xi32, #tpu.memory_space<vmem>>)
      tpu.yield
    }) : () -> ()
    %dma_start3A = arith.constant 0 : i32
    %dma_start3A_15 = arith.constant 0 : i32
    %dma_start3A_16 = tpu.memref_slice %arg7[%dma_start3A, %dma_start3A_15] : memref<40x125xi32, #tpu.memory_space<vmem>> -> memref<1x125xi32, #tpu.memory_space<vmem>>
    %dma_start3A_17 = tpu.memref_squeeze %dma_start3A_16 : memref<1x125xi32, #tpu.memory_space<vmem>> -> memref<125xi32, #tpu.memory_space<vmem>>
    %dma_start3A_18 = arith.constant 0 : i32
    %dma_start3A_19 = arith.constant 0 : i32
    %dma_start3A_20 = tpu.memref_slice %arg2[%dma_start3A_18, %dma_start3A_19] : memref<10240x128xf32, #tpu.memory_space<hbm>> -> memref<10240x128xf32, #tpu.memory_space<hbm>>
    tpu.enqueue_indirect_dma source(%dma_start3A_20 : memref<10240x128xf32, #tpu.memory_space<hbm>>) target(%arg9 : memref<125x128xf32, #tpu.memory_space<vmem>>) offsets(%dma_start3A_17 : memref<125xi32, #tpu.memory_space<vmem>>) semaphore(%arg11 : memref<!tpu.dma_semaphore, #tpu.memory_space<semaphore_mem>>)
    %dma_wait3A = arith.constant 0 : i32
    %dma_wait3A_21 = arith.constant 0 : i32
    %dma_wait3A_22 = tpu.memref_slice %arg7[%dma_wait3A, %dma_wait3A_21] : memref<40x125xi32, #tpu.memory_space<vmem>> -> memref<1x125xi32, #tpu.memory_space<vmem>>
    %dma_wait3A_23 = tpu.memref_squeeze %dma_wait3A_22 : memref<1x125xi32, #tpu.memory_space<vmem>> -> memref<125xi32, #tpu.memory_space<vmem>>
    %dma_wait3A_24 = arith.constant 0 : i32
    %dma_wait3A_25 = arith.constant 0 : i32
    %dma_wait3A_26 = tpu.memref_slice %arg2[%dma_wait3A_24, %dma_wait3A_25] : memref<10240x128xf32, #tpu.memory_space<hbm>> -> memref<10240x128xf32, #tpu.memory_space<hbm>>
    tpu.wait_indirect_dma semaphore(%arg11 : memref<!tpu.dma_semaphore, #tpu.memory_space<semaphore_mem>>) src(%dma_wait3A_26 : memref<10240x128xf32, #tpu.memory_space<hbm>>) dst(%arg9 : memref<125x128xf32, #tpu.memory_space<vmem>>)
    %dma_start3A_27 = arith.constant 1 : i32
    %dma_start3A_28 = arith.constant 0 : i32
    %dma_start3A_29 = tpu.memref_slice %arg7[%dma_start3A_27, %dma_start3A_28] : memref<40x125xi32, #tpu.memory_space<vmem>> -> memref<1x125xi32, #tpu.memory_space<vmem>>
    %dma_start3A_30 = tpu.memref_squeeze %dma_start3A_29 : memref<1x125xi32, #tpu.memory_space<vmem>> -> memref<125xi32, #tpu.memory_space<vmem>>
    %dma_start3A_31 = arith.constant 0 : i32
    %dma_start3A_32 = arith.constant 0 : i32
    %dma_start3A_33 = tpu.memref_slice %arg2[%dma_start3A_31, %dma_start3A_32] : memref<10240x128xf32, #tpu.memory_space<hbm>> -> memref<10240x128xf32, #tpu.memory_space<hbm>>
    tpu.enqueue_indirect_dma source(%dma_start3A_33 : memref<10240x128xf32, #tpu.memory_space<hbm>>) target(%arg10 : memref<125x128xf32, #tpu.memory_space<vmem>>) offsets(%dma_start3A_30 : memref<125xi32, #tpu.memory_space<vmem>>) semaphore(%arg12 : memref<!tpu.dma_semaphore, #tpu.memory_space<semaphore_mem>>)
    %dma_start3A_34 = arith.constant 0 : i32
    %dma_start3A_35 = arith.constant 0 : i32
    %dma_start3A_36 = tpu.memref_slice %arg8[%dma_start3A_34, %dma_start3A_35] : memref<40x125xi32, #tpu.memory_space<vmem>> -> memref<1x125xi32, #tpu.memory_space<vmem>>
    %dma_start3A_37 = tpu.memref_squeeze %dma_start3A_36 : memref<1x125xi32, #tpu.memory_space<vmem>> -> memref<125xi32, #tpu.memory_space<vmem>>
    %dma_start3A_38 = arith.constant 0 : i32
    %dma_start3A_39 = arith.constant 0 : i32
    %dma_start3A_40 = tpu.memref_slice %arg15[%dma_start3A_38, %dma_start3A_39] : memref<10240x128xf32, #tpu.memory_space<vmem_shared>> -> memref<10240x128xf32, #tpu.memory_space<vmem_shared>>
    tpu.enqueue_indirect_dma source(%arg9 : memref<125x128xf32, #tpu.memory_space<vmem>>) target(%dma_start3A_40 : memref<10240x128xf32, #tpu.memory_space<vmem_shared>>) offsets(%dma_start3A_37 : memref<125xi32, #tpu.memory_space<vmem>>) semaphore(%arg13 : memref<!tpu.dma_semaphore, #tpu.memory_space<semaphore_mem>>) {add = true}
    %scan3A = arith.constant 0 : i32
    %scan3A_41 = arith.constant 0 : i32
    %scan3A_42 = arith.constant 19 : i32
    %scan3A_43 = arith.addi %scan3A_41, %scan3A_42 : i32
    %scan3A_44 = arith.constant 1 : i32
    scf.for %scan3A_125 = %scan3A_41 to %scan3A_43 step %scan3A_44  : i32 {
      %mul3A_126 = arith.constant 2 : i32
      %mul3A_127 = arith.muli %mul3A_126, %scan3A_125 : i32
      %add3A_128 = arith.constant 1 : i32
      %add3A_129 = arith.addi %mul3A_127, %add3A_128 : i32
      %add3A_130 = arith.constant 0 : i32
      %add3A_131 = arith.addi %add3A_129, %add3A_130 : i32
      %dma_wait3A_132 = arith.constant 0 : i32
      %dma_wait3A_133 = tpu.memref_slice %arg7[%add3A_131, %dma_wait3A_132] : memref<40x125xi32, #tpu.memory_space<vmem>> -> memref<1x125xi32, #tpu.memory_space<vmem>>
      %dma_wait3A_134 = tpu.memref_squeeze %dma_wait3A_133 : memref<1x125xi32, #tpu.memory_space<vmem>> -> memref<125xi32, #tpu.memory_space<vmem>>
      %dma_wait3A_135 = arith.constant 0 : i32
      %dma_wait3A_136 = arith.constant 0 : i32
      %dma_wait3A_137 = tpu.memref_slice %arg2[%dma_wait3A_135, %dma_wait3A_136] : memref<10240x128xf32, #tpu.memory_space<hbm>> -> memref<10240x128xf32, #tpu.memory_space<hbm>>
      tpu.wait_indirect_dma semaphore(%arg12 : memref<!tpu.dma_semaphore, #tpu.memory_space<semaphore_mem>>) src(%dma_wait3A_137 : memref<10240x128xf32, #tpu.memory_space<hbm>>) dst(%arg10 : memref<125x128xf32, #tpu.memory_space<vmem>>)
      %sub3A = arith.constant 1 : i32
      %sub3A_138 = arith.subi %add3A_131, %sub3A : i32
      %dma_wait3A_139 = arith.constant 0 : i32
      %dma_wait3A_140 = tpu.memref_slice %arg8[%sub3A_138, %dma_wait3A_139] : memref<40x125xi32, #tpu.memory_space<vmem>> -> memref<1x125xi32, #tpu.memory_space<vmem>>
      %dma_wait3A_141 = tpu.memref_squeeze %dma_wait3A_140 : memref<1x125xi32, #tpu.memory_space<vmem>> -> memref<125xi32, #tpu.memory_space<vmem>>
      %dma_wait3A_142 = arith.constant 0 : i32
      %dma_wait3A_143 = arith.constant 0 : i32
      %dma_wait3A_144 = tpu.memref_slice %arg15[%dma_wait3A_142, %dma_wait3A_143] : memref<10240x128xf32, #tpu.memory_space<vmem_shared>> -> memref<10240x128xf32, #tpu.memory_space<vmem_shared>>
      tpu.wait_indirect_dma semaphore(%arg13 : memref<!tpu.dma_semaphore, #tpu.memory_space<semaphore_mem>>) src(%arg9 : memref<125x128xf32, #tpu.memory_space<vmem>>) dst(%dma_wait3A_144 : memref<10240x128xf32, #tpu.memory_space<vmem_shared>>)
      %add3A_145 = arith.constant 1 : i32
      %add3A_146 = arith.addi %add3A_131, %add3A_145 : i32
      %dma_start3A_147 = arith.constant 0 : i32
      %dma_start3A_148 = tpu.memref_slice %arg7[%add3A_146, %dma_start3A_147] : memref<40x125xi32, #tpu.memory_space<vmem>> -> memref<1x125xi32, #tpu.memory_space<vmem>>
      %dma_start3A_149 = tpu.memref_squeeze %dma_start3A_148 : memref<1x125xi32, #tpu.memory_space<vmem>> -> memref<125xi32, #tpu.memory_space<vmem>>
      %dma_start3A_150 = arith.constant 0 : i32
      %dma_start3A_151 = arith.constant 0 : i32
      %dma_start3A_152 = tpu.memref_slice %arg2[%dma_start3A_150, %dma_start3A_151] : memref<10240x128xf32, #tpu.memory_space<hbm>> -> memref<10240x128xf32, #tpu.memory_space<hbm>>
      tpu.enqueue_indirect_dma source(%dma_start3A_152 : memref<10240x128xf32, #tpu.memory_space<hbm>>) target(%arg9 : memref<125x128xf32, #tpu.memory_space<vmem>>) offsets(%dma_start3A_149 : memref<125xi32, #tpu.memory_space<vmem>>) semaphore(%arg11 : memref<!tpu.dma_semaphore, #tpu.memory_space<semaphore_mem>>)
      %dma_start3A_153 = arith.constant 0 : i32
      %dma_start3A_154 = tpu.memref_slice %arg8[%add3A_131, %dma_start3A_153] : memref<40x125xi32, #tpu.memory_space<vmem>> -> memref<1x125xi32, #tpu.memory_space<vmem>>
      %dma_start3A_155 = tpu.memref_squeeze %dma_start3A_154 : memref<1x125xi32, #tpu.memory_space<vmem>> -> memref<125xi32, #tpu.memory_space<vmem>>
      %dma_start3A_156 = arith.constant 0 : i32
      %dma_start3A_157 = arith.constant 0 : i32
      %dma_start3A_158 = tpu.memref_slice %arg15[%dma_start3A_156, %dma_start3A_157] : memref<10240x128xf32, #tpu.memory_space<vmem_shared>> -> memref<10240x128xf32, #tpu.memory_space<vmem_shared>>
      tpu.enqueue_indirect_dma source(%arg10 : memref<125x128xf32, #tpu.memory_space<vmem>>) target(%dma_start3A_158 : memref<10240x128xf32, #tpu.memory_space<vmem_shared>>) offsets(%dma_start3A_155 : memref<125xi32, #tpu.memory_space<vmem>>) semaphore(%arg14 : memref<!tpu.dma_semaphore, #tpu.memory_space<semaphore_mem>>) {add = true}
      %mul3A_159 = arith.constant 2 : i32
      %mul3A_160 = arith.muli %mul3A_159, %scan3A_125 : i32
      %add3A_161 = arith.constant 1 : i32
      %add3A_162 = arith.addi %mul3A_160, %add3A_161 : i32
      %add3A_163 = arith.constant 1 : i32
      %add3A_164 = arith.addi %add3A_162, %add3A_163 : i32
      %dma_wait3A_165 = arith.constant 0 : i32
      %dma_wait3A_166 = tpu.memref_slice %arg7[%add3A_164, %dma_wait3A_165] : memref<40x125xi32, #tpu.memory_space<vmem>> -> memref<1x125xi32, #tpu.memory_space<vmem>>
      %dma_wait3A_167 = tpu.memref_squeeze %dma_wait3A_166 : memref<1x125xi32, #tpu.memory_space<vmem>> -> memref<125xi32, #tpu.memory_space<vmem>>
      %dma_wait3A_168 = arith.constant 0 : i32
      %dma_wait3A_169 = arith.constant 0 : i32
      %dma_wait3A_170 = tpu.memref_slice %arg2[%dma_wait3A_168, %dma_wait3A_169] : memref<10240x128xf32, #tpu.memory_space<hbm>> -> memref<10240x128xf32, #tpu.memory_space<hbm>>
      tpu.wait_indirect_dma semaphore(%arg11 : memref<!tpu.dma_semaphore, #tpu.memory_space<semaphore_mem>>) src(%dma_wait3A_170 : memref<10240x128xf32, #tpu.memory_space<hbm>>) dst(%arg9 : memref<125x128xf32, #tpu.memory_space<vmem>>)
      %sub3A_171 = arith.constant 1 : i32
      %sub3A_172 = arith.subi %add3A_164, %sub3A_171 : i32
      %dma_wait3A_173 = arith.constant 0 : i32
      %dma_wait3A_174 = tpu.memref_slice %arg8[%sub3A_172, %dma_wait3A_173] : memref<40x125xi32, #tpu.memory_space<vmem>> -> memref<1x125xi32, #tpu.memory_space<vmem>>
      %dma_wait3A_175 = tpu.memref_squeeze %dma_wait3A_174 : memref<1x125xi32, #tpu.memory_space<vmem>> -> memref<125xi32, #tpu.memory_space<vmem>>
      %dma_wait3A_176 = arith.constant 0 : i32
      %dma_wait3A_177 = arith.constant 0 : i32
      %dma_wait3A_178 = tpu.memref_slice %arg15[%dma_wait3A_176, %dma_wait3A_177] : memref<10240x128xf32, #tpu.memory_space<vmem_shared>> -> memref<10240x128xf32, #tpu.memory_space<vmem_shared>>
      tpu.wait_indirect_dma semaphore(%arg14 : memref<!tpu.dma_semaphore, #tpu.memory_space<semaphore_mem>>) src(%arg10 : memref<125x128xf32, #tpu.memory_space<vmem>>) dst(%dma_wait3A_178 : memref<10240x128xf32, #tpu.memory_space<vmem_shared>>)
      %add3A_179 = arith.constant 1 : i32
      %add3A_180 = arith.addi %add3A_164, %add3A_179 : i32
      %dma_start3A_181 = arith.constant 0 : i32
      %dma_start3A_182 = tpu.memref_slice %arg7[%add3A_180, %dma_start3A_181] : memref<40x125xi32, #tpu.memory_space<vmem>> -> memref<1x125xi32, #tpu.memory_space<vmem>>
      %dma_start3A_183 = tpu.memref_squeeze %dma_start3A_182 : memref<1x125xi32, #tpu.memory_space<vmem>> -> memref<125xi32, #tpu.memory_space<vmem>>
      %dma_start3A_184 = arith.constant 0 : i32
      %dma_start3A_185 = arith.constant 0 : i32
      %dma_start3A_186 = tpu.memref_slice %arg2[%dma_start3A_184, %dma_start3A_185] : memref<10240x128xf32, #tpu.memory_space<hbm>> -> memref<10240x128xf32, #tpu.memory_space<hbm>>
      tpu.enqueue_indirect_dma source(%dma_start3A_186 : memref<10240x128xf32, #tpu.memory_space<hbm>>) target(%arg10 : memref<125x128xf32, #tpu.memory_space<vmem>>) offsets(%dma_start3A_183 : memref<125xi32, #tpu.memory_space<vmem>>) semaphore(%arg12 : memref<!tpu.dma_semaphore, #tpu.memory_space<semaphore_mem>>)
      %dma_start3A_187 = arith.constant 0 : i32
      %dma_start3A_188 = tpu.memref_slice %arg8[%add3A_164, %dma_start3A_187] : memref<40x125xi32, #tpu.memory_space<vmem>> -> memref<1x125xi32, #tpu.memory_space<vmem>>
      %dma_start3A_189 = tpu.memref_squeeze %dma_start3A_188 : memref<1x125xi32, #tpu.memory_space<vmem>> -> memref<125xi32, #tpu.memory_space<vmem>>
      %dma_start3A_190 = arith.constant 0 : i32
      %dma_start3A_191 = arith.constant 0 : i32
      %dma_start3A_192 = tpu.memref_slice %arg15[%dma_start3A_190, %dma_start3A_191] : memref<10240x128xf32, #tpu.memory_space<vmem_shared>> -> memref<10240x128xf32, #tpu.memory_space<vmem_shared>>
      tpu.enqueue_indirect_dma source(%arg9 : memref<125x128xf32, #tpu.memory_space<vmem>>) target(%dma_start3A_192 : memref<10240x128xf32, #tpu.memory_space<vmem_shared>>) offsets(%dma_start3A_189 : memref<125xi32, #tpu.memory_space<vmem>>) semaphore(%arg13 : memref<!tpu.dma_semaphore, #tpu.memory_space<semaphore_mem>>) {add = true}
    }
    %scan3A_45 = arith.constant 19 : i32
    %dma_wait3A_46 = arith.constant 39 : i32
    %dma_wait3A_47 = arith.constant 0 : i32
    %dma_wait3A_48 = tpu.memref_slice %arg7[%dma_wait3A_46, %dma_wait3A_47] : memref<40x125xi32, #tpu.memory_space<vmem>> -> memref<1x125xi32, #tpu.memory_space<vmem>>
    %dma_wait3A_49 = tpu.memref_squeeze %dma_wait3A_48 : memref<1x125xi32, #tpu.memory_space<vmem>> -> memref<125xi32, #tpu.memory_space<vmem>>
    %dma_wait3A_50 = arith.constant 0 : i32
    %dma_wait3A_51 = arith.constant 0 : i32
    %dma_wait3A_52 = tpu.memref_slice %arg2[%dma_wait3A_50, %dma_wait3A_51] : memref<10240x128xf32, #tpu.memory_space<hbm>> -> memref<10240x128xf32, #tpu.memory_space<hbm>>
    tpu.wait_indirect_dma semaphore(%arg12 : memref<!tpu.dma_semaphore, #tpu.memory_space<semaphore_mem>>) src(%dma_wait3A_52 : memref<10240x128xf32, #tpu.memory_space<hbm>>) dst(%arg10 : memref<125x128xf32, #tpu.memory_space<vmem>>)
    %dma_wait3A_53 = arith.constant 38 : i32
    %dma_wait3A_54 = arith.constant 0 : i32
    %dma_wait3A_55 = tpu.memref_slice %arg8[%dma_wait3A_53, %dma_wait3A_54] : memref<40x125xi32, #tpu.memory_space<vmem>> -> memref<1x125xi32, #tpu.memory_space<vmem>>
    %dma_wait3A_56 = tpu.memref_squeeze %dma_wait3A_55 : memref<1x125xi32, #tpu.memory_space<vmem>> -> memref<125xi32, #tpu.memory_space<vmem>>
    %dma_wait3A_57 = arith.constant 0 : i32
    %dma_wait3A_58 = arith.constant 0 : i32
    %dma_wait3A_59 = tpu.memref_slice %arg15[%dma_wait3A_57, %dma_wait3A_58] : memref<10240x128xf32, #tpu.memory_space<vmem_shared>> -> memref<10240x128xf32, #tpu.memory_space<vmem_shared>>
    tpu.wait_indirect_dma semaphore(%arg13 : memref<!tpu.dma_semaphore, #tpu.memory_space<semaphore_mem>>) src(%arg9 : memref<125x128xf32, #tpu.memory_space<vmem>>) dst(%dma_wait3A_59 : memref<10240x128xf32, #tpu.memory_space<vmem_shared>>)
    %run_scoped3A = arith.constant 39 : i32
    "tpu.region"() ({
      %run_scoped3A_125 = tpu.sem_alloc : memref<!tpu.dma_semaphore, #tpu.memory_space<semaphore_mem>>
      %dma_start3A_126 = arith.constant 0 : i32
      %dma_start3A_127 = tpu.memref_slice %arg8[%run_scoped3A, %dma_start3A_126] : memref<40x125xi32, #tpu.memory_space<vmem>> -> memref<1x125xi32, #tpu.memory_space<vmem>>
      %dma_start3A_128 = tpu.memref_squeeze %dma_start3A_127 : memref<1x125xi32, #tpu.memory_space<vmem>> -> memref<125xi32, #tpu.memory_space<vmem>>
      %dma_start3A_129 = arith.constant 0 : i32
      %dma_start3A_130 = arith.constant 0 : i32
      %dma_start3A_131 = tpu.memref_slice %arg15[%dma_start3A_129, %dma_start3A_130] : memref<10240x128xf32, #tpu.memory_space<vmem_shared>> -> memref<10240x128xf32, #tpu.memory_space<vmem_shared>>
      tpu.enqueue_indirect_dma source(%arg10 : memref<125x128xf32, #tpu.memory_space<vmem>>) target(%dma_start3A_131 : memref<10240x128xf32, #tpu.memory_space<vmem_shared>>) offsets(%dma_start3A_128 : memref<125xi32, #tpu.memory_space<vmem>>) semaphore(%run_scoped3A_125 : memref<!tpu.dma_semaphore, #tpu.memory_space<semaphore_mem>>) {add = true}
      %dma_wait3A_132 = arith.constant 0 : i32
      %dma_wait3A_133 = tpu.memref_slice %arg8[%run_scoped3A, %dma_wait3A_132] : memref<40x125xi32, #tpu.memory_space<vmem>> -> memref<1x125xi32, #tpu.memory_space<vmem>>
      %dma_wait3A_134 = tpu.memref_squeeze %dma_wait3A_133 : memref<1x125xi32, #tpu.memory_space<vmem>> -> memref<125xi32, #tpu.memory_space<vmem>>
      %dma_wait3A_135 = arith.constant 0 : i32
      %dma_wait3A_136 = arith.constant 0 : i32
      %dma_wait3A_137 = tpu.memref_slice %arg15[%dma_wait3A_135, %dma_wait3A_136] : memref<10240x128xf32, #tpu.memory_space<vmem_shared>> -> memref<10240x128xf32, #tpu.memory_space<vmem_shared>>
      tpu.wait_indirect_dma semaphore(%run_scoped3A_125 : memref<!tpu.dma_semaphore, #tpu.memory_space<semaphore_mem>>) src(%arg10 : memref<125x128xf32, #tpu.memory_space<vmem>>) dst(%dma_wait3A_137 : memref<10240x128xf32, #tpu.memory_space<vmem_shared>>)
      tpu.yield
    }) : () -> ()
    %mul3A_60 = arith.constant 80 : i32
    %mul3A_61 = arith.muli %add3A, %mul3A_60 : i32
    %add3A_62 = arith.constant 40 : i32
    %add3A_63 = arith.addi %mul3A_61, %add3A_62 : i32
    "tpu.region"() ({
      %run_scoped3A_125 = tpu.sem_alloc : memref<!tpu.dma_semaphore, #tpu.memory_space<semaphore_mem>>
      %dma_start3A_126 = arith.constant 0 : i32
      %dma_start3A_127 = tpu.memref_slice %arg3[%add3A_63, %dma_start3A_126] : memref<2560x125xi32, #tpu.memory_space<hbm>> -> memref<40x125xi32, #tpu.memory_space<hbm>>
      %dma_start3A_128 = arith.constant 0 : i32
      %dma_start3A_129 = tpu.memref_slice %arg3[%add3A_63, %dma_start3A_128] : memref<2560x125xi32, #tpu.memory_space<hbm>> -> memref<40x125xi32, #tpu.memory_space<hbm>>
      tpu.enqueue_dma source(%dma_start3A_129 : memref<40x125xi32, #tpu.memory_space<hbm>>) target(%arg7 : memref<40x125xi32, #tpu.memory_space<vmem>>) target_semaphore(%run_scoped3A_125 : memref<!tpu.dma_semaphore, #tpu.memory_space<semaphore_mem>>)
      %dma_wait3A_130 = arith.constant 0 : i32
      %dma_wait3A_131 = tpu.memref_slice %arg3[%add3A_63, %dma_wait3A_130] : memref<2560x125xi32, #tpu.memory_space<hbm>> -> memref<40x125xi32, #tpu.memory_space<hbm>>
      %dma_wait3A_132 = arith.constant 0 : i32
      %dma_wait3A_133 = tpu.memref_slice %arg3[%add3A_63, %dma_wait3A_132] : memref<2560x125xi32, #tpu.memory_space<hbm>> -> memref<40x125xi32, #tpu.memory_space<hbm>>
      tpu.wait_dma2 semaphore(%run_scoped3A_125 : memref<!tpu.dma_semaphore, #tpu.memory_space<semaphore_mem>>) src(%dma_wait3A_133 : memref<40x125xi32, #tpu.memory_space<hbm>>) dst(%arg7 : memref<40x125xi32, #tpu.memory_space<vmem>>)
      tpu.yield
    }) : () -> ()
    %mul3A_64 = arith.constant 80 : i32
    %mul3A_65 = arith.muli %add3A, %mul3A_64 : i32
    %add3A_66 = arith.constant 40 : i32
    %add3A_67 = arith.addi %mul3A_65, %add3A_66 : i32
    "tpu.region"() ({
      %run_scoped3A_125 = tpu.sem_alloc : memref<!tpu.dma_semaphore, #tpu.memory_space<semaphore_mem>>
      %dma_start3A_126 = arith.constant 0 : i32
      %dma_start3A_127 = tpu.memref_slice %arg4[%add3A_67, %dma_start3A_126] : memref<2560x125xi32, #tpu.memory_space<hbm>> -> memref<40x125xi32, #tpu.memory_space<hbm>>
      %dma_start3A_128 = arith.constant 0 : i32
      %dma_start3A_129 = tpu.memref_slice %arg4[%add3A_67, %dma_start3A_128] : memref<2560x125xi32, #tpu.memory_space<hbm>> -> memref<40x125xi32, #tpu.memory_space<hbm>>
      tpu.enqueue_dma source(%dma_start3A_129 : memref<40x125xi32, #tpu.memory_space<hbm>>) target(%arg8 : memref<40x125xi32, #tpu.memory_space<vmem>>) target_semaphore(%run_scoped3A_125 : memref<!tpu.dma_semaphore, #tpu.memory_space<semaphore_mem>>)
      %dma_wait3A_130 = arith.constant 0 : i32
      %dma_wait3A_131 = tpu.memref_slice %arg4[%add3A_67, %dma_wait3A_130] : memref<2560x125xi32, #tpu.memory_space<hbm>> -> memref<40x125xi32, #tpu.memory_space<hbm>>
      %dma_wait3A_132 = arith.constant 0 : i32
      %dma_wait3A_133 = tpu.memref_slice %arg4[%add3A_67, %dma_wait3A_132] : memref<2560x125xi32, #tpu.memory_space<hbm>> -> memref<40x125xi32, #tpu.memory_space<hbm>>
      tpu.wait_dma2 semaphore(%run_scoped3A_125 : memref<!tpu.dma_semaphore, #tpu.memory_space<semaphore_mem>>) src(%dma_wait3A_133 : memref<40x125xi32, #tpu.memory_space<hbm>>) dst(%arg8 : memref<40x125xi32, #tpu.memory_space<vmem>>)
      tpu.yield
    }) : () -> ()
    %dma_start3A_68 = arith.constant 0 : i32
    %dma_start3A_69 = arith.constant 0 : i32
    %dma_start3A_70 = tpu.memref_slice %arg7[%dma_start3A_68, %dma_start3A_69] : memref<40x125xi32, #tpu.memory_space<vmem>> -> memref<1x125xi32, #tpu.memory_space<vmem>>
    %dma_start3A_71 = tpu.memref_squeeze %dma_start3A_70 : memref<1x125xi32, #tpu.memory_space<vmem>> -> memref<125xi32, #tpu.memory_space<vmem>>
    %dma_start3A_72 = arith.constant 0 : i32
    %dma_start3A_73 = arith.constant 0 : i32
    %dma_start3A_74 = tpu.memref_slice %arg2[%dma_start3A_72, %dma_start3A_73] : memref<10240x128xf32, #tpu.memory_space<hbm>> -> memref<10240x128xf32, #tpu.memory_space<hbm>>
    tpu.enqueue_indirect_dma source(%dma_start3A_74 : memref<10240x128xf32, #tpu.memory_space<hbm>>) target(%arg9 : memref<125x128xf32, #tpu.memory_space<vmem>>) offsets(%dma_start3A_71 : memref<125xi32, #tpu.memory_space<vmem>>) semaphore(%arg11 : memref<!tpu.dma_semaphore, #tpu.memory_space<semaphore_mem>>)
    %dma_wait3A_75 = arith.constant 0 : i32
    %dma_wait3A_76 = arith.constant 0 : i32
    %dma_wait3A_77 = tpu.memref_slice %arg7[%dma_wait3A_75, %dma_wait3A_76] : memref<40x125xi32, #tpu.memory_space<vmem>> -> memref<1x125xi32, #tpu.memory_space<vmem>>
    %dma_wait3A_78 = tpu.memref_squeeze %dma_wait3A_77 : memref<1x125xi32, #tpu.memory_space<vmem>> -> memref<125xi32, #tpu.memory_space<vmem>>
    %dma_wait3A_79 = arith.constant 0 : i32
    %dma_wait3A_80 = arith.constant 0 : i32
    %dma_wait3A_81 = tpu.memref_slice %arg2[%dma_wait3A_79, %dma_wait3A_80] : memref<10240x128xf32, #tpu.memory_space<hbm>> -> memref<10240x128xf32, #tpu.memory_space<hbm>>
    tpu.wait_indirect_dma semaphore(%arg11 : memref<!tpu.dma_semaphore, #tpu.memory_space<semaphore_mem>>) src(%dma_wait3A_81 : memref<10240x128xf32, #tpu.memory_space<hbm>>) dst(%arg9 : memref<125x128xf32, #tpu.memory_space<vmem>>)
    %dma_start3A_82 = arith.constant 1 : i32
    %dma_start3A_83 = arith.constant 0 : i32
    %dma_start3A_84 = tpu.memref_slice %arg7[%dma_start3A_82, %dma_start3A_83] : memref<40x125xi32, #tpu.memory_space<vmem>> -> memref<1x125xi32, #tpu.memory_space<vmem>>
    %dma_start3A_85 = tpu.memref_squeeze %dma_start3A_84 : memref<1x125xi32, #tpu.memory_space<vmem>> -> memref<125xi32, #tpu.memory_space<vmem>>
    %dma_start3A_86 = arith.constant 0 : i32
    %dma_start3A_87 = arith.constant 0 : i32
    %dma_start3A_88 = tpu.memref_slice %arg2[%dma_start3A_86, %dma_start3A_87] : memref<10240x128xf32, #tpu.memory_space<hbm>> -> memref<10240x128xf32, #tpu.memory_space<hbm>>
    tpu.enqueue_indirect_dma source(%dma_start3A_88 : memref<10240x128xf32, #tpu.memory_space<hbm>>) target(%arg10 : memref<125x128xf32, #tpu.memory_space<vmem>>) offsets(%dma_start3A_85 : memref<125xi32, #tpu.memory_space<vmem>>) semaphore(%arg12 : memref<!tpu.dma_semaphore, #tpu.memory_space<semaphore_mem>>)
    %dma_start3A_89 = arith.constant 0 : i32
    %dma_start3A_90 = arith.constant 0 : i32
    %dma_start3A_91 = tpu.memref_slice %arg8[%dma_start3A_89, %dma_start3A_90] : memref<40x125xi32, #tpu.memory_space<vmem>> -> memref<1x125xi32, #tpu.memory_space<vmem>>
    %dma_start3A_92 = tpu.memref_squeeze %dma_start3A_91 : memref<1x125xi32, #tpu.memory_space<vmem>> -> memref<125xi32, #tpu.memory_space<vmem>>
    %dma_start3A_93 = arith.constant 0 : i32
    %dma_start3A_94 = arith.constant 0 : i32
    %dma_start3A_95 = tpu.memref_slice %arg15[%dma_start3A_93, %dma_start3A_94] : memref<10240x128xf32, #tpu.memory_space<vmem_shared>> -> memref<10240x128xf32, #tpu.memory_space<vmem_shared>>
    tpu.enqueue_indirect_dma source(%arg9 : memref<125x128xf32, #tpu.memory_space<vmem>>) target(%dma_start3A_95 : memref<10240x128xf32, #tpu.memory_space<vmem_shared>>) offsets(%dma_start3A_92 : memref<125xi32, #tpu.memory_space<vmem>>) semaphore(%arg13 : memref<!tpu.dma_semaphore, #tpu.memory_space<semaphore_mem>>) {add = true}
    %scan3A_96 = arith.constant 0 : i32
    %scan3A_97 = arith.constant 0 : i32
    %scan3A_98 = arith.constant 19 : i32
    %scan3A_99 = arith.addi %scan3A_97, %scan3A_98 : i32
    %scan3A_100 = arith.constant 1 : i32
    scf.for %scan3A_125 = %scan3A_97 to %scan3A_99 step %scan3A_100  : i32 {
      %mul3A_126 = arith.constant 2 : i32
      %mul3A_127 = arith.muli %mul3A_126, %scan3A_125 : i32
      %add3A_128 = arith.constant 1 : i32
      %add3A_129 = arith.addi %mul3A_127, %add3A_128 : i32
      %add3A_130 = arith.constant 0 : i32
      %add3A_131 = arith.addi %add3A_129, %add3A_130 : i32
      %dma_wait3A_132 = arith.constant 0 : i32
      %dma_wait3A_133 = tpu.memref_slice %arg7[%add3A_131, %dma_wait3A_132] : memref<40x125xi32, #tpu.memory_space<vmem>> -> memref<1x125xi32, #tpu.memory_space<vmem>>
      %dma_wait3A_134 = tpu.memref_squeeze %dma_wait3A_133 : memref<1x125xi32, #tpu.memory_space<vmem>> -> memref<125xi32, #tpu.memory_space<vmem>>
      %dma_wait3A_135 = arith.constant 0 : i32
      %dma_wait3A_136 = arith.constant 0 : i32
      %dma_wait3A_137 = tpu.memref_slice %arg2[%dma_wait3A_135, %dma_wait3A_136] : memref<10240x128xf32, #tpu.memory_space<hbm>> -> memref<10240x128xf32, #tpu.memory_space<hbm>>
      tpu.wait_indirect_dma semaphore(%arg12 : memref<!tpu.dma_semaphore, #tpu.memory_space<semaphore_mem>>) src(%dma_wait3A_137 : memref<10240x128xf32, #tpu.memory_space<hbm>>) dst(%arg10 : memref<125x128xf32, #tpu.memory_space<vmem>>)
      %sub3A = arith.constant 1 : i32
      %sub3A_138 = arith.subi %add3A_131, %sub3A : i32
      %dma_wait3A_139 = arith.constant 0 : i32
      %dma_wait3A_140 = tpu.memref_slice %arg8[%sub3A_138, %dma_wait3A_139] : memref<40x125xi32, #tpu.memory_space<vmem>> -> memref<1x125xi32, #tpu.memory_space<vmem>>
      %dma_wait3A_141 = tpu.memref_squeeze %dma_wait3A_140 : memref<1x125xi32, #tpu.memory_space<vmem>> -> memref<125xi32, #tpu.memory_space<vmem>>
      %dma_wait3A_142 = arith.constant 0 : i32
      %dma_wait3A_143 = arith.constant 0 : i32
      %dma_wait3A_144 = tpu.memref_slice %arg15[%dma_wait3A_142, %dma_wait3A_143] : memref<10240x128xf32, #tpu.memory_space<vmem_shared>> -> memref<10240x128xf32, #tpu.memory_space<vmem_shared>>
      tpu.wait_indirect_dma semaphore(%arg13 : memref<!tpu.dma_semaphore, #tpu.memory_space<semaphore_mem>>) src(%arg9 : memref<125x128xf32, #tpu.memory_space<vmem>>) dst(%dma_wait3A_144 : memref<10240x128xf32, #tpu.memory_space<vmem_shared>>)
      %add3A_145 = arith.constant 1 : i32
      %add3A_146 = arith.addi %add3A_131, %add3A_145 : i32
      %dma_start3A_147 = arith.constant 0 : i32
      %dma_start3A_148 = tpu.memref_slice %arg7[%add3A_146, %dma_start3A_147] : memref<40x125xi32, #tpu.memory_space<vmem>> -> memref<1x125xi32, #tpu.memory_space<vmem>>
      %dma_start3A_149 = tpu.memref_squeeze %dma_start3A_148 : memref<1x125xi32, #tpu.memory_space<vmem>> -> memref<125xi32, #tpu.memory_space<vmem>>
      %dma_start3A_150 = arith.constant 0 : i32
      %dma_start3A_151 = arith.constant 0 : i32
      %dma_start3A_152 = tpu.memref_slice %arg2[%dma_start3A_150, %dma_start3A_151] : memref<10240x128xf32, #tpu.memory_space<hbm>> -> memref<10240x128xf32, #tpu.memory_space<hbm>>
      tpu.enqueue_indirect_dma source(%dma_start3A_152 : memref<10240x128xf32, #tpu.memory_space<hbm>>) target(%arg9 : memref<125x128xf32, #tpu.memory_space<vmem>>) offsets(%dma_start3A_149 : memref<125xi32, #tpu.memory_space<vmem>>) semaphore(%arg11 : memref<!tpu.dma_semaphore, #tpu.memory_space<semaphore_mem>>)
      %dma_start3A_153 = arith.constant 0 : i32
      %dma_start3A_154 = tpu.memref_slice %arg8[%add3A_131, %dma_start3A_153] : memref<40x125xi32, #tpu.memory_space<vmem>> -> memref<1x125xi32, #tpu.memory_space<vmem>>
      %dma_start3A_155 = tpu.memref_squeeze %dma_start3A_154 : memref<1x125xi32, #tpu.memory_space<vmem>> -> memref<125xi32, #tpu.memory_space<vmem>>
      %dma_start3A_156 = arith.constant 0 : i32
      %dma_start3A_157 = arith.constant 0 : i32
      %dma_start3A_158 = tpu.memref_slice %arg15[%dma_start3A_156, %dma_start3A_157] : memref<10240x128xf32, #tpu.memory_space<vmem_shared>> -> memref<10240x128xf32, #tpu.memory_space<vmem_shared>>
      tpu.enqueue_indirect_dma source(%arg10 : memref<125x128xf32, #tpu.memory_space<vmem>>) target(%dma_start3A_158 : memref<10240x128xf32, #tpu.memory_space<vmem_shared>>) offsets(%dma_start3A_155 : memref<125xi32, #tpu.memory_space<vmem>>) semaphore(%arg14 : memref<!tpu.dma_semaphore, #tpu.memory_space<semaphore_mem>>) {add = true}
      %mul3A_159 = arith.constant 2 : i32
      %mul3A_160 = arith.muli %mul3A_159, %scan3A_125 : i32
      %add3A_161 = arith.constant 1 : i32
      %add3A_162 = arith.addi %mul3A_160, %add3A_161 : i32
      %add3A_163 = arith.constant 1 : i32
      %add3A_164 = arith.addi %add3A_162, %add3A_163 : i32
      %dma_wait3A_165 = arith.constant 0 : i32
      %dma_wait3A_166 = tpu.memref_slice %arg7[%add3A_164, %dma_wait3A_165] : memref<40x125xi32, #tpu.memory_space<vmem>> -> memref<1x125xi32, #tpu.memory_space<vmem>>
      %dma_wait3A_167 = tpu.memref_squeeze %dma_wait3A_166 : memref<1x125xi32, #tpu.memory_space<vmem>> -> memref<125xi32, #tpu.memory_space<vmem>>
      %dma_wait3A_168 = arith.constant 0 : i32
      %dma_wait3A_169 = arith.constant 0 : i32
      %dma_wait3A_170 = tpu.memref_slice %arg2[%dma_wait3A_168, %dma_wait3A_169] : memref<10240x128xf32, #tpu.memory_space<hbm>> -> memref<10240x128xf32, #tpu.memory_space<hbm>>
      tpu.wait_indirect_dma semaphore(%arg11 : memref<!tpu.dma_semaphore, #tpu.memory_space<semaphore_mem>>) src(%dma_wait3A_170 : memref<10240x128xf32, #tpu.memory_space<hbm>>) dst(%arg9 : memref<125x128xf32, #tpu.memory_space<vmem>>)
      %sub3A_171 = arith.constant 1 : i32
      %sub3A_172 = arith.subi %add3A_164, %sub3A_171 : i32
      %dma_wait3A_173 = arith.constant 0 : i32
      %dma_wait3A_174 = tpu.memref_slice %arg8[%sub3A_172, %dma_wait3A_173] : memref<40x125xi32, #tpu.memory_space<vmem>> -> memref<1x125xi32, #tpu.memory_space<vmem>>
      %dma_wait3A_175 = tpu.memref_squeeze %dma_wait3A_174 : memref<1x125xi32, #tpu.memory_space<vmem>> -> memref<125xi32, #tpu.memory_space<vmem>>
      %dma_wait3A_176 = arith.constant 0 : i32
      %dma_wait3A_177 = arith.constant 0 : i32
      %dma_wait3A_178 = tpu.memref_slice %arg15[%dma_wait3A_176, %dma_wait3A_177] : memref<10240x128xf32, #tpu.memory_space<vmem_shared>> -> memref<10240x128xf32, #tpu.memory_space<vmem_shared>>
      tpu.wait_indirect_dma semaphore(%arg14 : memref<!tpu.dma_semaphore, #tpu.memory_space<semaphore_mem>>) src(%arg10 : memref<125x128xf32, #tpu.memory_space<vmem>>) dst(%dma_wait3A_178 : memref<10240x128xf32, #tpu.memory_space<vmem_shared>>)
      %add3A_179 = arith.constant 1 : i32
      %add3A_180 = arith.addi %add3A_164, %add3A_179 : i32
      %dma_start3A_181 = arith.constant 0 : i32
      %dma_start3A_182 = tpu.memref_slice %arg7[%add3A_180, %dma_start3A_181] : memref<40x125xi32, #tpu.memory_space<vmem>> -> memref<1x125xi32, #tpu.memory_space<vmem>>
      %dma_start3A_183 = tpu.memref_squeeze %dma_start3A_182 : memref<1x125xi32, #tpu.memory_space<vmem>> -> memref<125xi32, #tpu.memory_space<vmem>>
      %dma_start3A_184 = arith.constant 0 : i32
      %dma_start3A_185 = arith.constant 0 : i32
      %dma_start3A_186 = tpu.memref_slice %arg2[%dma_start3A_184, %dma_start3A_185] : memref<10240x128xf32, #tpu.memory_space<hbm>> -> memref<10240x128xf32, #tpu.memory_space<hbm>>
      tpu.enqueue_indirect_dma source(%dma_start3A_186 : memref<10240x128xf32, #tpu.memory_space<hbm>>) target(%arg10 : memref<125x128xf32, #tpu.memory_space<vmem>>) offsets(%dma_start3A_183 : memref<125xi32, #tpu.memory_space<vmem>>) semaphore(%arg12 : memref<!tpu.dma_semaphore, #tpu.memory_space<semaphore_mem>>)
      %dma_start3A_187 = arith.constant 0 : i32
      %dma_start3A_188 = tpu.memref_slice %arg8[%add3A_164, %dma_start3A_187] : memref<40x125xi32, #tpu.memory_space<vmem>> -> memref<1x125xi32, #tpu.memory_space<vmem>>
      %dma_start3A_189 = tpu.memref_squeeze %dma_start3A_188 : memref<1x125xi32, #tpu.memory_space<vmem>> -> memref<125xi32, #tpu.memory_space<vmem>>
      %dma_start3A_190 = arith.constant 0 : i32
      %dma_start3A_191 = arith.constant 0 : i32
      %dma_start3A_192 = tpu.memref_slice %arg15[%dma_start3A_190, %dma_start3A_191] : memref<10240x128xf32, #tpu.memory_space<vmem_shared>> -> memref<10240x128xf32, #tpu.memory_space<vmem_shared>>
      tpu.enqueue_indirect_dma source(%arg9 : memref<125x128xf32, #tpu.memory_space<vmem>>) target(%dma_start3A_192 : memref<10240x128xf32, #tpu.memory_space<vmem_shared>>) offsets(%dma_start3A_189 : memref<125xi32, #tpu.memory_space<vmem>>) semaphore(%arg13 : memref<!tpu.dma_semaphore, #tpu.memory_space<semaphore_mem>>) {add = true}
    }
    %scan3A_101 = arith.constant 19 : i32
    %dma_wait3A_102 = arith.constant 39 : i32
    %dma_wait3A_103 = arith.constant 0 : i32
    %dma_wait3A_104 = tpu.memref_slice %arg7[%dma_wait3A_102, %dma_wait3A_103] : memref<40x125xi32, #tpu.memory_space<vmem>> -> memref<1x125xi32, #tpu.memory_space<vmem>>
    %dma_wait3A_105 = tpu.memref_squeeze %dma_wait3A_104 : memref<1x125xi32, #tpu.memory_space<vmem>> -> memref<125xi32, #tpu.memory_space<vmem>>
    %dma_wait3A_106 = arith.constant 0 : i32
    %dma_wait3A_107 = arith.constant 0 : i32
    %dma_wait3A_108 = tpu.memref_slice %arg2[%dma_wait3A_106, %dma_wait3A_107] : memref<10240x128xf32, #tpu.memory_space<hbm>> -> memref<10240x128xf32, #tpu.memory_space<hbm>>
    tpu.wait_indirect_dma semaphore(%arg12 : memref<!tpu.dma_semaphore, #tpu.memory_space<semaphore_mem>>) src(%dma_wait3A_108 : memref<10240x128xf32, #tpu.memory_space<hbm>>) dst(%arg10 : memref<125x128xf32, #tpu.memory_space<vmem>>)
    %dma_wait3A_109 = arith.constant 38 : i32
    %dma_wait3A_110 = arith.constant 0 : i32
    %dma_wait3A_111 = tpu.memref_slice %arg8[%dma_wait3A_109, %dma_wait3A_110] : memref<40x125xi32, #tpu.memory_space<vmem>> -> memref<1x125xi32, #tpu.memory_space<vmem>>
    %dma_wait3A_112 = tpu.memref_squeeze %dma_wait3A_111 : memref<1x125xi32, #tpu.memory_space<vmem>> -> memref<125xi32, #tpu.memory_space<vmem>>
    %dma_wait3A_113 = arith.constant 0 : i32
    %dma_wait3A_114 = arith.constant 0 : i32
    %dma_wait3A_115 = tpu.memref_slice %arg15[%dma_wait3A_113, %dma_wait3A_114] : memref<10240x128xf32, #tpu.memory_space<vmem_shared>> -> memref<10240x128xf32, #tpu.memory_space<vmem_shared>>
    tpu.wait_indirect_dma semaphore(%arg13 : memref<!tpu.dma_semaphore, #tpu.memory_space<semaphore_mem>>) src(%arg9 : memref<125x128xf32, #tpu.memory_space<vmem>>) dst(%dma_wait3A_115 : memref<10240x128xf32, #tpu.memory_space<vmem_shared>>)
    %run_scoped3A_116 = arith.constant 39 : i32
    "tpu.region"() ({
      %run_scoped3A_125 = tpu.sem_alloc : memref<!tpu.dma_semaphore, #tpu.memory_space<semaphore_mem>>
      %dma_start3A_126 = arith.constant 0 : i32
      %dma_start3A_127 = tpu.memref_slice %arg8[%run_scoped3A_116, %dma_start3A_126] : memref<40x125xi32, #tpu.memory_space<vmem>> -> memref<1x125xi32, #tpu.memory_space<vmem>>
      %dma_start3A_128 = tpu.memref_squeeze %dma_start3A_127 : memref<1x125xi32, #tpu.memory_space<vmem>> -> memref<125xi32, #tpu.memory_space<vmem>>
      %dma_start3A_129 = arith.constant 0 : i32
      %dma_start3A_130 = arith.constant 0 : i32
      %dma_start3A_131 = tpu.memref_slice %arg15[%dma_start3A_129, %dma_start3A_130] : memref<10240x128xf32, #tpu.memory_space<vmem_shared>> -> memref<10240x128xf32, #tpu.memory_space<vmem_shared>>
      tpu.enqueue_indirect_dma source(%arg10 : memref<125x128xf32, #tpu.memory_space<vmem>>) target(%dma_start3A_131 : memref<10240x128xf32, #tpu.memory_space<vmem_shared>>) offsets(%dma_start3A_128 : memref<125xi32, #tpu.memory_space<vmem>>) semaphore(%run_scoped3A_125 : memref<!tpu.dma_semaphore, #tpu.memory_space<semaphore_mem>>) {add = true}
      %dma_wait3A_132 = arith.constant 0 : i32
      %dma_wait3A_133 = tpu.memref_slice %arg8[%run_scoped3A_116, %dma_wait3A_132] : memref<40x125xi32, #tpu.memory_space<vmem>> -> memref<1x125xi32, #tpu.memory_space<vmem>>
      %dma_wait3A_134 = tpu.memref_squeeze %dma_wait3A_133 : memref<1x125xi32, #tpu.memory_space<vmem>> -> memref<125xi32, #tpu.memory_space<vmem>>
      %dma_wait3A_135 = arith.constant 0 : i32
      %dma_wait3A_136 = arith.constant 0 : i32
      %dma_wait3A_137 = tpu.memref_slice %arg15[%dma_wait3A_135, %dma_wait3A_136] : memref<10240x128xf32, #tpu.memory_space<vmem_shared>> -> memref<10240x128xf32, #tpu.memory_space<vmem_shared>>
      tpu.wait_indirect_dma semaphore(%run_scoped3A_125 : memref<!tpu.dma_semaphore, #tpu.memory_space<semaphore_mem>>) src(%arg10 : memref<125x128xf32, #tpu.memory_space<vmem>>) dst(%dma_wait3A_137 : memref<10240x128xf32, #tpu.memory_space<vmem_shared>>)
      tpu.yield
    }) : () -> ()
    %barrier3A_117 = arith.constant 0 : index
    tpu.barrier barrier_id(%barrier3A_117)
    %mul3A_118 = arith.constant 640 : i32
    %mul3A_119 = arith.muli %arg1, %mul3A_118 : i32
    %mul3A_120 = arith.constant 10240 : i32
    %mul3A_121 = arith.muli %arg0, %mul3A_120 : i32
    %mul3A_122 = arith.constant 640 : i32
    %mul3A_123 = arith.muli %arg1, %mul3A_122 : i32
    %add3A_124 = arith.addi %mul3A_121, %mul3A_123 : i32
    "tpu.region"() ({
      %run_scoped3A_125 = tpu.sem_alloc : memref<!tpu.dma_semaphore, #tpu.memory_space<semaphore_mem>>
      %dma_start3A_126 = arith.constant 0 : i32
      %dma_start3A_127 = tpu.memref_slice %arg6[%add3A_124, %dma_start3A_126] : memref<20480x128xf32, #tpu.memory_space<hbm>> -> memref<640x128xf32, #tpu.memory_space<hbm>>
      %dma_start3A_128 = arith.constant 0 : i32
      %dma_start3A_129 = tpu.memref_slice %arg15[%mul3A_119, %dma_start3A_128] : memref<10240x128xf32, #tpu.memory_space<vmem_shared>> -> memref<640x128xf32, #tpu.memory_space<vmem_shared>>
      tpu.enqueue_dma source(%dma_start3A_129 : memref<640x128xf32, #tpu.memory_space<vmem_shared>>) target(%dma_start3A_127 : memref<640x128xf32, #tpu.memory_space<hbm>>) target_semaphore(%run_scoped3A_125 : memref<!tpu.dma_semaphore, #tpu.memory_space<semaphore_mem>>)
      %dma_wait3A_130 = arith.constant 0 : i32
      %dma_wait3A_131 = tpu.memref_slice %arg6[%add3A_124, %dma_wait3A_130] : memref<20480x128xf32, #tpu.memory_space<hbm>> -> memref<640x128xf32, #tpu.memory_space<hbm>>
      %dma_wait3A_132 = arith.constant 0 : i32
      %dma_wait3A_133 = tpu.memref_slice %arg15[%mul3A_119, %dma_wait3A_132] : memref<10240x128xf32, #tpu.memory_space<vmem_shared>> -> memref<640x128xf32, #tpu.memory_space<vmem_shared>>
      tpu.wait_dma2 semaphore(%run_scoped3A_125 : memref<!tpu.dma_semaphore, #tpu.memory_space<semaphore_mem>>) src(%dma_wait3A_133 : memref<640x128xf32, #tpu.memory_space<vmem_shared>>) dst(%dma_wait3A_131 : memref<640x128xf32, #tpu.memory_space<hbm>>)
      tpu.yield
    }) : () -> ()
    return
  }
}

module attributes {stable_mosaic.version = 14 : i64} {
  func.func @_scale_body(%arg0: i32, %arg1: memref<640x1xf32, #tpu.memory_space<vmem>>, %arg2: memref<640x1xf32, #tpu.memory_space<vmem>>, %arg3: memref<640x128xf32, #tpu.memory_space<vmem>>, %arg4: memref<640x1xf32, #tpu.memory_space<vmem>>, %arg5: memref<640x128xf32, #tpu.memory_space<vmem>>) attributes {dimension_semantics = [#tpu.dimension_semantics<arbitrary>], iteration_bounds = array<i64: 16>, scalar_prefetch = 0 : i64, scratch_operands = 0 : i64, tpu.core_type = #tpu.core_type<tc>, window_params = [{transform_indices = @transform_0, window_bounds = array<i64: 640, 1>}, {transform_indices = @transform_1, window_bounds = array<i64: 640, 1>}, {transform_indices = @transform_2, window_bounds = array<i64: 640, 128>}, {transform_indices = @transform_3, window_bounds = array<i64: 640, 1>}, {transform_indices = @transform_4, window_bounds = array<i64: 640, 128>}]} {
    %get3A = arith.constant 0 : index
    %get3A_0 = arith.constant 0 : index
    %get3A_1 = vector.load %arg1[%get3A, %get3A_0] : memref<640x1xf32, #tpu.memory_space<vmem>>, vector<640x1xf32>
    %get3A_2 = arith.constant 0 : index
    %get3A_3 = arith.constant 0 : index
    %get3A_4 = vector.load %arg2[%get3A_2, %get3A_3] : memref<640x1xf32, #tpu.memory_space<vmem>>, vector<640x1xf32>
    %add3A = arith.addf %get3A_1, %get3A_4 : vector<640x1xf32>
    %add3A_5 = arith.constant 1.000000e+00 : f32
    %add3A_6 = vector.broadcast %add3A_5 : f32 to vector<640x1xf32>
    %add3A_7 = arith.addf %add3A, %add3A_6 : vector<640x1xf32>
    %max3A = arith.constant 9.99999996E-13 : f32
    %max3A_8 = vector.broadcast %max3A : f32 to vector<640x1xf32>
    %max3A_9 = arith.maximumf %add3A_7, %max3A_8 : vector<640x1xf32>
    %rsqrt3A = math.rsqrt %max3A_9 : vector<640x1xf32>
    %swap3A = arith.constant 0 : index
    %swap3A_10 = arith.constant 0 : index
    %swap3A_11 = vector.load %arg4[%swap3A, %swap3A_10] : memref<640x1xf32, #tpu.memory_space<vmem>>, vector<640x1xf32>
    tpu.vector_store %arg4[%swap3A, %swap3A_10], %rsqrt3A {strides = array<i32>} : memref<640x1xf32, #tpu.memory_space<vmem>>, vector<640x1xf32>,
    %get3A_12 = arith.constant 0 : index
    %get3A_13 = arith.constant 0 : index
    %get3A_14 = vector.load %arg3[%get3A_12, %get3A_13] : memref<640x128xf32, #tpu.memory_space<vmem>>, vector<640x128xf32>
    %mul3A = vector.broadcast %rsqrt3A : vector<640x1xf32> to vector<640x128xf32>
    %mul3A_15 = arith.mulf %get3A_14, %mul3A : vector<640x128xf32>
    %swap3A_16 = arith.constant 0 : index
    %swap3A_17 = arith.constant 0 : index
    %swap3A_18 = vector.load %arg5[%swap3A_16, %swap3A_17] : memref<640x128xf32, #tpu.memory_space<vmem>>, vector<640x128xf32>
    tpu.vector_store %arg5[%swap3A_16, %swap3A_17], %mul3A_15 {strides = array<i32>} : memref<640x128xf32, #tpu.memory_space<vmem>>, vector<640x128xf32>,
    return
  }
  func.func @transform_0(%arg0: i32) -> (i32, i32) {
    %c0_i32 = arith.constant 0 : i32
    %c0_i32_0 = arith.constant 0 : i32
    return %arg0, %c0_i32 : i32, i32
  }
  func.func @transform_1(%arg0: i32) -> (i32, i32) {
    %add3A = arith.constant 16 : i32
    %add3A_0 = arith.addi %arg0, %add3A : i32
    %c0_i32 = arith.constant 0 : i32
    %c0_i32_1 = arith.constant 0 : i32
    return %add3A_0, %c0_i32 : i32, i32
  }
  func.func @transform_2(%arg0: i32) -> (i32, i32) {
    %c0_i32 = arith.constant 0 : i32
    %c0_i32_0 = arith.constant 0 : i32
    return %arg0, %c0_i32 : i32, i32
  }
  func.func @transform_3(%arg0: i32) -> (i32, i32) {
    %c0_i32 = arith.constant 0 : i32
    %c0_i32_0 = arith.constant 0 : i32
    return %arg0, %c0_i32 : i32, i32
  }
  func.func @transform_4(%arg0: i32) -> (i32, i32) {
    %c0_i32 = arith.constant 0 : i32
    %c0_i32_0 = arith.constant 0 : i32
    return %arg0, %c0_i32 : i32, i32
  }
}

module attributes {stable_mosaic.version = 14 : i64} {
  func.func @_final_body(%arg0: i32, %arg1: memref<640x128xf32, #tpu.memory_space<vmem>>, %arg2: memref<640x128xf32, #tpu.memory_space<vmem>>, %arg3: memref<640x1xf32, #tpu.memory_space<vmem>>, %arg4: memref<1x128xf32, #tpu.memory_space<vmem>>, %arg5: memref<640x128xf32, #tpu.memory_space<vmem>>) attributes {dimension_semantics = [#tpu.dimension_semantics<arbitrary>], iteration_bounds = array<i64: 16>, scalar_prefetch = 0 : i64, scratch_operands = 0 : i64, tpu.core_type = #tpu.core_type<tc>, window_params = [{transform_indices = @transform_0, window_bounds = array<i64: 640, 128>}, {transform_indices = @transform_1, window_bounds = array<i64: 640, 128>}, {transform_indices = @transform_2, window_bounds = array<i64: 640, 1>}, {pipeline_mode = #tpu.pipeline_mode<synchronous>, transform_indices = @transform_3, window_bounds = array<i64: 1, 128>}, {transform_indices = @transform_4, window_bounds = array<i64: 640, 128>}]} {
    %get3A = arith.constant 0 : index
    %get3A_0 = arith.constant 0 : index
    %get3A_1 = vector.load %arg1[%get3A, %get3A_0] : memref<640x128xf32, #tpu.memory_space<vmem>>, vector<640x128xf32>
    %get3A_2 = arith.constant 0 : index
    %get3A_3 = arith.constant 0 : index
    %get3A_4 = vector.load %arg2[%get3A_2, %get3A_3] : memref<640x128xf32, #tpu.memory_space<vmem>>, vector<640x128xf32>
    %add3A = arith.addf %get3A_1, %get3A_4 : vector<640x128xf32>
    %get3A_5 = arith.constant 0 : index
    %get3A_6 = arith.constant 0 : index
    %get3A_7 = vector.load %arg3[%get3A_5, %get3A_6] : memref<640x1xf32, #tpu.memory_space<vmem>>, vector<640x1xf32>
    %mul3A = vector.broadcast %get3A_7 : vector<640x1xf32> to vector<640x128xf32>
    %mul3A_8 = arith.mulf %add3A, %mul3A : vector<640x128xf32>
    %get3A_9 = arith.constant 0 : index
    %get3A_10 = arith.constant 0 : index
    %get3A_11 = vector.load %arg4[%get3A_9, %get3A_10] : memref<1x128xf32, #tpu.memory_space<vmem>>, vector<1x128xf32>
    %add3A_12 = vector.broadcast %get3A_11 : vector<1x128xf32> to vector<640x128xf32>
    %add3A_13 = arith.addf %mul3A_8, %add3A_12 : vector<640x128xf32>
    %swap3A = arith.constant 0 : index
    %swap3A_14 = arith.constant 0 : index
    %swap3A_15 = vector.load %arg5[%swap3A, %swap3A_14] : memref<640x128xf32, #tpu.memory_space<vmem>>, vector<640x128xf32>
    tpu.vector_store %arg5[%swap3A, %swap3A_14], %add3A_13 {strides = array<i32>} : memref<640x128xf32, #tpu.memory_space<vmem>>, vector<640x128xf32>,
    return
  }
  func.func @transform_0(%arg0: i32) -> (i32, i32) {
    %c0_i32 = arith.constant 0 : i32
    %c0_i32_0 = arith.constant 0 : i32
    return %arg0, %c0_i32 : i32, i32
  }
  func.func @transform_1(%arg0: i32) -> (i32, i32) {
    %add3A = arith.constant 16 : i32
    %add3A_0 = arith.addi %arg0, %add3A : i32
    %c0_i32 = arith.constant 0 : i32
    %c0_i32_1 = arith.constant 0 : i32
    return %add3A_0, %c0_i32 : i32, i32
  }
  func.func @transform_2(%arg0: i32) -> (i32, i32) {
    %c0_i32 = arith.constant 0 : i32
    %c0_i32_0 = arith.constant 0 : i32
    return %arg0, %c0_i32 : i32, i32
  }
  func.func @transform_3(%arg0: i32) -> (i32, i32) {
    %c0_i32 = arith.constant 0 : i32
    %c0_i32_0 = arith.constant 0 : i32
    %c0_i32_1 = arith.constant 0 : i32
    return %c0_i32, %c0_i32_0 : i32, i32
  }
  func.func @transform_4(%arg0: i32) -> (i32, i32) {
    %c0_i32 = arith.constant 0 : i32
    %c0_i32_0 = arith.constant 0 : i32
    return %arg0, %c0_i32 : i32, i32
  }
}

module attributes {stable_mosaic.version = 14 : i64} {
  func.func @_mid_body(%arg0: i32, %arg1: memref<640x128xf32, #tpu.memory_space<vmem>>, %arg2: memref<640x128xf32, #tpu.memory_space<vmem>>, %arg3: memref<640x1xf32, #tpu.memory_space<vmem>>, %arg4: memref<128x256xf32, #tpu.memory_space<vmem>>, %arg5: memref<1x256xf32, #tpu.memory_space<vmem>>, %arg6: memref<256x128xf32, #tpu.memory_space<vmem>>, %arg7: memref<640x128xf32, #tpu.memory_space<vmem>>) attributes {dimension_semantics = [#tpu.dimension_semantics<arbitrary>], iteration_bounds = array<i64: 16>, scalar_prefetch = 0 : i64, scratch_operands = 0 : i64, tpu.core_type = #tpu.core_type<tc>, window_params = [{transform_indices = @transform_0, window_bounds = array<i64: 640, 128>}, {transform_indices = @transform_1, window_bounds = array<i64: 640, 128>}, {transform_indices = @transform_2, window_bounds = array<i64: 640, 1>}, {pipeline_mode = #tpu.pipeline_mode<synchronous>, transform_indices = @transform_3, window_bounds = array<i64: 128, 256>}, {pipeline_mode = #tpu.pipeline_mode<synchronous>, transform_indices = @transform_4, window_bounds = array<i64: 1, 256>}, {pipeline_mode = #tpu.pipeline_mode<synchronous>, transform_indices = @transform_5, window_bounds = array<i64: 256, 128>}, {transform_indices = @transform_6, window_bounds = array<i64: 640, 128>}]} {
    %get3A = arith.constant 0 : index
    %get3A_0 = arith.constant 0 : index
    %get3A_1 = vector.load %arg1[%get3A, %get3A_0] : memref<640x128xf32, #tpu.memory_space<vmem>>, vector<640x128xf32>
    %get3A_2 = arith.constant 0 : index
    %get3A_3 = arith.constant 0 : index
    %get3A_4 = vector.load %arg2[%get3A_2, %get3A_3] : memref<640x128xf32, #tpu.memory_space<vmem>>, vector<640x128xf32>
    %add3A = arith.addf %get3A_1, %get3A_4 : vector<640x128xf32>
    %get3A_5 = arith.constant 0 : index
    %get3A_6 = arith.constant 0 : index
    %get3A_7 = vector.load %arg3[%get3A_5, %get3A_6] : memref<640x1xf32, #tpu.memory_space<vmem>>, vector<640x1xf32>
    %mul3A = vector.broadcast %get3A_7 : vector<640x1xf32> to vector<640x128xf32>
    %mul3A_8 = arith.mulf %add3A, %mul3A : vector<640x128xf32>
    %get3A_9 = arith.constant 0 : index
    %get3A_10 = arith.constant 0 : index
    %get3A_11 = vector.load %arg4[%get3A_9, %get3A_10] : memref<128x256xf32, #tpu.memory_space<vmem>>, vector<128x256xf32>
    %dot_general3A = arith.constant dense<0.000000e+00> : vector<640x256xf32>
    %dot_general3A_12 = tpu.matmul %mul3A_8, %get3A_11, %dot_general3A {dimension_numbers = #tpu.dot_dimension_numbers<[1], [0], [0], [1], [0, 0, 1, 1], [], []>, transpose_lhs_hint = false} : vector<640x128xf32>, vector<128x256xf32>, vector<640x256xf32> -> vector<640x256xf32>
    %get3A_13 = arith.constant 0 : index
    %get3A_14 = arith.constant 0 : index
    %get3A_15 = vector.load %arg5[%get3A_13, %get3A_14] : memref<1x256xf32, #tpu.memory_space<vmem>>, vector<1x256xf32>
    %add3A_16 = vector.broadcast %get3A_15 : vector<1x256xf32> to vector<640x256xf32>
    %add3A_17 = arith.addf %dot_general3A_12, %add3A_16 : vector<640x256xf32>
    %max3A = arith.constant 0.000000e+00 : f32
    %max3A_18 = vector.broadcast %max3A : f32 to vector<640x256xf32>
    %max3A_19 = arith.maximumf %add3A_17, %max3A_18 : vector<640x256xf32>
    %mul3A_20 = arith.mulf %max3A_19, %max3A_19 : vector<640x256xf32>
    %reduce_sum3A = arith.constant dense<0.000000e+00> : vector<640xf32>
    %reduce_sum3A_21 = vector.multi_reduction <add>, %mul3A_20, %reduce_sum3A [1] : vector<640x256xf32> to vector<640xf32>
    %broadcast_in_dim3A = vector.shape_cast %reduce_sum3A_21 : vector<640xf32> to vector<640x1xf32>
    %sqrt3A = math.sqrt %broadcast_in_dim3A : vector<640x1xf32>
    %max3A_22 = arith.constant 9.99999996E-13 : f32
    %max3A_23 = vector.broadcast %max3A_22 : f32 to vector<640x1xf32>
    %max3A_24 = arith.maximumf %sqrt3A, %max3A_23 : vector<640x1xf32>
    %div3A = vector.broadcast %max3A_24 : vector<640x1xf32> to vector<640x256xf32>
    %div3A_25 = arith.divf %max3A_19, %div3A : vector<640x256xf32>
    %get3A_26 = arith.constant 0 : index
    %get3A_27 = arith.constant 0 : index
    %get3A_28 = vector.load %arg6[%get3A_26, %get3A_27] : memref<256x128xf32, #tpu.memory_space<vmem>>, vector<256x128xf32>
    %dot_general3A_29 = arith.constant dense<0.000000e+00> : vector<640x128xf32>
    %dot_general3A_30 = tpu.matmul %div3A_25, %get3A_28, %dot_general3A_29 {dimension_numbers = #tpu.dot_dimension_numbers<[1], [0], [0], [1], [0, 0, 1, 1], [], []>, transpose_lhs_hint = false} : vector<640x256xf32>, vector<256x128xf32>, vector<640x128xf32> -> vector<640x128xf32>
    %get3A_31 = arith.constant 0 : index
    %get3A_32 = arith.constant 0 : index
    %get3A_33 = vector.load %arg3[%get3A_31, %get3A_32] : memref<640x1xf32, #tpu.memory_space<vmem>>, vector<640x1xf32>
    %mul3A_34 = vector.broadcast %get3A_33 : vector<640x1xf32> to vector<640x128xf32>
    %mul3A_35 = arith.mulf %dot_general3A_30, %mul3A_34 : vector<640x128xf32>
    %swap3A = arith.constant 0 : index
    %swap3A_36 = arith.constant 0 : index
    %swap3A_37 = vector.load %arg7[%swap3A, %swap3A_36] : memref<640x128xf32, #tpu.memory_space<vmem>>, vector<640x128xf32>
    tpu.vector_store %arg7[%swap3A, %swap3A_36], %mul3A_35 {strides = array<i32>} : memref<640x128xf32, #tpu.memory_space<vmem>>, vector<640x128xf32>,
    return
  }
  func.func @transform_0(%arg0: i32) -> (i32, i32) {
    %c0_i32 = arith.constant 0 : i32
    %c0_i32_0 = arith.constant 0 : i32
    return %arg0, %c0_i32 : i32, i32
  }
  func.func @transform_1(%arg0: i32) -> (i32, i32) {
    %add3A = arith.constant 16 : i32
    %add3A_0 = arith.addi %arg0, %add3A : i32
    %c0_i32 = arith.constant 0 : i32
    %c0_i32_1 = arith.constant 0 : i32
    return %add3A_0, %c0_i32 : i32, i32
  }
  func.func @transform_2(%arg0: i32) -> (i32, i32) {
    %c0_i32 = arith.constant 0 : i32
    %c0_i32_0 = arith.constant 0 : i32
    return %arg0, %c0_i32 : i32, i32
  }
  func.func @transform_3(%arg0: i32) -> (i32, i32) {
    %c0_i32 = arith.constant 0 : i32
    %c0_i32_0 = arith.constant 0 : i32
    %c0_i32_1 = arith.constant 0 : i32
    return %c0_i32, %c0_i32_0 : i32, i32
  }
  func.func @transform_4(%arg0: i32) -> (i32, i32) {
    %c0_i32 = arith.constant 0 : i32
    %c0_i32_0 = arith.constant 0 : i32
    %c0_i32_1 = arith.constant 0 : i32
    return %c0_i32, %c0_i32_0 : i32, i32
  }
  func.func @transform_5(%arg0: i32) -> (i32, i32) {
    %c0_i32 = arith.constant 0 : i32
    %c0_i32_0 = arith.constant 0 : i32
    %c0_i32_1 = arith.constant 0 : i32
    return %c0_i32, %c0_i32_0 : i32, i32
  }
  func.func @transform_6(%arg0: i32) -> (i32, i32) {
    %c0_i32 = arith.constant 0 : i32
    %c0_i32_0 = arith.constant 0 : i32
    return %arg0, %c0_i32 : i32, i32
  }
}

</mosaic_0001>

<sc_bundles>
// kernel: kernel.11.cloned.1.call-start
scs
__scs_entry_jumppad:
0x0: {  	(pc) =	sbr.rel $0x88, $3  }
0x1: {  	(tag) =	ssettag $0x0;
	lr =	simm.s32 $0x1  }
0x2: {  	[smem:$0x3F9B] =	sst lr;
	_ =	strace $0xD0000000  }
0x3: {  	_ = 	snop  }
0x4: {  	_ = 	snop  }
0x5: {  	_ = 	snop  }
0x6: {  	_ = 	snop  }
0x7: {  	_ = 	snop  }
__scs_overlays_trampoline_lowered:
0x8: {  	[smem:$0x3FAA] =	sst s0  }
0x9: {  	[smem:$0x3FAB] =	sst s1  }
0xa: {  	[smem:$0x3FAC] =	sst s2  }
0xb: {  	[smem:$0x3FAD] =	sst s3  }
0xc: {  	[smem:$0x3FAE] =	sst s4  }
0xd: {  	[smem:$0x3FAF] =	sst s5  }
0xe: {  	[smem:$0x3FB0] =	sst s6  }
0xf: {  	[smem:$0x3FB1] =	sst s7  }
0x10: {  	[smem:$0x3FB2] =	sst s8  }
0x11: {  	[smem:$0x3FB3] =	sst s9;
	s0 =	simm.s32 @!p0 $0x0  }
0x12: {  	s1 =	sld [smem:$0x3F99];
	s0 =	simm.s32 @p0 $0x1  }
0x13: {  	[smem:$0x3FB4] =	sst s0;
	s0 =	simm.s32 @!p1 $0x0  }
0x14: {  	s2 =	sld [smem:$0x3F98];
	s0 =	simm.s32 @p1 $0x1  }
0x15: {  	[smem:$0x3FB5] =	sst s0;
	s0 =	simm.s32 @!p2 $0x0  }
0x16: {  	s3 =	sld [smem:$0x3FDB];
	s0 =	simm.s32 @p2 $0x1  }
0x17: {  	s4 =	simm.s32 $0x1BF5;
	[smem:$0x3FB7] =	sst s0  }
0x18: {  	s0 =	sld [smem:$0x3F9A];
	_ =	swait.ge [sflag:s4], $0x0  }
0x19: {  	s7 =	sld [smem:$0x3F9B]  }
0x1a: {  	s8 =	sadd.s32 $0xFFFFE003, lr  }
0x1b: {  	s9 =	sadd.s32 $0xFFFFFEF7, lr;
	s5 =	simm.s32 $0xFFFFFFFF;
	p2 =	slt.u32 s8, $0xFFFFF086  }
0x1c: {  	p1 =	slt.u32 s9, $0xF7A;
	s5 =	simm.s32 @!p2 $0x0  }
0x1d: {  	s5 =	simm.s32 @p1 $0x1;
	p0 =	seq.s32 s7, s2  }
0x1e: {  	s7 =	smul.u32 @!p0 $0xF7A, s2;
	p2 =	seq.s32 @!p0 s5, $0x0  }
0x1f: {  	s9 =	smul.u32 $0xF7A, s1;
	s8 =	simm.s32 @!p0 $0x1BF5;
	p2 =	por !p2, p0  }
0x20: {  	[sflag:s8] =	ssyncset.s32 @!p0 $0xFFFFF086;
	s6 =	sadd.s32 @!p0 s3, s7;
	s7 =	simm.s32 @!p0 $0x108  }
0x21: {  	s3 =	sadd.s32 s3, s9;
	s6 =	sadd.s32 @!p0 $0x88, s6;
	s7 =	simm.s32 @p2 $0x1082  }
0x22: {  	[simem:s7], [sflag:s8] =	dma.local @!p0 [hbm:s6], $0xF7A  }
0x23: {  	s9 =	sor.u32 $0xD0000000, s2;
	s6 =	simm.s32 $0x108;
	_ =	swait.ge @!p0 [sflag:s8], $0x0  }
0x24: {  	s3 =	sadd.s32 $0x88, s3;
	s6 =	simm.s32 @!p1 $0x1082;
	[sflag:s4] =	ssyncset.s32 $0xFFFFF086  }
0x25: {  	[simem:s6], [sflag:s4] =	dma.local [hbm:s3], $0xF7A  }
0x26: {  	[smem:$0x3F9B] =	sst s1;
	(tag) =	ssettag s2;
	_ =	strace s9  }
0x27: {  	s1 =	sld [smem:$0x3FAB]  }
0x28: {  	s2 =	sld [smem:$0x3FAC]  }
0x29: {  	s4 =	sld [smem:$0x3FAE]  }
0x2a: {  	p0 =	seq.s32 s5, $0x0;
	s5 =	sld [smem:$0x3FAF]  }
0x2b: {  	s6 =	sld [smem:$0x3FB0]  }
0x2c: {  	s7 =	sld [smem:$0x3FB1]  }
0x2d: {  	s3 =	simm.s32 $0x108;
	s8 =	sld [smem:$0x3FB2]  }
0x2e: {  	s3 =	simm.s32 @!p0 $0x1082;
	s9 =	sld [smem:$0x3FB3]  }
0x2f: {  	lr =	sadd.s32 s0, s3;
	s0 =	sld [smem:$0x3FAA]  }
0x30: {  	s3 =	sld [smem:$0x3FAD]  }
0x31: {  	[smem:$0x3FB6] =	sst s10  }
0x32: {  	s10 =	sld [smem:$0x3FB4];
	_ =	sdelay $0x3  }
0x33: {  	p0 =	seq.s32 s10, $0x1;
	s10 =	sld [smem:$0x3FB6];
	_ =	sdelay $0x3  }
0x34: {  	[smem:$0x3FB6] =	sst s10  }
0x35: {  	s10 =	sld [smem:$0x3FB5];
	_ =	sdelay $0x3  }
0x36: {  	p1 =	seq.s32 s10, $0x1;
	s10 =	sld [smem:$0x3FB6];
	_ =	sdelay $0x3  }
0x37: {  	[smem:$0x3FB6] =	sst s10  }
0x38: {  	s10 =	sld [smem:$0x3FB7]  }
0x39: {  	_ = 	snop;
	(pc) =	sbr.ind lr, $3  }
0x3a: {  	_ = 	snop  }
0x3b: {  	_ = 	snop  }
0x3c: {  	p2 =	seq.s32 s10, $0x1;
	s10 =	sld [smem:$0x3FB6]  }
0x3d: {  	_ =	shalt  }
0x3e: {  	_ =	shalt  }
0x3f: {  	_ =	shalt  }
0x40: {  	_ =	shalt  }
0x41: {  	_ =	shalt  }
0x42: {  	_ =	shalt  }
0x43: {  	_ =	shalt  }
0x44: {  	_ =	shalt  }
0x45: {  	_ =	shalt  }
0x46: {  	_ =	shalt  }
0x47: {  	_ =	shalt  }
0x48: {  	_ =	shalt  }
0x49: {  	_ =	shalt  }
0x4a: {  	_ =	shalt  }
0x4b: {  	_ =	shalt  }
0x4c: {  	_ =	shalt  }
0x4d: {  	_ =	shalt  }
0x4e: {  	_ =	shalt  }
0x4f: {  	_ =	shalt  }
0x50: {  	_ =	shalt  }
0x51: {  	_ =	shalt  }
0x52: {  	_ =	shalt  }
0x53: {  	_ =	shalt  }
0x54: {  	_ =	shalt  }
0x55: {  	_ =	shalt  }
0x56: {  	_ =	shalt  }
0x57: {  	_ =	shalt  }
0x58: {  	_ =	shalt  }
0x59: {  	_ =	shalt  }
0x5a: {  	_ =	shalt  }
0x5b: {  	_ =	shalt  }
0x5c: {  	_ =	shalt  }
0x5d: {  	_ =	shalt  }
0x5e: {  	_ =	shalt  }
0x5f: {  	_ =	shalt  }
0x60: {  	_ =	shalt  }
0x61: {  	_ =	shalt  }
0x62: {  	_ =	shalt  }
0x63: {  	_ =	shalt  }
0x64: {  	_ =	shalt  }
0x65: {  	_ =	shalt  }
0x66: {  	_ =	shalt  }
0x67: {  	_ =	shalt  }
0x68: {  	_ =	shalt  }
0x69: {  	_ =	shalt  }
0x6a: {  	_ =	shalt  }
0x6b: {  	_ =	shalt  }
0x6c: {  	_ =	shalt  }
0x6d: {  	_ =	shalt  }
0x6e: {  	_ =	shalt  }
0x6f: {  	_ =	shalt  }
0x70: {  	_ =	shalt  }
0x71: {  	_ =	shalt  }
0x72: {  	_ =	shalt  }
0x73: {  	_ =	shalt  }
0x74: {  	_ =	shalt  }
0x75: {  	_ =	shalt  }
0x76: {  	_ =	shalt  }
0x77: {  	_ =	shalt  }
0x78: {  	_ =	shalt  }
0x79: {  	_ =	shalt  }
0x7a: {  	_ =	shalt  }
0x7b: {  	_ =	shalt  }
0x7c: {  	_ =	shalt  }
0x7d: {  	_ =	shalt  }
0x7e: {  	_ =	shalt  }
0x7f: {  	_ =	shalt  }
0x80: {  	_ =	shalt  }
0x81: {  	_ =	shalt  }
0x82: {  	_ =	shalt  }
0x83: {  	_ =	shalt  }
0x84: {  	_ =	shalt  }
0x85: {  	_ =	shalt  }
0x86: {  	_ =	shalt  }
0x87: {  	_ =	shalt  }
.Lfunc_end0:
.L_simem_size_0:
called_computation.1_lowered:
.L_overlay_start_0:
0x88: {  	s2 =	sld [smem:$0x3FD9]  }
0x89: {  	s3 =	sld [smem:$0x3FFE];
	_ =	sdelay $0x1  }
0x8a: {  	s1 =	srdreg.scid  }
0x8b: {  	s0 =	sand.u32 $0x1, s1  }
0x8c: {  	s17 =	sshll.u32 s0, $0xA;
	s2 =	sadd.s32 s3, s2  }
0x8d: {  	s2 =	sadd.s32 s2, s17  }
0x8e: {  	[smem:$0x3FC2] =	sst s2  }
0x8f: {  	_ = 	snop  }
0x90: {  	s2 =	sld [smem:$0x3FD0];
	(tm) =	ssettm $0x1  }
0x91: {  	s18 =	sld [smem:$0x3FFB];
	_ =	sdelay $0x3  }
0x92: {  	_ =	strace s18  }
0x93: {  	s3 =	sld [smem:$0x3FFC];
	_ =	sdelay $0x3  }
0x94: {  	_ =	strace s3  }
0x95: {  	s3 =	sld [smem:$0x3FFD];
	_ =	sdelay $0x3  }
0x96: {  	_ =	strace s3  }
0x97: {  	_ =	strace $0x8FFFFFFF  }
0x98: {  	s19 =	sld [smem:$0x3FDB];
	_ =	sdelay $0x1  }
0x99: {  	s4 =	simm.s32 $_scs_section_size  }
0x9a: {  	s5 =	simm.s32 $_size__tile_overlayer_lowered;
	s6 =	simm.s32 $_tile_overlayer_lowered  }
0x9b: {  	s22 =	simm.s32 $0x1BFF;
	s21 =	sshll.u32 s6, $0x1;
	s3 =	sadd.s32 s4, s19  }
0x9c: {  	s7 =	simm.s32 $0x0;
	s20 =	sshll.u32 s5, $0x1;
	s5 =	sadd.s32 s21, s3  }
0x9d: {  	[timem:s7], [sflag:s22] =	dma.local [hbm:s5], s20  }
0x9e: {  	_ =	swait.ge [sflag:s22], s20  }
0x9f: {  	s4 =	ssub.s32 $0x0, s20;
	[sflag:s22] =	ssyncset.done $0x0  }
0xa0: {  	[sflag:s22] =	ssyncadd.s32 s4;
	_ =	sdelay $0x1  }
0xa1: {  	s23 =	simm.s32 $0x1B8B  }
0xa2: {  	_ =	swait.ge [sflag:s23], $0x1  }
0xa3: {  	[sflag:s23] =	ssyncset.done $0x0  }
0xa4: {  	s25 =	simm.s32 $0x1B8E;
	s24 =	sld [smem:$0x3FFE];
	[sflag:s23] =	ssyncadd.s32 $0xFFFFFFFF  }
0xa5: {  	s26 =	simm.s32 $execute0_lowered;
	[smem:$0x3FD2] =	sst s25  }
0xa6: {  	s5 =	sshll.u32 s26, $0x1;
	_ =	strace $0x80000049;
	[dreg:$0x1] =	wrdreg $0xFFFFFFFF  }
0xa7: {  	s28 =	simm.s32 $_size_execute0_lowered;
	s3 =	sadd.s32 s3, s5;
	[dreg:$0x0] =	wrdreg $0x0  }
0xa8: {  	s5 =	sshll.u32 s28, $0x1;
	[dreg:$0x2] =	wrdreg s3  }
0xa9: {  	[dreg:$0x3] =	wrdreg s5  }
0xaa: {  	[dreg:$0x4] =	wrdreg $0xC0  }
0xab: {  	_ =	task [dreg:s7], $0x5FFFF  }
0xac: {  	[dreg:$0x1] =	wrdreg $0xFFFFFFFF  }
0xad: {  	[dreg:$0x0] =	wrdreg $0x60  }
0xae: {  	[dreg:$0x2] =	wrdreg s24  }
0xaf: {  	[dreg:$0x3] =	wrdreg s2  }
0xb0: {  	[dreg:$0x4] =	wrdreg $0xA8000  }
0xb1: {  	[dreg:$0x5] =	wrdreg $0x9  }
0xb2: {  	_ =	task.clear_ibuf [dreg:s7], $0x6FFFF;
	_ =	strace $0x90000049  }
0xb3: {  	s29 =	simm.s32 $0x9;
	_ =	strace $0x8000004B  }
0xb4: {  	_ =	swait.ge [sflag:s29], $0x1  }
0xb5: {  	[sflag:s29] =	ssyncadd.s32 $0xFFFFFFFF  }
0xb6: {  	_ =	strace $0x9000004B  }
0xb7: {  	_ =	sfence  }
0xb8: {  	s30 =	sld [smem:$0x0];
	_ =	sdelay $0x2  }
0xb9: {  	s31 =	sshll.u32 s1, $0xD;
	s1 =	sshrl.u32 s1, $0x2  }
0xba: {  	s3 =	sand.u32 $0x4000, s31;
	s1 =	sadd.s32 s1, s30  }
0xbb: {  	s0 =	sor.u32 s3, s0;
	s1 =	sshll.u32 s1, $0x11  }
0xbc: {  	s0 =	sor.u32 s1, s0  }
0xbd: {  	s0 =	sadd.s32 $0x8F2B, s0  }
0xbe: {  	[sflag:s0] =	ssyncadd.remote.s32 $0x1  }
0xbf: {  	_ =	sfence.sel $0xFFFF  }
0xc0: {  	[dreg:$0x0] =	wrdreg $0xFFFFFFFF;
	(pc) =	sbr.abs _section_cstart, $3  }
0xc1: {  	[dreg:$0x1] =	wrdreg $0xFFFFFFFF  }
0xc2: {  	_ =	task.clear_ibuf [dreg:s7], $0x2FFFF;
	_ =	strace $0x9FFFFFFF  }
0xc3: {  	(tm) =	ssettm $0x7FFFFFFF  }
tec
execute0_lowered:
.L_overlay_start_1:
0x0: {  	(tag) =	ssettag $0x1  }
0x1: {  	s5 =	rddreg [dreg:$0x0]  }
0x2: {  	s7 =	rddreg [dreg:$0x1]  }
0x3: {  	s2 =	rddreg [dreg:$0x2]  }
0x4: {  	s0 =	rddreg [dreg:$0x3];
	s4 =	srdreg.scid  }
0x5: {  	s1 =	stileid.u32;
	s3 =	simm.s32 $0x0;
	s16 =	simm.s32 $0x7D  }
0x6: {  	s17 =	simm.s32 $0x2800;
	s18 =	simm.s32 $0x1;
	s19 =	simm.s32 $0x80  }
0x7: {  	s20 =	simm.s32 $0x6800;
	s21 =	simm.s32 $0x2;
	s22 =	simm.s32 $0x3  }
0x8: {  	s23 =	simm.s32 $0x4;
	s24 =	simm.s32 $0x2780;
	s25 =	simm.s32 $0x0  }
0x9: {  	s6 =	sand.u32 $0x1, s4;
	s11 =	smul.u32 $0x2800, s1;
	[smem:$0x7FF] =	sst s3  }
0xa: {  	s4 =	sadd.s32 $0x19000, s5;
	s9 =	sadd.s32 $0xF000, s5;
	s12 =	sadd.s32 $0x41000, s5  }
0xb: {  	s10 =	sshll.u32 s1, $0x1;
	s14 =	smul.u32 $0x50000, s1;
	s31 =	sshll.u32 s1, $0x6  }
0xc: {  	s8 =	smul.u32 $0x28000, s6;
	_ =	strace $0x8000004A;
	s10 =	sor.u32 s6, s10  }
0xd: {  	s13 =	ssub.s32 $0x2, s6;
	p0 =	seq.s32 s6, $0x0;
	s29 =	smul.u32 $0x2800, s10  }
0xe: {  	s28 =	sshrl.u32 s13, $0x1;
	s30 =	sshrl.u32 s14, $0x2;
	s10 =	smul.u32 $0x500, s10  }
0xf: {  	s12 =	smov.u32 @p0 s4;
	s8 =	sadd.s32 s11, s8;
	s13 =	ssub.s32 s13, s28  }
0x10: {  	s14 =	sadd.s32 s30, s2;
	s11 =	sadd.s32 s12, s11;
	s12 =	sor.u32 $0x1C05, s31  }
0x11: {  	s15 =	sadd.s32 s8, s5;
	s8 =	sshrl.u32 s29, $0x3;
	s5 =	sadd.s32 s7, s10  }
0x12: {  	s6 =	sadd.s32 s9, s10;
	s10 =	smax.u32 s13, $0x1;
	s8 =	sadd.s32 $0x280, s8  }
0x13: {  	s13 =	sshrl.u32 s14, $0x3;
	s14 =	simm.s32 $0x5;
	s7 =	sadd.s32 s7, s8  }
0x14: {  	s8 =	sadd.s32 s9, s8;
	s9 =	sadd.s32 $0x69000, s15;
	s15 =	simm.s32 $0x1400  }
.LBB2_1:
0x15: {  	[spmem:s13], [sflag:s12] =	dma.local [hbm:s11], $0x2800  }
0x16: {  	_ =	swait.ge [sflag:s14], $0x2800  }
0x17: {  	[sflag:s14] =	ssyncset.done $0x0  }
0x18: {  	[sflag:s14] =	ssyncadd.s32 $0xFFFFD800  }
0x19: {  	[bflag:$0x0] =	sbarrier.arrive $0xFFFF  }
0x1a: {  	[tilespmem:s3], [sflag:$0x5] =	stream.linear.gather [hbm4b:s5+s3], $0x1400, $0x38;
	[tilespmem:$0x1E800] =	vst v63  }
0x1b: {  	_ =	swait.ge [sflag:s14], $0x1400  }
0x1c: {  	[sflag:s14] =	ssyncset.done $0x0  }
0x1d: {  	[sflag:s14] =	ssyncadd.s32 $0xFFFFEC00  }
0x1e: {  	[tilespmem:s15], [sflag:$0x5] =	stream.linear.gather [hbm4b:s6+s3], $0x1400, $0x38;
	[tilespmem:$0x1E800] =	vst v63  }
0x1f: {  	_ =	swait.ge [sflag:s14], $0x1400  }
0x20: {  	[sflag:s14] =	ssyncset.done $0x0  }
0x21: {  	[sflag:s14] =	ssyncadd.s32 $0xFFFFEC00  }
0x22: {  	[tilespmem:s17], [sflag:$0x1] =	stream.indirect.gather [hbm4b:s4+s16], $0x80, s3, s16, $0xb8;
	[tilespmem:$0x1E800] =	vst v63  }
0x23: {  	_ =	swait.ge [sflag:s18], $0x3E80  }
0x24: {  	[sflag:s18] =	ssyncset.done $0x0  }
0x25: {  	[sflag:s18] =	ssyncadd.s32 $0xFFFFC180  }
0x26: {  	[tilespmem:s20], [sflag:$0x2] =	stream.indirect.gather [hbm4b:s4+s16], $0x80, s19, s16, $0xb8;
	[tilespmem:$0x1E800] =	vst v63  }
0x27: {  	_ = 	snop  }
0x28: {  	[spmem:s2] =	stream.indirect.scatter.add.f32 [tilespmem:s17], [sflag:$0x3], $0x80, s15, s16, $0xb8;
	[tilespmem:$0x1E800] =	vst v63  }
0x29: {  	_ =	swait.ge [sflag:s21], $0x3E80  }
0x2a: {  	[sflag:s21] =	ssyncset.done $0x0  }
0x2b: {  	[sflag:s21] =	ssyncadd.s32 $0xFFFFC180  }
0x2c: {  	_ =	swait.ge [sflag:s22], $0x3E80  }
0x2d: {  	[sflag:s22] =	ssyncset.done $0x0  }
0x2e: {  	s26 =	simm.s32 $0x100;
	[sflag:s22] =	ssyncadd.s32 $0xFFFFC180  }
0x2f: {  	[tilespmem:s17], [sflag:$0x1] =	stream.indirect.gather [hbm4b:s4+s16], $0x80, s26, s16, $0xb8;
	[tilespmem:$0x1E800] =	vst v63  }
0x30: {  	s30 =	simm.s32 $0x1480  }
0x31: {  	[spmem:s2] =	stream.indirect.scatter.add.f32 [tilespmem:s20], [sflag:$0x4], $0x80, s30, s16, $0xb8;
	[tilespmem:$0x1E800] =	vst v63  }
0x32: {  	_ =	swait.ge [sflag:s18], $0x3E80  }
0x33: {  	[sflag:s18] =	ssyncset.done $0x0  }
0x34: {  	[sflag:s18] =	ssyncadd.s32 $0xFFFFC180  }
0x35: {  	_ =	swait.ge [sflag:s23], $0x3E80  }
0x36: {  	s31 =	simm.s32 $0x180;
	[sflag:s23] =	ssyncset.done $0x0  }
0x37: {  	s28 =	simm.s32 $0x1500;
	s26 =	simm.s32 $0xFFFFB800;
	[sflag:s23] =	ssyncadd.s32 $0xFFFFC180  }
0x38: {  	[tilespmem:s20], [sflag:$0x2] =	stream.indirect.gather [hbm4b:s4+s16], $0x80, s31, s16, $0xb8;
	[tilespmem:$0x1E800] =	vst v63  }
.LBB2_2:
0x39: {  	[spmem:s2] =	stream.indirect.scatter.add.f32 [tilespmem:s17], [sflag:$0x3], $0x80, s28, s16, $0xb8;
	[tilespmem:$0x1E800] =	vst v63  }
0x3a: {  	s28 =	smov.u32 s26  }
0x3b: {  	p0 =	sne.s32 s26, $0xFFFFFC00;
	s26 =	sadd.s32 $0x400, s26;
	_ =	swait.ge [sflag:s21], $0x3E80  }
0x3c: {  	[sflag:s21] =	ssyncset.done $0x0  }
0x3d: {  	[sflag:s21] =	ssyncadd.s32 $0xFFFFC180  }
0x3e: {  	_ =	swait.ge [sflag:s22], $0x3E80  }
0x3f: {  	s28 =	sshra.s32 s28, $0x2;
	[sflag:s22] =	ssyncset.done $0x0  }
0x40: {  	s29 =	sadd.s32 $0x1400, s28;
	[sflag:s22] =	ssyncadd.s32 $0xFFFFC180  }
0x41: {  	[tilespmem:s17], [sflag:$0x1] =	stream.indirect.gather [hbm4b:s4+s16], $0x80, s29, s16, $0xb8;
	[tilespmem:$0x1E800] =	vst v63  }
0x42: {  	s29 =	sadd.s32 $0x2780, s28  }
0x43: {  	[spmem:s2] =	stream.indirect.scatter.add.f32 [tilespmem:s20], [sflag:$0x4], $0x80, s29, s16, $0xb8;
	[tilespmem:$0x1E800] =	vst v63  }
0x44: {  	_ =	swait.ge [sflag:s18], $0x3E80  }
0x45: {  	[sflag:s18] =	ssyncset.done $0x0  }
0x46: {  	[sflag:s18] =	ssyncadd.s32 $0xFFFFC180  }
.Ltmp0:
0x47: {  	_ =	swait.ge [sflag:s23], $0x3E80;
	(pc) =	sbr.rel @p0 .LBB2_2-.Ltmp0, $4  }
0x48: {  	[sflag:s23] =	ssyncset.done $0x0  }
0x49: {  	s29 =	sadd.s32 $0x1480, s28;
	[sflag:s23] =	ssyncadd.s32 $0xFFFFC180  }
0x4a: {  	[tilespmem:s20], [sflag:$0x2] =	stream.indirect.gather [hbm4b:s4+s16], $0x80, s29, s16, $0xb8;
	[tilespmem:$0x1E800] =	vst v63  }
0x4b: {  	s28 =	sadd.s32 $0x2800, s28  }
0x4c: {  	[spmem:s2] =	stream.indirect.scatter.add.f32 [tilespmem:s17], [sflag:$0x3], $0x80, s28, s16, $0xb8;
	[tilespmem:$0x1E800] =	vst v63  }
0x4d: {  	_ =	swait.ge [sflag:s21], $0x3E80  }
0x4e: {  	[sflag:s21] =	ssyncset.done $0x0  }
0x4f: {  	[sflag:s21] =	ssyncadd.s32 $0xFFFFC180  }
0x50: {  	_ =	swait.ge [sflag:s22], $0x3E80  }
0x51: {  	[sflag:s22] =	ssyncset.done $0x0  }
0x52: {  	[sflag:s22] =	ssyncadd.s32 $0xFFFFC180  }
0x53: {  	[spmem:s2] =	stream.indirect.scatter.add.f32 [tilespmem:s20], [sflag:$0x5], $0x80, s24, s16, $0xb8;
	[tilespmem:$0x1E800] =	vst v63  }
0x54: {  	_ =	swait.ge [sflag:s14], $0x3E80  }
0x55: {  	[sflag:s14] =	ssyncset.done $0x0  }
0x56: {  	[sflag:s14] =	ssyncadd.s32 $0xFFFFC180  }
0x57: {  	[tilespmem:s3], [sflag:$0x5] =	stream.linear.gather [hbm4b:s7+s3], $0x1400, $0x38;
	[tilespmem:$0x1E800] =	vst v63  }
0x58: {  	_ =	swait.ge [sflag:s14], $0x1400  }
0x59: {  	[sflag:s14] =	ssyncset.done $0x0  }
0x5a: {  	[sflag:s14] =	ssyncadd.s32 $0xFFFFEC00  }
0x5b: {  	[tilespmem:s15], [sflag:$0x5] =	stream.linear.gather [hbm4b:s8+s3], $0x1400, $0x38;
	[tilespmem:$0x1E800] =	vst v63  }
0x5c: {  	_ =	swait.ge [sflag:s14], $0x1400  }
0x5d: {  	[sflag:s14] =	ssyncset.done $0x0  }
0x5e: {  	[sflag:s14] =	ssyncadd.s32 $0xFFFFEC00  }
0x5f: {  	[tilespmem:s17], [sflag:$0x1] =	stream.indirect.gather [hbm4b:s4+s16], $0x80, s3, s16, $0xb8;
	[tilespmem:$0x1E800] =	vst v63  }
0x60: {  	_ =	swait.ge [sflag:s18], $0x3E80  }
0x61: {  	[sflag:s18] =	ssyncset.done $0x0  }
0x62: {  	[sflag:s18] =	ssyncadd.s32 $0xFFFFC180  }
0x63: {  	[tilespmem:s20], [sflag:$0x2] =	stream.indirect.gather [hbm4b:s4+s16], $0x80, s19, s16, $0xb8;
	[tilespmem:$0x1E800] =	vst v63  }
0x64: {  	_ = 	snop  }
0x65: {  	[spmem:s2] =	stream.indirect.scatter.add.f32 [tilespmem:s17], [sflag:$0x3], $0x80, s15, s16, $0xb8;
	[tilespmem:$0x1E800] =	vst v63  }
0x66: {  	_ =	swait.ge [sflag:s21], $0x3E80  }
0x67: {  	[sflag:s21] =	ssyncset.done $0x0  }
0x68: {  	[sflag:s21] =	ssyncadd.s32 $0xFFFFC180  }
0x69: {  	_ =	swait.ge [sflag:s22], $0x3E80  }
0x6a: {  	[sflag:s22] =	ssyncset.done $0x0  }
0x6b: {  	s26 =	simm.s32 $0x100;
	[sflag:s22] =	ssyncadd.s32 $0xFFFFC180  }
0x6c: {  	[tilespmem:s17], [sflag:$0x1] =	stream.indirect.gather [hbm4b:s4+s16], $0x80, s26, s16, $0xb8;
	[tilespmem:$0x1E800] =	vst v63  }
0x6d: {  	s30 =	simm.s32 $0x1480  }
0x6e: {  	[spmem:s2] =	stream.indirect.scatter.add.f32 [tilespmem:s20], [sflag:$0x4], $0x80, s30, s16, $0xb8;
	[tilespmem:$0x1E800] =	vst v63  }
0x6f: {  	_ =	swait.ge [sflag:s18], $0x3E80  }
0x70: {  	[sflag:s18] =	ssyncset.done $0x0  }
0x71: {  	[sflag:s18] =	ssyncadd.s32 $0xFFFFC180  }
0x72: {  	_ =	swait.ge [sflag:s23], $0x3E80  }
0x73: {  	s31 =	simm.s32 $0x180;
	[sflag:s23] =	ssyncset.done $0x0  }
0x74: {  	s28 =	simm.s32 $0x1500;
	s26 =	simm.s32 $0xFFFFB800;
	[sflag:s23] =	ssyncadd.s32 $0xFFFFC180  }
0x75: {  	[tilespmem:s20], [sflag:$0x2] =	stream.indirect.gather [hbm4b:s4+s16], $0x80, s31, s16, $0xb8;
	[tilespmem:$0x1E800] =	vst v63  }
.LBB2_4:
0x76: {  	[spmem:s2] =	stream.indirect.scatter.add.f32 [tilespmem:s17], [sflag:$0x3], $0x80, s28, s16, $0xb8;
	[tilespmem:$0x1E800] =	vst v63  }
0x77: {  	s28 =	smov.u32 s26  }
0x78: {  	p0 =	sne.s32 s26, $0xFFFFFC00;
	s26 =	sadd.s32 $0x400, s26;
	_ =	swait.ge [sflag:s21], $0x3E80  }
0x79: {  	[sflag:s21] =	ssyncset.done $0x0  }
0x7a: {  	[sflag:s21] =	ssyncadd.s32 $0xFFFFC180  }
0x7b: {  	_ =	swait.ge [sflag:s22], $0x3E80  }
0x7c: {  	s28 =	sshra.s32 s28, $0x2;
	[sflag:s22] =	ssyncset.done $0x0  }
0x7d: {  	s29 =	sadd.s32 $0x1400, s28;
	[sflag:s22] =	ssyncadd.s32 $0xFFFFC180  }
0x7e: {  	[tilespmem:s17], [sflag:$0x1] =	stream.indirect.gather [hbm4b:s4+s16], $0x80, s29, s16, $0xb8;
	[tilespmem:$0x1E800] =	vst v63  }
0x7f: {  	s29 =	sadd.s32 $0x2780, s28  }
0x80: {  	[spmem:s2] =	stream.indirect.scatter.add.f32 [tilespmem:s20], [sflag:$0x4], $0x80, s29, s16, $0xb8;
	[tilespmem:$0x1E800] =	vst v63  }
0x81: {  	_ =	swait.ge [sflag:s18], $0x3E80  }
0x82: {  	[sflag:s18] =	ssyncset.done $0x0  }
0x83: {  	[sflag:s18] =	ssyncadd.s32 $0xFFFFC180  }
.Ltmp1:
0x84: {  	_ =	swait.ge [sflag:s23], $0x3E80;
	(pc) =	sbr.rel @p0 .LBB2_4-.Ltmp1, $4  }
0x85: {  	[sflag:s23] =	ssyncset.done $0x0  }
0x86: {  	s29 =	sadd.s32 $0x1480, s28;
	[sflag:s23] =	ssyncadd.s32 $0xFFFFC180  }
0x87: {  	[tilespmem:s20], [sflag:$0x2] =	stream.indirect.gather [hbm4b:s4+s16], $0x80, s29, s16, $0xb8;
	[tilespmem:$0x1E800] =	vst v63  }
0x88: {  	s28 =	sadd.s32 $0x2800, s28  }
0x89: {  	[spmem:s2] =	stream.indirect.scatter.add.f32 [tilespmem:s17], [sflag:$0x3], $0x80, s28, s16, $0xb8;
	[tilespmem:$0x1E800] =	vst v63  }
0x8a: {  	_ =	swait.ge [sflag:s21], $0x3E80  }
0x8b: {  	[sflag:s21] =	ssyncset.done $0x0  }
0x8c: {  	[sflag:s21] =	ssyncadd.s32 $0xFFFFC180  }
0x8d: {  	_ =	swait.ge [sflag:s22], $0x3E80  }
0x8e: {  	[sflag:s22] =	ssyncset.done $0x0  }
0x8f: {  	[sflag:s22] =	ssyncadd.s32 $0xFFFFC180  }
0x90: {  	[spmem:s2] =	stream.indirect.scatter.add.f32 [tilespmem:s20], [sflag:$0x5], $0x80, s24, s16, $0xb8;
	[tilespmem:$0x1E800] =	vst v63  }
0x91: {  	_ =	swait.ge [sflag:s14], $0x3E80  }
0x92: {  	s25 =	sadd.s32 $0x1, s25;
	[sflag:s14] =	ssyncset.done $0x0  }
0x93: {  	p0 =	sne.s32 s25, s10;
	[sflag:s14] =	ssyncadd.s32 $0xFFFFC180  }
.Ltmp2:
0x94: {  	[bflag:$0x0] =	sbarrier.arrive $0xFFFF;
	(pc) =	sbr.rel @p0 .LBB2_1-.Ltmp2, $4  }
0x95: {  	[hbm:s9], [sflag:s12] =	dma.local [spmem:s13], $0x2800  }
0x96: {  	_ =	swait.ge [sflag:s14], $0x2800  }
0x97: {  	[sflag:s14] =	ssyncset.done $0x0  }
0x98: {  	[sflag:s14] =	ssyncadd.s32 $0xFFFFD800  }
0x99: {  	_ =	sfence.sel $0x180000  }
0x9a: {  	[bflag:$0x0] =	sbarrier.arrive $0xFFFF  }
0x9b: {  	p0 =	sne.s32 s1, $0x0;
	_ =	strace $0x9000004A  }
0x9c: {  	s0 =	sadd.s32 @!p0 $0x100000, s0;
	[bflag:$0x2] =	sbarrier.arrive $0xFFFF  }
0x9d: {  	[sflag:s0] =	ssyncadd.tile.s32 @!p0 $0x1;
	_ =	shalt  }
.Lfunc_end2:
_tile_overlayer_lowered:
.L_overlay_start_2:
0x9e: {  	(tag) =	ssettag $0x2  }
0x9f: {  	s0 =	rddreg [dreg:$0x0];
	s2 =	stileid.u32  }
0xa0: {  	s1 =	rddreg [dreg:$0x1];
	p0 =	sne.s32 s2, $0x0  }
0xa1: {  	s3 =	rddreg [dreg:$0x2];
	[bflag:$0x3] =	sbarrier.arrive $0xFFFF;
	s2 =	simm.s32 @!p0 $0x1C05  }
0xa2: {  	[timem:s3], [sflag:s2] =	dma.local @!p0 [hbm:s0], s1  }
0xa3: {  	s0 =	simm.s32 @!p0 $0x5  }
0xa4: {  	_ =	swait.ge @!p0 [sflag:s0], s1  }
0xa5: {  	s1 =	ssub.s32 @!p0 $0x0, s1;
	[sflag:s0] =	ssyncset.done @!p0 $0x0  }
0xa6: {  	[sflag:s0] =	ssyncadd.s32 @!p0 s1  }
0xa7: {  	[bflag:$0x3] =	sbarrier.arrive $0xFFFF  }
0xa8: {  	_ =	shalt  }

// kernel: kernel.14.cloned.1.call-start
scs
__scs_entry_jumppad:
0x0: {  	(pc) =	sbr.rel $0x88, $3  }
0x1: {  	(tag) =	ssettag $0x0;
	lr =	simm.s32 $0x1  }
0x2: {  	[smem:$0x3F9B] =	sst lr;
	_ =	strace $0xD0000000  }
0x3: {  	_ = 	snop  }
0x4: {  	_ = 	snop  }
0x5: {  	_ = 	snop  }
0x6: {  	_ = 	snop  }
0x7: {  	_ = 	snop  }
__scs_overlays_trampoline_lowered:
0x8: {  	[smem:$0x3FAA] =	sst s0  }
0x9: {  	[smem:$0x3FAB] =	sst s1  }
0xa: {  	[smem:$0x3FAC] =	sst s2  }
0xb: {  	[smem:$0x3FAD] =	sst s3  }
0xc: {  	[smem:$0x3FAE] =	sst s4  }
0xd: {  	[smem:$0x3FAF] =	sst s5  }
0xe: {  	[smem:$0x3FB0] =	sst s6  }
0xf: {  	[smem:$0x3FB1] =	sst s7  }
0x10: {  	[smem:$0x3FB2] =	sst s8  }
0x11: {  	[smem:$0x3FB3] =	sst s9;
	s0 =	simm.s32 @!p0 $0x0  }
0x12: {  	s1 =	sld [smem:$0x3F99];
	s0 =	simm.s32 @p0 $0x1  }
0x13: {  	[smem:$0x3FB4] =	sst s0;
	s0 =	simm.s32 @!p1 $0x0  }
0x14: {  	s2 =	sld [smem:$0x3F98];
	s0 =	simm.s32 @p1 $0x1  }
0x15: {  	[smem:$0x3FB5] =	sst s0;
	s0 =	simm.s32 @!p2 $0x0  }
0x16: {  	s3 =	sld [smem:$0x3FDB];
	s0 =	simm.s32 @p2 $0x1  }
0x17: {  	s4 =	simm.s32 $0x1BF5;
	[smem:$0x3FB7] =	sst s0  }
0x18: {  	s0 =	sld [smem:$0x3F9A];
	_ =	swait.ge [sflag:s4], $0x0  }
0x19: {  	s7 =	sld [smem:$0x3F9B]  }
0x1a: {  	s8 =	sadd.s32 $0xFFFFE003, lr  }
0x1b: {  	s9 =	sadd.s32 $0xFFFFFEF7, lr;
	s5 =	simm.s32 $0xFFFFFFFF;
	p2 =	slt.u32 s8, $0xFFFFF086  }
0x1c: {  	p1 =	slt.u32 s9, $0xF7A;
	s5 =	simm.s32 @!p2 $0x0  }
0x1d: {  	s5 =	simm.s32 @p1 $0x1;
	p0 =	seq.s32 s7, s2  }
0x1e: {  	s7 =	smul.u32 @!p0 $0xF7A, s2;
	p2 =	seq.s32 @!p0 s5, $0x0  }
0x1f: {  	s9 =	smul.u32 $0xF7A, s1;
	s8 =	simm.s32 @!p0 $0x1BF5;
	p2 =	por !p2, p0  }
0x20: {  	[sflag:s8] =	ssyncset.s32 @!p0 $0xFFFFF086;
	s6 =	sadd.s32 @!p0 s3, s7;
	s7 =	simm.s32 @!p0 $0x108  }
0x21: {  	s3 =	sadd.s32 s3, s9;
	s6 =	sadd.s32 @!p0 $0x88, s6;
	s7 =	simm.s32 @p2 $0x1082  }
0x22: {  	[simem:s7], [sflag:s8] =	dma.local @!p0 [hbm:s6], $0xF7A  }
0x23: {  	s9 =	sor.u32 $0xD0000000, s2;
	s6 =	simm.s32 $0x108;
	_ =	swait.ge @!p0 [sflag:s8], $0x0  }
0x24: {  	s3 =	sadd.s32 $0x88, s3;
	s6 =	simm.s32 @!p1 $0x1082;
	[sflag:s4] =	ssyncset.s32 $0xFFFFF086  }
0x25: {  	[simem:s6], [sflag:s4] =	dma.local [hbm:s3], $0xF7A  }
0x26: {  	[smem:$0x3F9B] =	sst s1;
	(tag) =	ssettag s2;
	_ =	strace s9  }
0x27: {  	s1 =	sld [smem:$0x3FAB]  }
0x28: {  	s2 =	sld [smem:$0x3FAC]  }
0x29: {  	s4 =	sld [smem:$0x3FAE]  }
0x2a: {  	p0 =	seq.s32 s5, $0x0;
	s5 =	sld [smem:$0x3FAF]  }
0x2b: {  	s6 =	sld [smem:$0x3FB0]  }
0x2c: {  	s7 =	sld [smem:$0x3FB1]  }
0x2d: {  	s3 =	simm.s32 $0x108;
	s8 =	sld [smem:$0x3FB2]  }
0x2e: {  	s3 =	simm.s32 @!p0 $0x1082;
	s9 =	sld [smem:$0x3FB3]  }
0x2f: {  	lr =	sadd.s32 s0, s3;
	s0 =	sld [smem:$0x3FAA]  }
0x30: {  	s3 =	sld [smem:$0x3FAD]  }
0x31: {  	[smem:$0x3FB6] =	sst s10  }
0x32: {  	s10 =	sld [smem:$0x3FB4];
	_ =	sdelay $0x3  }
0x33: {  	p0 =	seq.s32 s10, $0x1;
	s10 =	sld [smem:$0x3FB6];
	_ =	sdelay $0x3  }
0x34: {  	[smem:$0x3FB6] =	sst s10  }
0x35: {  	s10 =	sld [smem:$0x3FB5];
	_ =	sdelay $0x3  }
0x36: {  	p1 =	seq.s32 s10, $0x1;
	s10 =	sld [smem:$0x3FB6];
	_ =	sdelay $0x3  }
0x37: {  	[smem:$0x3FB6] =	sst s10  }
0x38: {  	s10 =	sld [smem:$0x3FB7]  }
0x39: {  	_ = 	snop;
	(pc) =	sbr.ind lr, $3  }
0x3a: {  	_ = 	snop  }
0x3b: {  	_ = 	snop  }
0x3c: {  	p2 =	seq.s32 s10, $0x1;
	s10 =	sld [smem:$0x3FB6]  }
0x3d: {  	_ =	shalt  }
0x3e: {  	_ =	shalt  }
0x3f: {  	_ =	shalt  }
0x40: {  	_ =	shalt  }
0x41: {  	_ =	shalt  }
0x42: {  	_ =	shalt  }
0x43: {  	_ =	shalt  }
0x44: {  	_ =	shalt  }
0x45: {  	_ =	shalt  }
0x46: {  	_ =	shalt  }
0x47: {  	_ =	shalt  }
0x48: {  	_ =	shalt  }
0x49: {  	_ =	shalt  }
0x4a: {  	_ =	shalt  }
0x4b: {  	_ =	shalt  }
0x4c: {  	_ =	shalt  }
0x4d: {  	_ =	shalt  }
0x4e: {  	_ =	shalt  }
0x4f: {  	_ =	shalt  }
0x50: {  	_ =	shalt  }
0x51: {  	_ =	shalt  }
0x52: {  	_ =	shalt  }
0x53: {  	_ =	shalt  }
0x54: {  	_ =	shalt  }
0x55: {  	_ =	shalt  }
0x56: {  	_ =	shalt  }
0x57: {  	_ =	shalt  }
0x58: {  	_ =	shalt  }
0x59: {  	_ =	shalt  }
0x5a: {  	_ =	shalt  }
0x5b: {  	_ =	shalt  }
0x5c: {  	_ =	shalt  }
0x5d: {  	_ =	shalt  }
0x5e: {  	_ =	shalt  }
0x5f: {  	_ =	shalt  }
0x60: {  	_ =	shalt  }
0x61: {  	_ =	shalt  }
0x62: {  	_ =	shalt  }
0x63: {  	_ =	shalt  }
0x64: {  	_ =	shalt  }
0x65: {  	_ =	shalt  }
0x66: {  	_ =	shalt  }
0x67: {  	_ =	shalt  }
0x68: {  	_ =	shalt  }
0x69: {  	_ =	shalt  }
0x6a: {  	_ =	shalt  }
0x6b: {  	_ =	shalt  }
0x6c: {  	_ =	shalt  }
0x6d: {  	_ =	shalt  }
0x6e: {  	_ =	shalt  }
0x6f: {  	_ =	shalt  }
0x70: {  	_ =	shalt  }
0x71: {  	_ =	shalt  }
0x72: {  	_ =	shalt  }
0x73: {  	_ =	shalt  }
0x74: {  	_ =	shalt  }
0x75: {  	_ =	shalt  }
0x76: {  	_ =	shalt  }
0x77: {  	_ =	shalt  }
0x78: {  	_ =	shalt  }
0x79: {  	_ =	shalt  }
0x7a: {  	_ =	shalt  }
0x7b: {  	_ =	shalt  }
0x7c: {  	_ =	shalt  }
0x7d: {  	_ =	shalt  }
0x7e: {  	_ =	shalt  }
0x7f: {  	_ =	shalt  }
0x80: {  	_ =	shalt  }
0x81: {  	_ =	shalt  }
0x82: {  	_ =	shalt  }
0x83: {  	_ =	shalt  }
0x84: {  	_ =	shalt  }
0x85: {  	_ =	shalt  }
0x86: {  	_ =	shalt  }
0x87: {  	_ =	shalt  }
.Lfunc_end0:
.L_simem_size_0:
called_computation.2_lowered:
.L_overlay_start_0:
0x88: {  	s2 =	sld [smem:$0x3FD9]  }
0x89: {  	s3 =	sld [smem:$0x3FFE];
	_ =	sdelay $0x1  }
0x8a: {  	s1 =	srdreg.scid  }
0x8b: {  	s0 =	sand.u32 $0x1, s1  }
0x8c: {  	s17 =	sshll.u32 s0, $0xA;
	s2 =	sadd.s32 s3, s2  }
0x8d: {  	s2 =	sadd.s32 s2, s17  }
0x8e: {  	[smem:$0x3FC2] =	sst s2  }
0x8f: {  	_ = 	snop  }
0x90: {  	s2 =	sld [smem:$0x3FD0];
	(tm) =	ssettm $0x1  }
0x91: {  	s18 =	sld [smem:$0x3FFB];
	_ =	sdelay $0x3  }
0x92: {  	_ =	strace s18  }
0x93: {  	s3 =	sld [smem:$0x3FFC];
	_ =	sdelay $0x3  }
0x94: {  	_ =	strace s3  }
0x95: {  	s3 =	sld [smem:$0x3FFD];
	_ =	sdelay $0x3  }
0x96: {  	_ =	strace s3  }
0x97: {  	_ =	strace $0x8FFFFFFF  }
0x98: {  	s19 =	sld [smem:$0x3FDB];
	_ =	sdelay $0x1  }
0x99: {  	s4 =	simm.s32 $_scs_section_size  }
0x9a: {  	s5 =	simm.s32 $_size__tile_overlayer_lowered;
	s6 =	simm.s32 $_tile_overlayer_lowered  }
0x9b: {  	s22 =	simm.s32 $0x1BFF;
	s21 =	sshll.u32 s6, $0x1;
	s3 =	sadd.s32 s4, s19  }
0x9c: {  	s7 =	simm.s32 $0x0;
	s20 =	sshll.u32 s5, $0x1;
	s5 =	sadd.s32 s21, s3  }
0x9d: {  	[timem:s7], [sflag:s22] =	dma.local [hbm:s5], s20  }
0x9e: {  	_ =	swait.ge [sflag:s22], s20  }
0x9f: {  	s4 =	ssub.s32 $0x0, s20;
	[sflag:s22] =	ssyncset.done $0x0  }
0xa0: {  	[sflag:s22] =	ssyncadd.s32 s4;
	_ =	sdelay $0x1  }
0xa1: {  	s23 =	simm.s32 $0x1B8B  }
0xa2: {  	_ =	swait.ge [sflag:s23], $0x1  }
0xa3: {  	[sflag:s23] =	ssyncset.done $0x0  }
0xa4: {  	s25 =	simm.s32 $0x1B8E;
	s24 =	sld [smem:$0x3FFE];
	[sflag:s23] =	ssyncadd.s32 $0xFFFFFFFF  }
0xa5: {  	s26 =	simm.s32 $execute0_lowered;
	[smem:$0x3FD2] =	sst s25  }
0xa6: {  	s5 =	sshll.u32 s26, $0x1;
	_ =	strace $0x8000004C;
	[dreg:$0x1] =	wrdreg $0xFFFFFFFF  }
0xa7: {  	s28 =	simm.s32 $_size_execute0_lowered;
	s3 =	sadd.s32 s3, s5;
	[dreg:$0x0] =	wrdreg $0x0  }
0xa8: {  	s5 =	sshll.u32 s28, $0x1;
	[dreg:$0x2] =	wrdreg s3  }
0xa9: {  	[dreg:$0x3] =	wrdreg s5  }
0xaa: {  	[dreg:$0x4] =	wrdreg $0xC0  }
0xab: {  	_ =	task [dreg:s7], $0x5FFFF  }
0xac: {  	[dreg:$0x1] =	wrdreg $0xFFFFFFFF  }
0xad: {  	[dreg:$0x0] =	wrdreg $0x60  }
0xae: {  	[dreg:$0x2] =	wrdreg s24  }
0xaf: {  	[dreg:$0x3] =	wrdreg s2  }
0xb0: {  	[dreg:$0x4] =	wrdreg $0xA8000  }
0xb1: {  	[dreg:$0x5] =	wrdreg $0x9  }
0xb2: {  	_ =	task.clear_ibuf [dreg:s7], $0x6FFFF;
	_ =	strace $0x9000004C  }
0xb3: {  	s29 =	simm.s32 $0x9;
	_ =	strace $0x8000004E  }
0xb4: {  	_ =	swait.ge [sflag:s29], $0x1  }
0xb5: {  	[sflag:s29] =	ssyncadd.s32 $0xFFFFFFFF  }
0xb6: {  	_ =	strace $0x9000004E  }
0xb7: {  	_ =	sfence  }
0xb8: {  	s30 =	sld [smem:$0x0];
	_ =	sdelay $0x2  }
0xb9: {  	s31 =	sshll.u32 s1, $0xD;
	s1 =	sshrl.u32 s1, $0x2  }
0xba: {  	s3 =	sand.u32 $0x4000, s31;
	s1 =	sadd.s32 s1, s30  }
0xbb: {  	s0 =	sor.u32 s3, s0;
	s1 =	sshll.u32 s1, $0x11  }
0xbc: {  	s0 =	sor.u32 s1, s0  }
0xbd: {  	s0 =	sadd.s32 $0x8F2B, s0  }
0xbe: {  	[sflag:s0] =	ssyncadd.remote.s32 $0x1  }
0xbf: {  	_ =	sfence.sel $0xFFFF  }
0xc0: {  	[dreg:$0x0] =	wrdreg $0xFFFFFFFF;
	(pc) =	sbr.abs _section_cstart, $3  }
0xc1: {  	[dreg:$0x1] =	wrdreg $0xFFFFFFFF  }
0xc2: {  	_ =	task.clear_ibuf [dreg:s7], $0x2FFFF;
	_ =	strace $0x9FFFFFFF  }
0xc3: {  	(tm) =	ssettm $0x7FFFFFFF  }
tec
execute0_lowered:
.L_overlay_start_1:
0x0: {  	(tag) =	ssettag $0x1  }
0x1: {  	s5 =	rddreg [dreg:$0x0]  }
0x2: {  	s7 =	rddreg [dreg:$0x1]  }
0x3: {  	s2 =	rddreg [dreg:$0x2]  }
0x4: {  	s0 =	rddreg [dreg:$0x3];
	s4 =	srdreg.scid  }
0x5: {  	s1 =	stileid.u32;
	s3 =	simm.s32 $0x0;
	s16 =	simm.s32 $0x7D  }
0x6: {  	s17 =	simm.s32 $0x2800;
	s18 =	simm.s32 $0x1;
	s19 =	simm.s32 $0x80  }
0x7: {  	s20 =	simm.s32 $0x6800;
	s21 =	simm.s32 $0x2;
	s22 =	simm.s32 $0x3  }
0x8: {  	s23 =	simm.s32 $0x4;
	s24 =	simm.s32 $0x2780;
	s25 =	simm.s32 $0x0  }
0x9: {  	s6 =	sand.u32 $0x1, s4;
	s11 =	smul.u32 $0x2800, s1;
	[smem:$0x7FF] =	sst s3  }
0xa: {  	s4 =	sadd.s32 $0x19000, s5;
	s9 =	sadd.s32 $0xF000, s5;
	s12 =	sadd.s32 $0x41000, s5  }
0xb: {  	s10 =	sshll.u32 s1, $0x1;
	s14 =	smul.u32 $0x50000, s1;
	s31 =	sshll.u32 s1, $0x6  }
0xc: {  	s8 =	smul.u32 $0x28000, s6;
	_ =	strace $0x8000004D;
	s10 =	sor.u32 s6, s10  }
0xd: {  	s13 =	ssub.s32 $0x2, s6;
	p0 =	seq.s32 s6, $0x0;
	s29 =	smul.u32 $0x2800, s10  }
0xe: {  	s28 =	sshrl.u32 s13, $0x1;
	s30 =	sshrl.u32 s14, $0x2;
	s10 =	smul.u32 $0x500, s10  }
0xf: {  	s12 =	smov.u32 @p0 s4;
	s8 =	sadd.s32 s11, s8;
	s13 =	ssub.s32 s13, s28  }
0x10: {  	s14 =	sadd.s32 s30, s2;
	s11 =	sadd.s32 s12, s11;
	s12 =	sor.u32 $0x1C05, s31  }
0x11: {  	s15 =	sadd.s32 s8, s5;
	s8 =	sshrl.u32 s29, $0x3;
	s5 =	sadd.s32 s7, s10  }
0x12: {  	s6 =	sadd.s32 s9, s10;
	s10 =	smax.u32 s13, $0x1;
	s8 =	sadd.s32 $0x280, s8  }
0x13: {  	s13 =	sshrl.u32 s14, $0x3;
	s14 =	simm.s32 $0x5;
	s7 =	sadd.s32 s7, s8  }
0x14: {  	s8 =	sadd.s32 s9, s8;
	s9 =	sadd.s32 $0x69000, s15;
	s15 =	simm.s32 $0x1400  }
.LBB2_1:
0x15: {  	[spmem:s13], [sflag:s12] =	dma.local [hbm:s11], $0x2800  }
0x16: {  	_ =	swait.ge [sflag:s14], $0x2800  }
0x17: {  	[sflag:s14] =	ssyncset.done $0x0  }
0x18: {  	[sflag:s14] =	ssyncadd.s32 $0xFFFFD800  }
0x19: {  	[bflag:$0x0] =	sbarrier.arrive $0xFFFF  }
0x1a: {  	[tilespmem:s3], [sflag:$0x5] =	stream.linear.gather [hbm4b:s5+s3], $0x1400, $0x38;
	[tilespmem:$0x1E800] =	vst v63  }
0x1b: {  	_ =	swait.ge [sflag:s14], $0x1400  }
0x1c: {  	[sflag:s14] =	ssyncset.done $0x0  }
0x1d: {  	[sflag:s14] =	ssyncadd.s32 $0xFFFFEC00  }
0x1e: {  	[tilespmem:s15], [sflag:$0x5] =	stream.linear.gather [hbm4b:s6+s3], $0x1400, $0x38;
	[tilespmem:$0x1E800] =	vst v63  }
0x1f: {  	_ =	swait.ge [sflag:s14], $0x1400  }
0x20: {  	[sflag:s14] =	ssyncset.done $0x0  }
0x21: {  	[sflag:s14] =	ssyncadd.s32 $0xFFFFEC00  }
0x22: {  	[tilespmem:s17], [sflag:$0x1] =	stream.indirect.gather [hbm4b:s4+s16], $0x80, s3, s16, $0xb8;
	[tilespmem:$0x1E800] =	vst v63  }
0x23: {  	_ =	swait.ge [sflag:s18], $0x3E80  }
0x24: {  	[sflag:s18] =	ssyncset.done $0x0  }
0x25: {  	[sflag:s18] =	ssyncadd.s32 $0xFFFFC180  }
0x26: {  	[tilespmem:s20], [sflag:$0x2] =	stream.indirect.gather [hbm4b:s4+s16], $0x80, s19, s16, $0xb8;
	[tilespmem:$0x1E800] =	vst v63  }
0x27: {  	_ = 	snop  }
0x28: {  	[spmem:s2] =	stream.indirect.scatter.add.f32 [tilespmem:s17], [sflag:$0x3], $0x80, s15, s16, $0xb8;
	[tilespmem:$0x1E800] =	vst v63  }
0x29: {  	_ =	swait.ge [sflag:s21], $0x3E80  }
0x2a: {  	[sflag:s21] =	ssyncset.done $0x0  }
0x2b: {  	[sflag:s21] =	ssyncadd.s32 $0xFFFFC180  }
0x2c: {  	_ =	swait.ge [sflag:s22], $0x3E80  }
0x2d: {  	[sflag:s22] =	ssyncset.done $0x0  }
0x2e: {  	s26 =	simm.s32 $0x100;
	[sflag:s22] =	ssyncadd.s32 $0xFFFFC180  }
0x2f: {  	[tilespmem:s17], [sflag:$0x1] =	stream.indirect.gather [hbm4b:s4+s16], $0x80, s26, s16, $0xb8;
	[tilespmem:$0x1E800] =	vst v63  }
0x30: {  	s30 =	simm.s32 $0x1480  }
0x31: {  	[spmem:s2] =	stream.indirect.scatter.add.f32 [tilespmem:s20], [sflag:$0x4], $0x80, s30, s16, $0xb8;
	[tilespmem:$0x1E800] =	vst v63  }
0x32: {  	_ =	swait.ge [sflag:s18], $0x3E80  }
0x33: {  	[sflag:s18] =	ssyncset.done $0x0  }
0x34: {  	[sflag:s18] =	ssyncadd.s32 $0xFFFFC180  }
0x35: {  	_ =	swait.ge [sflag:s23], $0x3E80  }
0x36: {  	s31 =	simm.s32 $0x180;
	[sflag:s23] =	ssyncset.done $0x0  }
0x37: {  	s28 =	simm.s32 $0x1500;
	s26 =	simm.s32 $0xFFFFB800;
	[sflag:s23] =	ssyncadd.s32 $0xFFFFC180  }
0x38: {  	[tilespmem:s20], [sflag:$0x2] =	stream.indirect.gather [hbm4b:s4+s16], $0x80, s31, s16, $0xb8;
	[tilespmem:$0x1E800] =	vst v63  }
.LBB2_2:
0x39: {  	[spmem:s2] =	stream.indirect.scatter.add.f32 [tilespmem:s17], [sflag:$0x3], $0x80, s28, s16, $0xb8;
	[tilespmem:$0x1E800] =	vst v63  }
0x3a: {  	s28 =	smov.u32 s26  }
0x3b: {  	p0 =	sne.s32 s26, $0xFFFFFC00;
	s26 =	sadd.s32 $0x400, s26;
	_ =	swait.ge [sflag:s21], $0x3E80  }
0x3c: {  	[sflag:s21] =	ssyncset.done $0x0  }
0x3d: {  	[sflag:s21] =	ssyncadd.s32 $0xFFFFC180  }
0x3e: {  	_ =	swait.ge [sflag:s22], $0x3E80  }
0x3f: {  	s28 =	sshra.s32 s28, $0x2;
	[sflag:s22] =	ssyncset.done $0x0  }
0x40: {  	s29 =	sadd.s32 $0x1400, s28;
	[sflag:s22] =	ssyncadd.s32 $0xFFFFC180  }
0x41: {  	[tilespmem:s17], [sflag:$0x1] =	stream.indirect.gather [hbm4b:s4+s16], $0x80, s29, s16, $0xb8;
	[tilespmem:$0x1E800] =	vst v63  }
0x42: {  	s29 =	sadd.s32 $0x2780, s28  }
0x43: {  	[spmem:s2] =	stream.indirect.scatter.add.f32 [tilespmem:s20], [sflag:$0x4], $0x80, s29, s16, $0xb8;
	[tilespmem:$0x1E800] =	vst v63  }
0x44: {  	_ =	swait.ge [sflag:s18], $0x3E80  }
0x45: {  	[sflag:s18] =	ssyncset.done $0x0  }
0x46: {  	[sflag:s18] =	ssyncadd.s32 $0xFFFFC180  }
.Ltmp0:
0x47: {  	_ =	swait.ge [sflag:s23], $0x3E80;
	(pc) =	sbr.rel @p0 .LBB2_2-.Ltmp0, $4  }
0x48: {  	[sflag:s23] =	ssyncset.done $0x0  }
0x49: {  	s29 =	sadd.s32 $0x1480, s28;
	[sflag:s23] =	ssyncadd.s32 $0xFFFFC180  }
0x4a: {  	[tilespmem:s20], [sflag:$0x2] =	stream.indirect.gather [hbm4b:s4+s16], $0x80, s29, s16, $0xb8;
	[tilespmem:$0x1E800] =	vst v63  }
0x4b: {  	s28 =	sadd.s32 $0x2800, s28  }
0x4c: {  	[spmem:s2] =	stream.indirect.scatter.add.f32 [tilespmem:s17], [sflag:$0x3], $0x80, s28, s16, $0xb8;
	[tilespmem:$0x1E800] =	vst v63  }
0x4d: {  	_ =	swait.ge [sflag:s21], $0x3E80  }
0x4e: {  	[sflag:s21] =	ssyncset.done $0x0  }
0x4f: {  	[sflag:s21] =	ssyncadd.s32 $0xFFFFC180  }
0x50: {  	_ =	swait.ge [sflag:s22], $0x3E80  }
0x51: {  	[sflag:s22] =	ssyncset.done $0x0  }
0x52: {  	[sflag:s22] =	ssyncadd.s32 $0xFFFFC180  }
0x53: {  	[spmem:s2] =	stream.indirect.scatter.add.f32 [tilespmem:s20], [sflag:$0x5], $0x80, s24, s16, $0xb8;
	[tilespmem:$0x1E800] =	vst v63  }
0x54: {  	_ =	swait.ge [sflag:s14], $0x3E80  }
0x55: {  	[sflag:s14] =	ssyncset.done $0x0  }
0x56: {  	[sflag:s14] =	ssyncadd.s32 $0xFFFFC180  }
0x57: {  	[tilespmem:s3], [sflag:$0x5] =	stream.linear.gather [hbm4b:s7+s3], $0x1400, $0x38;
	[tilespmem:$0x1E800] =	vst v63  }
0x58: {  	_ =	swait.ge [sflag:s14], $0x1400  }
0x59: {  	[sflag:s14] =	ssyncset.done $0x0  }
0x5a: {  	[sflag:s14] =	ssyncadd.s32 $0xFFFFEC00  }
0x5b: {  	[tilespmem:s15], [sflag:$0x5] =	stream.linear.gather [hbm4b:s8+s3], $0x1400, $0x38;
	[tilespmem:$0x1E800] =	vst v63  }
0x5c: {  	_ =	swait.ge [sflag:s14], $0x1400  }
0x5d: {  	[sflag:s14] =	ssyncset.done $0x0  }
0x5e: {  	[sflag:s14] =	ssyncadd.s32 $0xFFFFEC00  }
0x5f: {  	[tilespmem:s17], [sflag:$0x1] =	stream.indirect.gather [hbm4b:s4+s16], $0x80, s3, s16, $0xb8;
	[tilespmem:$0x1E800] =	vst v63  }
0x60: {  	_ =	swait.ge [sflag:s18], $0x3E80  }
0x61: {  	[sflag:s18] =	ssyncset.done $0x0  }
0x62: {  	[sflag:s18] =	ssyncadd.s32 $0xFFFFC180  }
0x63: {  	[tilespmem:s20], [sflag:$0x2] =	stream.indirect.gather [hbm4b:s4+s16], $0x80, s19, s16, $0xb8;
	[tilespmem:$0x1E800] =	vst v63  }
0x64: {  	_ = 	snop  }
0x65: {  	[spmem:s2] =	stream.indirect.scatter.add.f32 [tilespmem:s17], [sflag:$0x3], $0x80, s15, s16, $0xb8;
	[tilespmem:$0x1E800] =	vst v63  }
0x66: {  	_ =	swait.ge [sflag:s21], $0x3E80  }
0x67: {  	[sflag:s21] =	ssyncset.done $0x0  }
0x68: {  	[sflag:s21] =	ssyncadd.s32 $0xFFFFC180  }
0x69: {  	_ =	swait.ge [sflag:s22], $0x3E80  }
0x6a: {  	[sflag:s22] =	ssyncset.done $0x0  }
0x6b: {  	s26 =	simm.s32 $0x100;
	[sflag:s22] =	ssyncadd.s32 $0xFFFFC180  }
0x6c: {  	[tilespmem:s17], [sflag:$0x1] =	stream.indirect.gather [hbm4b:s4+s16], $0x80, s26, s16, $0xb8;
	[tilespmem:$0x1E800] =	vst v63  }
0x6d: {  	s30 =	simm.s32 $0x1480  }
0x6e: {  	[spmem:s2] =	stream.indirect.scatter.add.f32 [tilespmem:s20], [sflag:$0x4], $0x80, s30, s16, $0xb8;
	[tilespmem:$0x1E800] =	vst v63  }
0x6f: {  	_ =	swait.ge [sflag:s18], $0x3E80  }
0x70: {  	[sflag:s18] =	ssyncset.done $0x0  }
0x71: {  	[sflag:s18] =	ssyncadd.s32 $0xFFFFC180  }
0x72: {  	_ =	swait.ge [sflag:s23], $0x3E80  }
0x73: {  	s31 =	simm.s32 $0x180;
	[sflag:s23] =	ssyncset.done $0x0  }
0x74: {  	s28 =	simm.s32 $0x1500;
	s26 =	simm.s32 $0xFFFFB800;
	[sflag:s23] =	ssyncadd.s32 $0xFFFFC180  }
0x75: {  	[tilespmem:s20], [sflag:$0x2] =	stream.indirect.gather [hbm4b:s4+s16], $0x80, s31, s16, $0xb8;
	[tilespmem:$0x1E800] =	vst v63  }
.LBB2_4:
0x76: {  	[spmem:s2] =	stream.indirect.scatter.add.f32 [tilespmem:s17], [sflag:$0x3], $0x80, s28, s16, $0xb8;
	[tilespmem:$0x1E800] =	vst v63  }
0x77: {  	s28 =	smov.u32 s26  }
0x78: {  	p0 =	sne.s32 s26, $0xFFFFFC00;
	s26 =	sadd.s32 $0x400, s26;
	_ =	swait.ge [sflag:s21], $0x3E80  }
0x79: {  	[sflag:s21] =	ssyncset.done $0x0  }
0x7a: {  	[sflag:s21] =	ssyncadd.s32 $0xFFFFC180  }
0x7b: {  	_ =	swait.ge [sflag:s22], $0x3E80  }
0x7c: {  	s28 =	sshra.s32 s28, $0x2;
	[sflag:s22] =	ssyncset.done $0x0  }
0x7d: {  	s29 =	sadd.s32 $0x1400, s28;
	[sflag:s22] =	ssyncadd.s32 $0xFFFFC180  }
0x7e: {  	[tilespmem:s17], [sflag:$0x1] =	stream.indirect.gather [hbm4b:s4+s16], $0x80, s29, s16, $0xb8;
	[tilespmem:$0x1E800] =	vst v63  }
0x7f: {  	s29 =	sadd.s32 $0x2780, s28  }
0x80: {  	[spmem:s2] =	stream.indirect.scatter.add.f32 [tilespmem:s20], [sflag:$0x4], $0x80, s29, s16, $0xb8;
	[tilespmem:$0x1E800] =	vst v63  }
0x81: {  	_ =	swait.ge [sflag:s18], $0x3E80  }
0x82: {  	[sflag:s18] =	ssyncset.done $0x0  }
0x83: {  	[sflag:s18] =	ssyncadd.s32 $0xFFFFC180  }
.Ltmp1:
0x84: {  	_ =	swait.ge [sflag:s23], $0x3E80;
	(pc) =	sbr.rel @p0 .LBB2_4-.Ltmp1, $4  }
0x85: {  	[sflag:s23] =	ssyncset.done $0x0  }
0x86: {  	s29 =	sadd.s32 $0x1480, s28;
	[sflag:s23] =	ssyncadd.s32 $0xFFFFC180  }
0x87: {  	[tilespmem:s20], [sflag:$0x2] =	stream.indirect.gather [hbm4b:s4+s16], $0x80, s29, s16, $0xb8;
	[tilespmem:$0x1E800] =	vst v63  }
0x88: {  	s28 =	sadd.s32 $0x2800, s28  }
0x89: {  	[spmem:s2] =	stream.indirect.scatter.add.f32 [tilespmem:s17], [sflag:$0x3], $0x80, s28, s16, $0xb8;
	[tilespmem:$0x1E800] =	vst v63  }
0x8a: {  	_ =	swait.ge [sflag:s21], $0x3E80  }
0x8b: {  	[sflag:s21] =	ssyncset.done $0x0  }
0x8c: {  	[sflag:s21] =	ssyncadd.s32 $0xFFFFC180  }
0x8d: {  	_ =	swait.ge [sflag:s22], $0x3E80  }
0x8e: {  	[sflag:s22] =	ssyncset.done $0x0  }
0x8f: {  	[sflag:s22] =	ssyncadd.s32 $0xFFFFC180  }
0x90: {  	[spmem:s2] =	stream.indirect.scatter.add.f32 [tilespmem:s20], [sflag:$0x5], $0x80, s24, s16, $0xb8;
	[tilespmem:$0x1E800] =	vst v63  }
0x91: {  	_ =	swait.ge [sflag:s14], $0x3E80  }
0x92: {  	s25 =	sadd.s32 $0x1, s25;
	[sflag:s14] =	ssyncset.done $0x0  }
0x93: {  	p0 =	sne.s32 s25, s10;
	[sflag:s14] =	ssyncadd.s32 $0xFFFFC180  }
.Ltmp2:
0x94: {  	[bflag:$0x0] =	sbarrier.arrive $0xFFFF;
	(pc) =	sbr.rel @p0 .LBB2_1-.Ltmp2, $4  }
0x95: {  	[hbm:s9], [sflag:s12] =	dma.local [spmem:s13], $0x2800  }
0x96: {  	_ =	swait.ge [sflag:s14], $0x2800  }
0x97: {  	[sflag:s14] =	ssyncset.done $0x0  }
0x98: {  	[sflag:s14] =	ssyncadd.s32 $0xFFFFD800  }
0x99: {  	_ =	sfence.sel $0x180000  }
0x9a: {  	[bflag:$0x0] =	sbarrier.arrive $0xFFFF  }
0x9b: {  	p0 =	sne.s32 s1, $0x0;
	_ =	strace $0x9000004D  }
0x9c: {  	s0 =	sadd.s32 @!p0 $0x100000, s0;
	[bflag:$0x2] =	sbarrier.arrive $0xFFFF  }
0x9d: {  	[sflag:s0] =	ssyncadd.tile.s32 @!p0 $0x1;
	_ =	shalt  }
.Lfunc_end2:
_tile_overlayer_lowered:
.L_overlay_start_2:
0x9e: {  	(tag) =	ssettag $0x2  }
0x9f: {  	s0 =	rddreg [dreg:$0x0];
	s2 =	stileid.u32  }
0xa0: {  	s1 =	rddreg [dreg:$0x1];
	p0 =	sne.s32 s2, $0x0  }
0xa1: {  	s3 =	rddreg [dreg:$0x2];
	[bflag:$0x3] =	sbarrier.arrive $0xFFFF;
	s2 =	simm.s32 @!p0 $0x1C05  }
0xa2: {  	[timem:s3], [sflag:s2] =	dma.local @!p0 [hbm:s0], s1  }
0xa3: {  	s0 =	simm.s32 @!p0 $0x5  }
0xa4: {  	_ =	swait.ge @!p0 [sflag:s0], s1  }
0xa5: {  	s1 =	ssub.s32 @!p0 $0x0, s1;
	[sflag:s0] =	ssyncset.done @!p0 $0x0  }
0xa6: {  	[sflag:s0] =	ssyncadd.s32 @!p0 s1  }
0xa7: {  	[bflag:$0x3] =	sbarrier.arrive $0xFFFF  }
0xa8: {  	_ =	shalt  }

// kernel: kernel.8.cloned.1.call-start
scs
__scs_entry_jumppad:
0x0: {  	(pc) =	sbr.rel $0x88, $3  }
0x1: {  	(tag) =	ssettag $0x0;
	lr =	simm.s32 $0x1  }
0x2: {  	[smem:$0x3F9B] =	sst lr;
	_ =	strace $0xD0000000  }
0x3: {  	_ = 	snop  }
0x4: {  	_ = 	snop  }
0x5: {  	_ = 	snop  }
0x6: {  	_ = 	snop  }
0x7: {  	_ = 	snop  }
__scs_overlays_trampoline_lowered:
0x8: {  	[smem:$0x3FAA] =	sst s0  }
0x9: {  	[smem:$0x3FAB] =	sst s1  }
0xa: {  	[smem:$0x3FAC] =	sst s2  }
0xb: {  	[smem:$0x3FAD] =	sst s3  }
0xc: {  	[smem:$0x3FAE] =	sst s4  }
0xd: {  	[smem:$0x3FAF] =	sst s5  }
0xe: {  	[smem:$0x3FB0] =	sst s6  }
0xf: {  	[smem:$0x3FB1] =	sst s7  }
0x10: {  	[smem:$0x3FB2] =	sst s8  }
0x11: {  	[smem:$0x3FB3] =	sst s9;
	s0 =	simm.s32 @!p0 $0x0  }
0x12: {  	s1 =	sld [smem:$0x3F99];
	s0 =	simm.s32 @p0 $0x1  }
0x13: {  	[smem:$0x3FB4] =	sst s0;
	s0 =	simm.s32 @!p1 $0x0  }
0x14: {  	s2 =	sld [smem:$0x3F98];
	s0 =	simm.s32 @p1 $0x1  }
0x15: {  	[smem:$0x3FB5] =	sst s0;
	s0 =	simm.s32 @!p2 $0x0  }
0x16: {  	s3 =	sld [smem:$0x3FDB];
	s0 =	simm.s32 @p2 $0x1  }
0x17: {  	s4 =	simm.s32 $0x1BF5;
	[smem:$0x3FB7] =	sst s0  }
0x18: {  	s0 =	sld [smem:$0x3F9A];
	_ =	swait.ge [sflag:s4], $0x0  }
0x19: {  	s7 =	sld [smem:$0x3F9B]  }
0x1a: {  	s8 =	sadd.s32 $0xFFFFE003, lr  }
0x1b: {  	s9 =	sadd.s32 $0xFFFFFEF7, lr;
	s5 =	simm.s32 $0xFFFFFFFF;
	p2 =	slt.u32 s8, $0xFFFFF086  }
0x1c: {  	p1 =	slt.u32 s9, $0xF7A;
	s5 =	simm.s32 @!p2 $0x0  }
0x1d: {  	s5 =	simm.s32 @p1 $0x1;
	p0 =	seq.s32 s7, s2  }
0x1e: {  	s7 =	smul.u32 @!p0 $0xF7A, s2;
	p2 =	seq.s32 @!p0 s5, $0x0  }
0x1f: {  	s9 =	smul.u32 $0xF7A, s1;
	s8 =	simm.s32 @!p0 $0x1BF5;
	p2 =	por !p2, p0  }
0x20: {  	[sflag:s8] =	ssyncset.s32 @!p0 $0xFFFFF086;
	s6 =	sadd.s32 @!p0 s3, s7;
	s7 =	simm.s32 @!p0 $0x108  }
0x21: {  	s3 =	sadd.s32 s3, s9;
	s6 =	sadd.s32 @!p0 $0x88, s6;
	s7 =	simm.s32 @p2 $0x1082  }
0x22: {  	[simem:s7], [sflag:s8] =	dma.local @!p0 [hbm:s6], $0xF7A  }
0x23: {  	s9 =	sor.u32 $0xD0000000, s2;
	s6 =	simm.s32 $0x108;
	_ =	swait.ge @!p0 [sflag:s8], $0x0  }
0x24: {  	s3 =	sadd.s32 $0x88, s3;
	s6 =	simm.s32 @!p1 $0x1082;
	[sflag:s4] =	ssyncset.s32 $0xFFFFF086  }
0x25: {  	[simem:s6], [sflag:s4] =	dma.local [hbm:s3], $0xF7A  }
0x26: {  	[smem:$0x3F9B] =	sst s1;
	(tag) =	ssettag s2;
	_ =	strace s9  }
0x27: {  	s1 =	sld [smem:$0x3FAB]  }
0x28: {  	s2 =	sld [smem:$0x3FAC]  }
0x29: {  	s4 =	sld [smem:$0x3FAE]  }
0x2a: {  	p0 =	seq.s32 s5, $0x0;
	s5 =	sld [smem:$0x3FAF]  }
0x2b: {  	s6 =	sld [smem:$0x3FB0]  }
0x2c: {  	s7 =	sld [smem:$0x3FB1]  }
0x2d: {  	s3 =	simm.s32 $0x108;
	s8 =	sld [smem:$0x3FB2]  }
0x2e: {  	s3 =	simm.s32 @!p0 $0x1082;
	s9 =	sld [smem:$0x3FB3]  }
0x2f: {  	lr =	sadd.s32 s0, s3;
	s0 =	sld [smem:$0x3FAA]  }
0x30: {  	s3 =	sld [smem:$0x3FAD]  }
0x31: {  	[smem:$0x3FB6] =	sst s10  }
0x32: {  	s10 =	sld [smem:$0x3FB4];
	_ =	sdelay $0x3  }
0x33: {  	p0 =	seq.s32 s10, $0x1;
	s10 =	sld [smem:$0x3FB6];
	_ =	sdelay $0x3  }
0x34: {  	[smem:$0x3FB6] =	sst s10  }
0x35: {  	s10 =	sld [smem:$0x3FB5];
	_ =	sdelay $0x3  }
0x36: {  	p1 =	seq.s32 s10, $0x1;
	s10 =	sld [smem:$0x3FB6];
	_ =	sdelay $0x3  }
0x37: {  	[smem:$0x3FB6] =	sst s10  }
0x38: {  	s10 =	sld [smem:$0x3FB7]  }
0x39: {  	_ = 	snop;
	(pc) =	sbr.ind lr, $3  }
0x3a: {  	_ = 	snop  }
0x3b: {  	_ = 	snop  }
0x3c: {  	p2 =	seq.s32 s10, $0x1;
	s10 =	sld [smem:$0x3FB6]  }
0x3d: {  	_ =	shalt  }
0x3e: {  	_ =	shalt  }
0x3f: {  	_ =	shalt  }
0x40: {  	_ =	shalt  }
0x41: {  	_ =	shalt  }
0x42: {  	_ =	shalt  }
0x43: {  	_ =	shalt  }
0x44: {  	_ =	shalt  }
0x45: {  	_ =	shalt  }
0x46: {  	_ =	shalt  }
0x47: {  	_ =	shalt  }
0x48: {  	_ =	shalt  }
0x49: {  	_ =	shalt  }
0x4a: {  	_ =	shalt  }
0x4b: {  	_ =	shalt  }
0x4c: {  	_ =	shalt  }
0x4d: {  	_ =	shalt  }
0x4e: {  	_ =	shalt  }
0x4f: {  	_ =	shalt  }
0x50: {  	_ =	shalt  }
0x51: {  	_ =	shalt  }
0x52: {  	_ =	shalt  }
0x53: {  	_ =	shalt  }
0x54: {  	_ =	shalt  }
0x55: {  	_ =	shalt  }
0x56: {  	_ =	shalt  }
0x57: {  	_ =	shalt  }
0x58: {  	_ =	shalt  }
0x59: {  	_ =	shalt  }
0x5a: {  	_ =	shalt  }
0x5b: {  	_ =	shalt  }
0x5c: {  	_ =	shalt  }
0x5d: {  	_ =	shalt  }
0x5e: {  	_ =	shalt  }
0x5f: {  	_ =	shalt  }
0x60: {  	_ =	shalt  }
0x61: {  	_ =	shalt  }
0x62: {  	_ =	shalt  }
0x63: {  	_ =	shalt  }
0x64: {  	_ =	shalt  }
0x65: {  	_ =	shalt  }
0x66: {  	_ =	shalt  }
0x67: {  	_ =	shalt  }
0x68: {  	_ =	shalt  }
0x69: {  	_ =	shalt  }
0x6a: {  	_ =	shalt  }
0x6b: {  	_ =	shalt  }
0x6c: {  	_ =	shalt  }
0x6d: {  	_ =	shalt  }
0x6e: {  	_ =	shalt  }
0x6f: {  	_ =	shalt  }
0x70: {  	_ =	shalt  }
0x71: {  	_ =	shalt  }
0x72: {  	_ =	shalt  }
0x73: {  	_ =	shalt  }
0x74: {  	_ =	shalt  }
0x75: {  	_ =	shalt  }
0x76: {  	_ =	shalt  }
0x77: {  	_ =	shalt  }
0x78: {  	_ =	shalt  }
0x79: {  	_ =	shalt  }
0x7a: {  	_ =	shalt  }
0x7b: {  	_ =	shalt  }
0x7c: {  	_ =	shalt  }
0x7d: {  	_ =	shalt  }
0x7e: {  	_ =	shalt  }
0x7f: {  	_ =	shalt  }
0x80: {  	_ =	shalt  }
0x81: {  	_ =	shalt  }
0x82: {  	_ =	shalt  }
0x83: {  	_ =	shalt  }
0x84: {  	_ =	shalt  }
0x85: {  	_ =	shalt  }
0x86: {  	_ =	shalt  }
0x87: {  	_ =	shalt  }
.Lfunc_end0:
.L_simem_size_0:
called_computation_lowered:
.L_overlay_start_0:
0x88: {  	s2 =	sld [smem:$0x3FD9]  }
0x89: {  	s3 =	sld [smem:$0x3FFE];
	_ =	sdelay $0x1  }
0x8a: {  	s1 =	srdreg.scid  }
0x8b: {  	s0 =	sand.u32 $0x1, s1  }
0x8c: {  	s16 =	sshll.u32 s0, $0xA;
	s2 =	sadd.s32 s3, s2  }
0x8d: {  	s2 =	sadd.s32 s2, s16  }
0x8e: {  	[smem:$0x3FC2] =	sst s2  }
0x8f: {  	_ = 	snop  }
0x90: {  	(tm) =	ssettm $0x1  }
0x91: {  	s17 =	sld [smem:$0x3FFB];
	_ =	sdelay $0x3  }
0x92: {  	_ =	strace s17  }
0x93: {  	s2 =	sld [smem:$0x3FFC];
	_ =	sdelay $0x3  }
0x94: {  	_ =	strace s2  }
0x95: {  	s2 =	sld [smem:$0x3FFD];
	_ =	sdelay $0x3  }
0x96: {  	_ =	strace s2  }
0x97: {  	_ =	strace $0x8FFFFFFF  }
0x98: {  	s18 =	sld [smem:$0x3FDB];
	_ =	sdelay $0x1  }
0x99: {  	s19 =	simm.s32 $_scs_section_size  }
0x9a: {  	s4 =	simm.s32 $_size__tile_overlayer_lowered;
	s5 =	simm.s32 $_tile_overlayer_lowered  }
0x9b: {  	s22 =	simm.s32 $0x1BFF;
	s21 =	sshll.u32 s5, $0x1;
	s2 =	sadd.s32 s19, s18  }
0x9c: {  	s6 =	simm.s32 $0x0;
	s20 =	sshll.u32 s4, $0x1;
	s4 =	sadd.s32 s21, s2  }
0x9d: {  	[timem:s6], [sflag:s22] =	dma.local [hbm:s4], s20  }
0x9e: {  	_ =	swait.ge [sflag:s22], s20  }
0x9f: {  	s3 =	ssub.s32 $0x0, s20;
	[sflag:s22] =	ssyncset.done $0x0  }
0xa0: {  	[sflag:s22] =	ssyncadd.s32 s3;
	_ =	sdelay $0x1  }
0xa1: {  	s23 =	simm.s32 $0x1B8B  }
0xa2: {  	_ =	swait.ge [sflag:s23], $0x1  }
0xa3: {  	[sflag:s23] =	ssyncset.done $0x0  }
0xa4: {  	s25 =	simm.s32 $0x1B8E;
	s24 =	sld [smem:$0x3FFE];
	[sflag:s23] =	ssyncadd.s32 $0xFFFFFFFF  }
0xa5: {  	s26 =	simm.s32 $execute0_lowered;
	[smem:$0x3FD2] =	sst s25  }
0xa6: {  	s4 =	sshll.u32 s26, $0x1;
	_ =	strace $0x80000046;
	[dreg:$0x1] =	wrdreg $0xFFFFFFFF  }
0xa7: {  	s28 =	simm.s32 $_size_execute0_lowered;
	s2 =	sadd.s32 s2, s4;
	[dreg:$0x0] =	wrdreg $0x0  }
0xa8: {  	s4 =	sshll.u32 s28, $0x1;
	[dreg:$0x2] =	wrdreg s2  }
0xa9: {  	[dreg:$0x3] =	wrdreg s4  }
0xaa: {  	[dreg:$0x4] =	wrdreg $0xC0  }
0xab: {  	_ =	task [dreg:s6], $0x5FFFF  }
0xac: {  	[dreg:$0x1] =	wrdreg $0xFFFFFFFF  }
0xad: {  	[dreg:$0x0] =	wrdreg $0x60  }
0xae: {  	[dreg:$0x2] =	wrdreg s24  }
0xaf: {  	[dreg:$0x3] =	wrdreg $0x1BA000  }
0xb0: {  	[dreg:$0x4] =	wrdreg $0x9  }
0xb1: {  	_ =	task.clear_ibuf [dreg:s6], $0x5FFFF;
	_ =	strace $0x90000046  }
0xb2: {  	s29 =	simm.s32 $0x9;
	_ =	strace $0x80000048  }
0xb3: {  	_ =	swait.ge [sflag:s29], $0x1  }
0xb4: {  	[sflag:s29] =	ssyncadd.s32 $0xFFFFFFFF  }
0xb5: {  	_ =	strace $0x90000048  }
0xb6: {  	_ =	sfence  }
0xb7: {  	s30 =	sld [smem:$0x0];
	_ =	sdelay $0x2  }
0xb8: {  	s31 =	sshll.u32 s1, $0xD;
	s1 =	sshrl.u32 s1, $0x2  }
0xb9: {  	s3 =	sand.u32 $0x4000, s31;
	s1 =	sadd.s32 s1, s30  }
0xba: {  	s0 =	sor.u32 s3, s0;
	s1 =	sshll.u32 s1, $0x11  }
0xbb: {  	s0 =	sor.u32 s1, s0  }
0xbc: {  	s0 =	sadd.s32 $0x8F2B, s0  }
0xbd: {  	[sflag:s0] =	ssyncadd.remote.s32 $0x1  }
0xbe: {  	_ =	sfence.sel $0xFFFF  }
0xbf: {  	[dreg:$0x0] =	wrdreg $0xFFFFFFFF;
	(pc) =	sbr.abs _section_cstart, $3  }
0xc0: {  	[dreg:$0x1] =	wrdreg $0xFFFFFFFF  }
0xc1: {  	_ =	task.clear_ibuf [dreg:s6], $0x2FFFF;
	_ =	strace $0x9FFFFFFF  }
0xc2: {  	(tm) =	ssettm $0x7FFFFFFF  }
0xc3: {  	_ =	shalt  }
tec
execute0_lowered:
.L_overlay_start_1:
0x0: {  	(tag) =	ssettag $0x1  }
0x1: {  	s0 =	srdreg.scid;
	s4 =	rddreg [dreg:$0x0]  }
0x2: {  	s8 =	stileid.u32;
	s6 =	rddreg [dreg:$0x1]  }
0x3: {  	s2 =	simm.s32 $0x0;
	s24 =	simm.s32 $0x1;
	s25 =	simm.s32 $0x2780  }
0x4: {  	s30 =	simm.s32 $0x0;
	s0 =	sand.u32 $0x1, s0;
	s5 =	smul.u32 $0x280, s8  }
0x5: {  	s1 =	sshll.u32 s8, $0x1;
	[smem:$0x7FF] =	sst s2;
	s8 =	smul.u32 $0xA000, s8  }
0x6: {  	s1 =	sor.u32 s0, s1;
	s3 =	smul.u32 $0x2800, s0;
	s0 =	ssub.s32 $0x2, s0  }
0x7: {  	_ =	strace $0x80000047;
	s1 =	smul.u32 $0x4E2, s1;
	s29 =	sshrl.u32 s0, $0x1  }
0x8: {  	s31 =	sshrl.u32 s8, $0x2;
	s3 =	sadd.s32 s5, s3;
	s0 =	ssub.s32 s0, s29  }
0x9: {  	s1 =	sadd.s32 s1, s4;
	s7 =	sshrl.u32 s3, $0x3;
	s3 =	sadd.s32 $0xBE00, s4  }
0xa: {  	s23 =	smax.u32 s0, $0x1;
	s22 =	sadd.s32 s7, s4;
	s4 =	sadd.s32 s5, s6  }
0xb: {  	s5 =	sadd.s32 $0x2000, s1;
	s6 =	sadd.s32 s31, s6;
	s7 =	sadd.s32 $0x2800, s4  }
0xc: {  	s8 =	sadd.s32 $0x5000, s4;
	s9 =	sadd.s32 $0x7800, s4;
	s10 =	sadd.s32 $0xA000, s4  }
0xd: {  	s11 =	sadd.s32 $0xC800, s4;
	s12 =	sadd.s32 $0xF000, s4;
	s13 =	sadd.s32 $0x11800, s4  }
0xe: {  	v0 =	vlaneseq.u32;
	s14 =	sadd.s32 $0x14000, s4;
	s15 =	sadd.s32 $0x16800, s4;
	s16 =	sadd.s32 $0x19000, s4  }
0xf: {  	v0 =	vand.u32 $0x7, v0;
	s17 =	sadd.s32 $0x1B800, s4;
	s18 =	sadd.s32 $0x1E000, s4;
	s19 =	sadd.s32 $0x20800, s4  }
0x10: {  	v1 =	vimm.f32 $1.000000000e+00;
	vm0 =	vcmask $0x3F20;
	v0 =	vmul.u32 $0x2800, v0;
	s20 =	sadd.s32 $0x23000, s4;
	s21 =	sadd.s32 $0x25800, s4;
	s22 =	sadd.s32 $0xE600, s22  }
.LBB2_1:
0x11: {  	[tilespmem:s2], [sflag:$0x1] =	stream.linear.gather [hbm4b:s5+s2], $0x2710, $0x38;
	[tilespmem:$0x1E200] =	vst v63  }
0x12: {  	_ =	swait.ge [sflag:s24], $0x2710  }
0x13: {  	[sflag:s24] =	ssyncset.done $0x0  }
0x14: {  	[sflag:s24] =	ssyncadd.s32 $0xFFFFD8F0  }
0x15: {  	[tilespmem:s25], [sflag:$0x1] =	stream.linear.gather [hbm4b:s3+s2], $0x14000, $0x38;
	[tilespmem:$0x1E200] =	vst v63  }
0x16: {  	_ =	swait.ge [sflag:s24], $0x14000  }
0x17: {  	[sflag:s24] =	ssyncset.done $0x0  }
0x18: {  	s0 =	simm.s32 $0x0;
	[sflag:s24] =	ssyncadd.s32 $0xFFFEC000  }
.LBB2_2:
0x19: {  	s1 =	sshra.s32 s0, $0x2  }
0x1a: {  	v2 =	vld [tilespmem:s1+$0x0];
	_ =	sdelay $0x4  }
0x1b: {  	v2 =	vadd.s32 v0, v2;
	_ =	sdelay $0x4  }
0x1c: {  	[tilespmem:v2+s25+$0x0] =	vst.idx.add.f32.msk $0xff, v1  }
0x1d: {  	[tilespmem:v2+s25+$0x0] =	vst.idx.add.f32.msk vm0, v1  }
0x1e: {  	v2 =	vld [tilespmem:s1+$0x10];
	_ =	sdelay $0x4  }
0x1f: {  	v2 =	vadd.s32 v0, v2;
	_ =	sdelay $0x4  }
0x20: {  	[tilespmem:v2+s25+$0x0] =	vst.idx.add.f32.msk $0xff, v1  }
0x21: {  	[tilespmem:v2+s25+$0x0] =	vst.idx.add.f32.msk vm0, v1  }
0x22: {  	v2 =	vld [tilespmem:s1+$0x20];
	_ =	sdelay $0x4  }
0x23: {  	v2 =	vadd.s32 v0, v2;
	_ =	sdelay $0x4  }
0x24: {  	[tilespmem:v2+s25+$0x0] =	vst.idx.add.f32.msk $0xff, v1  }
0x25: {  	[tilespmem:v2+s25+$0x0] =	vst.idx.add.f32.msk vm0, v1  }
0x26: {  	v2 =	vld [tilespmem:s1+$0x30];
	_ =	sdelay $0x4  }
0x27: {  	v2 =	vadd.s32 v0, v2;
	_ =	sdelay $0x4  }
0x28: {  	[tilespmem:v2+s25+$0x0] =	vst.idx.add.f32.msk $0xff, v1  }
0x29: {  	[tilespmem:v2+s25+$0x0] =	vst.idx.add.f32.msk vm0, v1  }
0x2a: {  	v2 =	vld [tilespmem:s1+$0x40];
	_ =	sdelay $0x4  }
0x2b: {  	v2 =	vadd.s32 v0, v2  }
0x2c: {  	p0 =	sne.s32 s0, $0x9B00  }
.Ltmp0:
0x2d: {  	_ = 	snop;
	(pc) =	sbr.rel @p0 .LBB2_2-.Ltmp0, $3  }
0x2e: {  	_ =	sdelay $0x1  }
0x2f: {  	[tilespmem:v2+s25+$0x0] =	vst.idx.add.f32.msk $0xff, v1  }
0x30: {  	s0 =	sadd.s32 $0x140, s0;
	[tilespmem:v2+s25+$0x0] =	vst.idx.add.f32.msk vm0, v1  }
0x31: {  	s31 =	simm.s32 $0x0  }
0x32: {  	v2 =	vld [tilespmem:s31+$0x2790]  }
0x33: {  	s0 =	simm.s32 $0x0;
	v3 =	vld [tilespmem:s31+$0x2780]  }
0x34: {  	v4 =	vld [tilespmem:s31+$0x4F90];
	s0 =	sand.u32 $0x3FE0, s0  }
0x35: {  	v6 =	vld [tilespmem:s0+$0x4F80]  }
0x36: {  	v5 =	vld [tilespmem:s31+$0x7790]  }
0x37: {  	v8 =	vld [tilespmem:s0+$0x7780];
	v2 =	vadd.f32 $0.0e+00, v2  }
0x38: {  	v7 =	vld [tilespmem:s31+$0x9F90];
	v3 =	vadd.f32 $0.0e+00, v3  }
0x39: {  	v2 =	vadd.f32 v4, v2;
	v4 =	vld [tilespmem:s0+$0x9F80]  }
0x3a: {  	v9 =	vld [tilespmem:s31+$0xC790];
	v3 =	vadd.f32 v6, v3  }
0x3b: {  	v2 =	vadd.f32 v5, v2;
	v5 =	vld [tilespmem:s0+$0xC780]  }
0x3c: {  	v6 =	vld [tilespmem:s31+$0xEF90];
	v3 =	vadd.f32 v8, v3  }
0x3d: {  	v2 =	vadd.f32 v7, v2;
	v7 =	vld [tilespmem:s0+$0xEF80]  }
0x3e: {  	v3 =	vadd.f32 v4, v3  }
0x3f: {  	v62 =	vld [tilespmem:s31+$0x11790]  }
0x40: {  	v63 =	vld [tilespmem:s0+$0x11780];
	v2 =	vadd.f32 v9, v2;
	v3 =	vadd.f32 v5, v3  }
0x41: {  	v4 =	vld [tilespmem:s31+$0x13F90]  }
0x42: {  	v2 =	vadd.f32 v6, v2;
	v5 =	vadd.f32 v7, v3;
	v3 =	vld [tilespmem:s0+$0x13F80];
	_ =	sdelay $0x1  }
0x43: {  	v6 =	vadd.f32 v62, v2  }
0x44: {  	s26 =	simm.s32 $0x20;
	v5 =	vadd.f32 v63, v5  }
0x45: {  	s1 =	simm.s32 $0x100;
	s0 =	simm.s32 $0x20;
	v2 =	vld [tilespmem:s26+$0x2780];
	v4 =	vadd.f32 v4, v6  }
.LBB2_4:
0x46: {  	p0 =	sne.s32 s1, $0x9F80;
	v6 =	vld [tilespmem:s26+$0x2790];
	v3 =	vadd.f32 v3, v5;
	s28 =	smov.u32 s1;
	s1 =	sadd.s32 $0x80, s1  }
0x47: {  	v5 =	vld [tilespmem:s26+$0x4F90];
	[tilespmem:s31+$0x16790] =	vst v4  }
0x48: {  	s29 =	sand.u32 $0x3FE0, s0;
	v4 =	vld [tilespmem:s26+$0x7790];
	[tilespmem:s31+$0x16780] =	vst v3;
	s31 =	smov.u32 s26  }
0x49: {  	v3 =	vld [tilespmem:s29+$0x4F80]  }
0x4a: {  	v2 =	vadd.f32 $0.0e+00, v2;
	v7 =	vld [tilespmem:s31+$0x9F90]  }
0x4b: {  	v8 =	vld [tilespmem:s29+$0x7780];
	v6 =	vadd.f32 $0.0e+00, v6  }
0x4c: {  	v9 =	vld [tilespmem:s31+$0xC790]  }
0x4d: {  	v10 =	vld [tilespmem:s29+$0x9F80];
	v5 =	vadd.f32 v5, v6  }
0x4e: {  	v2 =	vadd.f32 v3, v2;
	v6 =	vld [tilespmem:s31+$0xEF90]  }
0x4f: {  	v3 =	vld [tilespmem:s29+$0xC780];
	v4 =	vadd.f32 v4, v5  }
0x50: {  	v2 =	vadd.f32 v8, v2;
	v5 =	vld [tilespmem:s31+$0x11790]  }
0x51: {  	v8 =	vld [tilespmem:s29+$0xEF80];
	v4 =	vadd.f32 v7, v4  }
0x52: {  	v2 =	vadd.f32 v10, v2;
	v7 =	vld [tilespmem:s31+$0x13F90]  }
0x53: {  	v10 =	vld [tilespmem:s29+$0x11780];
	v4 =	vadd.f32 v9, v4  }
0x54: {  	v2 =	vadd.f32 v3, v2  }
.Ltmp1:
0x55: {  	v3 =	vld [tilespmem:s29+$0x13F80];
	v4 =	vadd.f32 v6, v4;
	(pc) =	sbr.rel @p0 .LBB2_4-.Ltmp1, $4  }
0x56: {  	v2 =	vadd.f32 v8, v2  }
0x57: {  	v4 =	vadd.f32 v5, v4  }
0x58: {  	s26 =	sshra.s32 s28, $0x2;
	v5 =	vadd.f32 v10, v2  }
0x59: {  	s0 =	sadd.s32 $0x20, s0;
	v2 =	vld [tilespmem:s26+$0x2780];
	v4 =	vadd.f32 v7, v4  }
0x5a: {  	v6 =	vld [tilespmem:s26+$0x2790];
	v3 =	vadd.f32 v3, v5  }
0x5b: {  	v7 =	vld [tilespmem:s26+$0x4F90];
	[tilespmem:s31+$0x16790] =	vst v4  }
0x5c: {  	s0 =	sand.u32 $0x3FE0, s0;
	v4 =	vld [tilespmem:s26+$0x7790];
	[tilespmem:s31+$0x16780] =	vst v3  }
0x5d: {  	v3 =	vld [tilespmem:s0+$0x4F80];
	_ =	sdelay $0x1  }
0x5e: {  	v47 =	vld [tilespmem:s0+$0x7780];
	v6 =	vadd.f32 $0.0e+00, v6  }
0x5f: {  	v8 =	vld [tilespmem:s26+$0x9F90];
	v2 =	vadd.f32 $0.0e+00, v2  }
0x60: {  	v9 =	vld [tilespmem:s0+$0x9F80];
	v6 =	vadd.f32 v7, v6  }
0x61: {  	v48 =	vld [tilespmem:s26+$0xC790];
	v2 =	vadd.f32 v3, v2  }
0x62: {  	v3 =	vld [tilespmem:s0+$0xC780];
	v4 =	vadd.f32 v4, v6  }
0x63: {  	v49 =	vld [tilespmem:s26+$0xEF90];
	v2 =	vadd.f32 v47, v2  }
0x64: {  	v50 =	vld [tilespmem:s0+$0xEF80];
	v4 =	vadd.f32 v8, v4  }
0x65: {  	v51 =	vld [tilespmem:s26+$0x11790];
	v2 =	vadd.f32 v9, v2  }
0x66: {  	v52 =	vld [tilespmem:s0+$0x11780];
	v4 =	vadd.f32 v48, v4  }
0x67: {  	v53 =	vld [tilespmem:s26+$0x13F90];
	v2 =	vadd.f32 v3, v2  }
0x68: {  	v3 =	vld [tilespmem:s0+$0x13F80];
	v4 =	vadd.f32 v49, v4  }
0x69: {  	v2 =	vadd.f32 v50, v2  }
0x6a: {  	v4 =	vadd.f32 v51, v4  }
0x6b: {  	v2 =	vadd.f32 v52, v2  }
0x6c: {  	v4 =	vadd.f32 v53, v4  }
0x6d: {  	v2 =	vadd.f32 v3, v2  }
0x6e: {  	[tilespmem:s26+$0x16790] =	vst v4  }
0x6f: {  	s28 =	simm.s32 $0x16780;
	[tilespmem:s26+$0x16780] =	vst v2  }
0x70: {  	[spmem:s6] =	stream.linear.scatter [tilespmem:s28], [sflag:$0x1], $0x2800, $0x38;
	[tilespmem:$0x1E200] =	vst v63  }
0x71: {  	_ =	swait.ge [sflag:s24], $0x2800  }
0x72: {  	[sflag:s24] =	ssyncset.done $0x0  }
0x73: {  	[sflag:s24] =	ssyncadd.s32 $0xFFFFD800  }
0x74: {  	s0 =	simm.s32 $0x18F80;
	[bflag:$0x0] =	sbarrier.arrive $0xFFFF  }
0x75: {  	[tilespmem:s0], [sflag:$0x1] =	stream.linear.gather [spmem:s4], $0x280, $0x38;
	[tilespmem:$0x1E200] =	vst v63  }
0x76: {  	_ =	swait.ge [sflag:s24], $0x280  }
0x77: {  	[sflag:s24] =	ssyncset.done $0x0  }
0x78: {  	s1 =	simm.s32 $0x19200;
	[sflag:s24] =	ssyncadd.s32 $0xFFFFFD80  }
0x79: {  	[tilespmem:s1], [sflag:$0x1] =	stream.linear.gather [spmem:s7], $0x280, $0x38;
	[tilespmem:$0x1E200] =	vst v63  }
0x7a: {  	_ =	swait.ge [sflag:s24], $0x280  }
0x7b: {  	[sflag:s24] =	ssyncset.done $0x0  }
0x7c: {  	s29 =	simm.s32 $0x19480;
	[sflag:s24] =	ssyncadd.s32 $0xFFFFFD80  }
0x7d: {  	[tilespmem:s29], [sflag:$0x1] =	stream.linear.gather [spmem:s8], $0x280, $0x38;
	[tilespmem:$0x1E200] =	vst v63  }
0x7e: {  	_ =	swait.ge [sflag:s24], $0x280  }
0x7f: {  	[sflag:s24] =	ssyncset.done $0x0  }
0x80: {  	s26 =	simm.s32 $0x19700;
	[sflag:s24] =	ssyncadd.s32 $0xFFFFFD80  }
0x81: {  	[tilespmem:s26], [sflag:$0x1] =	stream.linear.gather [spmem:s9], $0x280, $0x38;
	[tilespmem:$0x1E200] =	vst v63  }
0x82: {  	_ =	swait.ge [sflag:s24], $0x280  }
0x83: {  	[sflag:s24] =	ssyncset.done $0x0  }
0x84: {  	s28 =	simm.s32 $0x19980;
	[sflag:s24] =	ssyncadd.s32 $0xFFFFFD80  }
0x85: {  	[tilespmem:s28], [sflag:$0x1] =	stream.linear.gather [spmem:s10], $0x280, $0x38;
	[tilespmem:$0x1E200] =	vst v63  }
0x86: {  	_ =	swait.ge [sflag:s24], $0x280  }
0x87: {  	[sflag:s24] =	ssyncset.done $0x0  }
0x88: {  	s29 =	simm.s32 $0x19C00;
	[sflag:s24] =	ssyncadd.s32 $0xFFFFFD80  }
0x89: {  	[tilespmem:s29], [sflag:$0x1] =	stream.linear.gather [spmem:s11], $0x280, $0x38;
	[tilespmem:$0x1E200] =	vst v63  }
0x8a: {  	_ =	swait.ge [sflag:s24], $0x280  }
0x8b: {  	[sflag:s24] =	ssyncset.done $0x0  }
0x8c: {  	s26 =	simm.s32 $0x19E80;
	[sflag:s24] =	ssyncadd.s32 $0xFFFFFD80  }
0x8d: {  	[tilespmem:s26], [sflag:$0x1] =	stream.linear.gather [spmem:s12], $0x280, $0x38;
	[tilespmem:$0x1E200] =	vst v63  }
0x8e: {  	_ =	swait.ge [sflag:s24], $0x280  }
0x8f: {  	[sflag:s24] =	ssyncset.done $0x0  }
0x90: {  	s28 =	simm.s32 $0x1A100;
	[sflag:s24] =	ssyncadd.s32 $0xFFFFFD80  }
0x91: {  	[tilespmem:s28], [sflag:$0x1] =	stream.linear.gather [spmem:s13], $0x280, $0x38;
	[tilespmem:$0x1E200] =	vst v63  }
0x92: {  	_ =	swait.ge [sflag:s24], $0x280  }
0x93: {  	[sflag:s24] =	ssyncset.done $0x0  }
0x94: {  	s29 =	simm.s32 $0x1A380;
	[sflag:s24] =	ssyncadd.s32 $0xFFFFFD80  }
0x95: {  	[tilespmem:s29], [sflag:$0x1] =	stream.linear.gather [spmem:s14], $0x280, $0x38;
	[tilespmem:$0x1E200] =	vst v63  }
0x96: {  	_ =	swait.ge [sflag:s24], $0x280  }
0x97: {  	[sflag:s24] =	ssyncset.done $0x0  }
0x98: {  	s26 =	simm.s32 $0x1A600;
	[sflag:s24] =	ssyncadd.s32 $0xFFFFFD80  }
0x99: {  	[tilespmem:s26], [sflag:$0x1] =	stream.linear.gather [spmem:s15], $0x280, $0x38;
	[tilespmem:$0x1E200] =	vst v63  }
0x9a: {  	_ =	swait.ge [sflag:s24], $0x280  }
0x9b: {  	[sflag:s24] =	ssyncset.done $0x0  }
0x9c: {  	s28 =	simm.s32 $0x1A880;
	[sflag:s24] =	ssyncadd.s32 $0xFFFFFD80  }
0x9d: {  	[tilespmem:s28], [sflag:$0x1] =	stream.linear.gather [spmem:s16], $0x280, $0x38;
	[tilespmem:$0x1E200] =	vst v63  }
0x9e: {  	_ =	swait.ge [sflag:s24], $0x280  }
0x9f: {  	[sflag:s24] =	ssyncset.done $0x0  }
0xa0: {  	s29 =	simm.s32 $0x1AB00;
	[sflag:s24] =	ssyncadd.s32 $0xFFFFFD80  }
0xa1: {  	[tilespmem:s29], [sflag:$0x1] =	stream.linear.gather [spmem:s17], $0x280, $0x38;
	[tilespmem:$0x1E200] =	vst v63  }
0xa2: {  	_ =	swait.ge [sflag:s24], $0x280  }
0xa3: {  	[sflag:s24] =	ssyncset.done $0x0  }
0xa4: {  	s26 =	simm.s32 $0x1AD80;
	[sflag:s24] =	ssyncadd.s32 $0xFFFFFD80  }
0xa5: {  	[tilespmem:s26], [sflag:$0x1] =	stream.linear.gather [spmem:s18], $0x280, $0x38;
	[tilespmem:$0x1E200] =	vst v63  }
0xa6: {  	_ =	swait.ge [sflag:s24], $0x280  }
0xa7: {  	[sflag:s24] =	ssyncset.done $0x0  }
0xa8: {  	s28 =	simm.s32 $0x1B000;
	[sflag:s24] =	ssyncadd.s32 $0xFFFFFD80  }
0xa9: {  	[tilespmem:s28], [sflag:$0x1] =	stream.linear.gather [spmem:s19], $0x280, $0x38;
	[tilespmem:$0x1E200] =	vst v63  }
0xaa: {  	_ =	swait.ge [sflag:s24], $0x280  }
0xab: {  	[sflag:s24] =	ssyncset.done $0x0  }
0xac: {  	s29 =	simm.s32 $0x1B280;
	[sflag:s24] =	ssyncadd.s32 $0xFFFFFD80  }
0xad: {  	[tilespmem:s29], [sflag:$0x1] =	stream.linear.gather [spmem:s20], $0x280, $0x38;
	[tilespmem:$0x1E200] =	vst v63  }
0xae: {  	_ =	swait.ge [sflag:s24], $0x280  }
0xaf: {  	[sflag:s24] =	ssyncset.done $0x0  }
0xb0: {  	s26 =	simm.s32 $0x1B500;
	[sflag:s24] =	ssyncadd.s32 $0xFFFFFD80  }
0xb1: {  	[tilespmem:s26], [sflag:$0x1] =	stream.linear.gather [spmem:s21], $0x280, $0x38;
	[tilespmem:$0x1E200] =	vst v63  }
0xb2: {  	_ =	swait.ge [sflag:s24], $0x280  }
0xb3: {  	[sflag:s24] =	ssyncset.done $0x0  }
0xb4: {  	[sflag:s24] =	ssyncadd.s32 $0xFFFFFD80  }
0xb5: {  	s28 =	simm.s32 $0x0;
	v2 =	vld [tilespmem:s0+$0x0]  }
0xb6: {  	s29 =	sand.u32 $0x3F0, s28  }
0xb7: {  	v3 =	vld [tilespmem:s29+$0x19200];
	_ =	sdelay $0x1  }
0xb8: {  	v54 =	vld [tilespmem:s29+$0x19480]  }
0xb9: {  	v2 =	vadd.f32 $0.0e+00, v2  }
0xba: {  	v55 =	vld [tilespmem:s29+$0x19700]  }
0xbb: {  	v2 =	vadd.f32 v3, v2  }
0xbc: {  	v3 =	vld [tilespmem:s29+$0x19980]  }
0xbd: {  	v2 =	vadd.f32 v54, v2  }
0xbe: {  	v56 =	vld [tilespmem:s29+$0x19C00]  }
0xbf: {  	v2 =	vadd.f32 v55, v2  }
0xc0: {  	v57 =	vld [tilespmem:s29+$0x19E80]  }
0xc1: {  	v2 =	vadd.f32 v3, v2  }
0xc2: {  	v3 =	vld [tilespmem:s29+$0x1A100]  }
0xc3: {  	v2 =	vadd.f32 v56, v2  }
0xc4: {  	v58 =	vld [tilespmem:s29+$0x1A380]  }
0xc5: {  	v2 =	vadd.f32 v57, v2  }
0xc6: {  	v59 =	vld [tilespmem:s29+$0x1A600]  }
0xc7: {  	v2 =	vadd.f32 v3, v2  }
0xc8: {  	v3 =	vld [tilespmem:s29+$0x1A880]  }
0xc9: {  	v2 =	vadd.f32 v58, v2  }
0xca: {  	v60 =	vld [tilespmem:s29+$0x1AB00]  }
0xcb: {  	v2 =	vadd.f32 v59, v2  }
0xcc: {  	v61 =	vld [tilespmem:s29+$0x1AD80]  }
0xcd: {  	v2 =	vadd.f32 v3, v2  }
0xce: {  	v3 =	vld [tilespmem:s29+$0x1B000]  }
0xcf: {  	v2 =	vadd.f32 v60, v2  }
0xd0: {  	v62 =	vld [tilespmem:s29+$0x1B280]  }
0xd1: {  	v2 =	vadd.f32 v61, v2  }
0xd2: {  	v63 =	vld [tilespmem:s29+$0x1B500]  }
0xd3: {  	v2 =	vadd.f32 v3, v2;
	_ =	sdelay $0x1  }
0xd4: {  	v2 =	vadd.f32 v62, v2;
	_ =	sdelay $0x1  }
0xd5: {  	v2 =	vadd.f32 v63, v2  }
0xd6: {  	s31 =	simm.s32 $0x1B780  }
0xd7: {  	s1 =	simm.s32 $0x18F90;
	[tilespmem:s31+$0x0] =	vst v2  }
0xd8: {  	s26 =	simm.s32 $0x20;
	s0 =	simm.s32 $0x10;
	v2 =	vld [tilespmem:s1+$0x0]  }
.LBB2_6:
0xd9: {  	p0 =	sne.s32 s26, $0x270;
	s28 =	sand.u32 $0x3F0, s0;
	s0 =	smov.u32 s26  }
0xda: {  	v3 =	vld [tilespmem:s28+$0x19200];
	_ =	sdelay $0x1  }
0xdb: {  	v4 =	vld [tilespmem:s28+$0x19480]  }
0xdc: {  	v2 =	vadd.f32 $0.0e+00, v2  }
0xdd: {  	v5 =	vld [tilespmem:s28+$0x19700]  }
0xde: {  	v2 =	vadd.f32 v3, v2  }
0xdf: {  	v3 =	vld [tilespmem:s28+$0x19980]  }
0xe0: {  	v2 =	vadd.f32 v4, v2  }
0xe1: {  	v4 =	vld [tilespmem:s28+$0x19C00]  }
0xe2: {  	v2 =	vadd.f32 v5, v2  }
0xe3: {  	v5 =	vld [tilespmem:s28+$0x19E80]  }
0xe4: {  	v2 =	vadd.f32 v3, v2  }
0xe5: {  	v3 =	vld [tilespmem:s28+$0x1A100]  }
0xe6: {  	v2 =	vadd.f32 v4, v2  }
0xe7: {  	v4 =	vld [tilespmem:s28+$0x1A380]  }
0xe8: {  	v2 =	vadd.f32 v5, v2  }
0xe9: {  	v5 =	vld [tilespmem:s28+$0x1A600]  }
0xea: {  	v2 =	vadd.f32 v3, v2  }
0xeb: {  	v3 =	vld [tilespmem:s28+$0x1A880]  }
0xec: {  	v2 =	vadd.f32 v4, v2  }
0xed: {  	v4 =	vld [tilespmem:s28+$0x1AB00]  }
0xee: {  	v2 =	vadd.f32 v5, v2  }
0xef: {  	v5 =	vld [tilespmem:s28+$0x1AD80]  }
0xf0: {  	v2 =	vadd.f32 v3, v2  }
0xf1: {  	v3 =	vld [tilespmem:s28+$0x1B000]  }
0xf2: {  	v2 =	vadd.f32 v4, v2  }
0xf3: {  	v4 =	vld [tilespmem:s28+$0x1B280]  }
0xf4: {  	v2 =	vadd.f32 v5, v2  }
0xf5: {  	v5 =	vld [tilespmem:s28+$0x1B500]  }
0xf6: {  	v2 =	vadd.f32 v3, v2;
	_ =	sdelay $0x1  }
0xf7: {  	v2 =	vadd.f32 v4, v2  }
.Ltmp2:
0xf8: {  	(pc) =	sbr.rel @p0 .LBB2_6-.Ltmp2, $4  }
0xf9: {  	v2 =	vadd.f32 v5, v2  }
0xfa: {  	s31 =	sadd.s32 $0x10, s31  }
0xfb: {  	s1 =	sadd.s32 $0x10, s1;
	[tilespmem:s31+$0x0] =	vst v2  }
0xfc: {  	s26 =	sadd.s32 $0x10, s26;
	v2 =	vld [tilespmem:s1+$0x0]  }
0xfd: {  	s0 =	sand.u32 $0x3F0, s0  }
0xfe: {  	v3 =	vld [tilespmem:s0+$0x19200];
	_ =	sdelay $0x1  }
0xff: {  	v4 =	vld [tilespmem:s0+$0x19480]  }
0x100: {  	v2 =	vadd.f32 $0.0e+00, v2  }
0x101: {  	v5 =	vld [tilespmem:s0+$0x19700]  }
0x102: {  	v2 =	vadd.f32 v3, v2  }
0x103: {  	v3 =	vld [tilespmem:s0+$0x19980]  }
0x104: {  	v2 =	vadd.f32 v4, v2  }
0x105: {  	v56 =	vld [tilespmem:s0+$0x19C00]  }
0x106: {  	v2 =	vadd.f32 v5, v2  }
0x107: {  	v57 =	vld [tilespmem:s0+$0x19E80]  }
0x108: {  	v2 =	vadd.f32 v3, v2  }
0x109: {  	v3 =	vld [tilespmem:s0+$0x1A100]  }
0x10a: {  	v2 =	vadd.f32 v56, v2  }
0x10b: {  	v58 =	vld [tilespmem:s0+$0x1A380]  }
0x10c: {  	v2 =	vadd.f32 v57, v2  }
0x10d: {  	v59 =	vld [tilespmem:s0+$0x1A600]  }
0x10e: {  	v2 =	vadd.f32 v3, v2  }
0x10f: {  	v3 =	vld [tilespmem:s0+$0x1A880]  }
0x110: {  	v2 =	vadd.f32 v58, v2  }
0x111: {  	v60 =	vld [tilespmem:s0+$0x1AB00]  }
0x112: {  	v2 =	vadd.f32 v59, v2  }
0x113: {  	v61 =	vld [tilespmem:s0+$0x1AD80]  }
0x114: {  	v2 =	vadd.f32 v3, v2  }
0x115: {  	v3 =	vld [tilespmem:s0+$0x1B000]  }
0x116: {  	v2 =	vadd.f32 v60, v2  }
0x117: {  	v62 =	vld [tilespmem:s0+$0x1B280]  }
0x118: {  	v2 =	vadd.f32 v61, v2  }
0x119: {  	v63 =	vld [tilespmem:s0+$0x1B500]  }
0x11a: {  	v2 =	vadd.f32 v3, v2;
	_ =	sdelay $0x1  }
0x11b: {  	v2 =	vadd.f32 v62, v2;
	_ =	sdelay $0x1  }
0x11c: {  	s30 =	sadd.s32 $0x1, s30;
	v2 =	vadd.f32 v63, v2  }
0x11d: {  	s29 =	sadd.s32 $0x10, s31;
	p0 =	sne.s32 s30, s23  }
.Ltmp3:
0x11e: {  	s31 =	simm.s32 $0x1B780;
	[tilespmem:s29+$0x0] =	vst v2;
	(pc) =	sbr.rel @p0 .LBB2_1-.Ltmp3, $4  }
0x11f: {  	[hbm4b:s22+s2] =	stream.linear.scatter [tilespmem:s31], [sflag:$0x1], $0x280, $0x38;
	[tilespmem:$0x1E200] =	vst v63  }
0x120: {  	_ =	swait.ge [sflag:s24], $0x280  }
0x121: {  	[sflag:s24] =	ssyncset.done $0x0  }
0x122: {  	[sflag:s24] =	ssyncadd.s32 $0xFFFFFD80  }
0x123: {  	_ =	sfence.sel $0x180000  }
0x124: {  	[bflag:$0x0] =	sbarrier.arrive $0xFFFF  }
0x125: {  	_ =	strace $0x90000047  }
0x126: {  	s0 =	stileid.u32;
	[bflag:$0x2] =	sbarrier.arrive $0xFFFF  }
0x127: {  	p0 =	sne.s32 s0, $0x0;
	s0 =	rddreg [dreg:$0x2]  }
0x128: {  	s0 =	sadd.s32 @!p0 $0x100000, s0  }
0x129: {  	[sflag:s0] =	ssyncadd.tile.s32 @!p0 $0x1;
	_ =	shalt  }
.Lfunc_end2:
_tile_overlayer_lowered:
.L_overlay_start_2:
0x12a: {  	(tag) =	ssettag $0x2  }
0x12b: {  	s0 =	rddreg [dreg:$0x0];
	s2 =	stileid.u32  }
0x12c: {  	s1 =	rddreg [dreg:$0x1];
	p0 =	sne.s32 s2, $0x0  }
0x12d: {  	s3 =	rddreg [dreg:$0x2];
	[bflag:$0x3] =	sbarrier.arrive $0xFFFF;
	s2 =	simm.s32 @!p0 $0x1C01  }
0x12e: {  	[timem:s3], [sflag:s2] =	dma.local @!p0 [hbm:s0], s1  }
0x12f: {  	s0 =	simm.s32 @!p0 $0x1  }
0x130: {  	_ =	swait.ge @!p0 [sflag:s0], s1  }
0x131: {  	s1 =	ssub.s32 @!p0 $0x0, s1;
	[sflag:s0] =	ssyncset.done @!p0 $0x0  }
0x132: {  	[sflag:s0] =	ssyncadd.s32 @!p0 s1  }
0x133: {  	[bflag:$0x3] =	sbarrier.arrive $0xFFFF  }
0x134: {  	_ =	shalt  }

</sc_bundles>
